<compile_context>
chip_gen: v7x
topology: tpu7x:2x2x1
jax: 0.10.2.dev20260603
libtpu: 0.0.44.dev20260713+nightly
codegen_flags: <defaults>
</compile_context>

<pallas_src>
import functools

import jax
import jax.numpy as jnp
from jax import lax
from jax.experimental import pallas as pl
from jax.experimental.pallas import tpu as pltpu
from jax.experimental.pallas import tpu_sc as plsc

_N = 10000
_E = 320000
_D = 128

_NC = 2
_NS = 16
_NW = _NC * _NS
_EPW = _E // _NW
_K = 80
_NFULL = _EPW // _K
_KT = _K
_RQ = 624
_TAIL = _N - _NS * _RQ

_mesh = plsc.VectorSubcoreMesh(core_axis_name="c", subcore_axis_name="s")
_sc_params = pltpu.CompilerParams(needs_layout_passes=False)



_ECH = 2000


@functools.partial(
    pl.kernel,
    mesh=_mesh,
    out_type=jax.ShapeDtypeStruct((_NW, 1, _N), jnp.float32),
    scratch_types=[
        pltpu.VMEM((_ECH,), jnp.int32),
        pltpu.VMEM((1, _N), jnp.float32),
    ],
    compiler_params=_sc_params,
)
def _deg_sc(dst_hbm, out_hbm, idx_v, deg_v):
    c = lax.axis_index("c")
    s = lax.axis_index("s")
    wid = s * _NC + c

    @pl.loop(0, _N, step=16)
    def _(i):
        deg_v[0, pl.ds(i, 16)] = jnp.zeros((16,), jnp.float32)

    row0 = jnp.zeros((16,), jnp.int32)
    ones = jnp.ones((16,), jnp.float32)

    @pl.loop(0, _EPW, step=_ECH)
    def _(eb):
        pltpu.sync_copy(dst_hbm.at[pl.ds(wid * _EPW + eb, _ECH)], idx_v)

        @pl.loop(0, _ECH, step=16)
        def _(j):
            idx16 = idx_v[pl.ds(j, 16)]
            plsc.addupdate_scatter(deg_v, [row0, idx16], ones)

    pltpu.sync_copy(deg_v, out_hbm.at[wid])


_NBUF = 4
_TOUT = _NFULL // _NBUF


@functools.partial(
    pl.kernel,
    mesh=_mesh,
    out_type=jax.ShapeDtypeStruct((_NC, _N, _D), jnp.float32),
    scratch_types=[
        pltpu.VMEM((_NBUF, _K), jnp.int32),
        pltpu.VMEM((_NBUF, _K), jnp.int32),
        pltpu.VMEM((_KT,), jnp.int32),
        pltpu.VMEM((_KT,), jnp.int32),
        pltpu.VMEM((_NBUF, _K, _D), jnp.float32),
        pltpu.VMEM_SHARED((_N, _D), jnp.float32),
        pltpu.SemaphoreType.DMA((_NBUF,)),
        pltpu.SemaphoreType.DMA((_NBUF,)),
        pltpu.SemaphoreType.DMA((_NBUF,)),
        pltpu.SemaphoreType.DMA((_NBUF,)),
    ],
)
def _edge_sc(h_hbm, src_hbm, dst_hbm, out_hbm, src_v, dst_v, srct_v, dstt_v,
             rows_v, acc_sh, sem_is, sem_id, sem_g, sem_sc):
    c = lax.axis_index("c")
    s = lax.axis_index("s")
    wid = s * _NC + c
    ebase = wid * _EPW

    pltpu.sync_copy(h_hbm.at[pl.ds(s * _RQ, _RQ)],
                    acc_sh.at[pl.ds(s * _RQ, _RQ)])

    @pl.when(s == _NS - 1)
    def _():
        pltpu.sync_copy(h_hbm.at[pl.ds(_NS * _RQ, _TAIL)],
                        acc_sh.at[pl.ds(_NS * _RQ, _TAIL)])

    plsc.subcore_barrier()

    for b in range(_NBUF):
        pltpu.async_copy(src_hbm.at[pl.ds(ebase + b * _K, _K)],
                         src_v.at[b], sem_is.at[b])
        pltpu.async_copy(dst_hbm.at[pl.ds(ebase + b * _K, _K)],
                         dst_v.at[b], sem_id.at[b])

    @pl.loop(0, _TOUT)
    def _(t):
        for b in range(_NBUF):
            pltpu.make_async_copy(src_hbm.at[pl.ds(0, _K)],
                                  src_v.at[b], sem_is.at[b]).wait()
            pltpu.async_copy(h_hbm.at[src_v.at[b]], rows_v.at[b], sem_g.at[b])

        for b in range(_NBUF):
            pltpu.make_async_copy(h_hbm.at[src_v.at[b]],
                                  rows_v.at[b], sem_g.at[b]).wait()
            pltpu.make_async_copy(src_hbm.at[pl.ds(0, _K)],
                                  dst_v.at[b], sem_id.at[b]).wait()
            pltpu.async_copy(rows_v.at[b], acc_sh.at[dst_v.at[b]],
                             sem_sc.at[b], add=True)

        for b in range(_NBUF):
            pltpu.make_async_copy(rows_v.at[b], acc_sh.at[pl.ds(0, _K)],
                                  sem_sc.at[b]).wait()

            @pl.when(t < _TOUT - 1)
            def _():
                nxt = ebase + (t + 1) * _NBUF * _K + b * _K
                pltpu.async_copy(src_hbm.at[pl.ds(nxt, _K)],
                                 src_v.at[b], sem_is.at[b])
                pltpu.async_copy(dst_hbm.at[pl.ds(nxt, _K)],
                                 dst_v.at[b], sem_id.at[b])

    tbase = ebase + _NBUF * _TOUT * _K
    pltpu.async_copy(src_hbm.at[pl.ds(tbase, _KT)], srct_v, sem_is.at[0])
    pltpu.async_copy(dst_hbm.at[pl.ds(tbase, _KT)], dstt_v, sem_id.at[0])
    trows = rows_v.at[0].at[pl.ds(0, _KT)]
    pltpu.make_async_copy(src_hbm.at[pl.ds(0, _KT)],
                          srct_v, sem_is.at[0]).wait()
    pltpu.async_copy(h_hbm.at[srct_v], trows, sem_g.at[0])
    pltpu.make_async_copy(h_hbm.at[srct_v], trows, sem_g.at[0]).wait()
    pltpu.make_async_copy(src_hbm.at[pl.ds(0, _KT)],
                          dstt_v, sem_id.at[0]).wait()
    pltpu.sync_copy(trows, acc_sh.at[dstt_v], add=True)

    plsc.subcore_barrier()
    pltpu.sync_copy(acc_sh.at[pl.ds(s * _RQ, _RQ)],
                    out_hbm.at[c, pl.ds(s * _RQ, _RQ)])

    @pl.when(s == _NS - 1)
    def _():
        pltpu.sync_copy(acc_sh.at[pl.ds(_NS * _RQ, _TAIL)],
                        out_hbm.at[c, pl.ds(_NS * _RQ, _TAIL)])



def _prep_body(degt_ref, x_ref, w0_ref, isq_ref, h0_ref):
    deg = jnp.sum(degt_ref[...], axis=1, keepdims=True) + 1.0
    isq = lax.rsqrt(deg)
    isq_ref[...] = isq
    h0 = jnp.dot(x_ref[...], w0_ref[...], preferred_element_type=jnp.float32)
    h0_ref[...] = h0 * isq


_prep_tc = pl.pallas_call(
    _prep_body,
    out_shape=(
        jax.ShapeDtypeStruct((_N, 1), jnp.float32),
        jax.ShapeDtypeStruct((_N, _D), jnp.float32),
    ),
)


def _mid_body(p_ref, h0_ref, isq_ref, b0_ref, w1_ref, h1_ref):
    isq = isq_ref[...]
    agg = p_ref[0] + p_ref[1] - h0_ref[...]
    h = jax.nn.relu(agg * isq + b0_ref[...])
    h1 = jnp.dot(h, w1_ref[...], preferred_element_type=jnp.float32)
    h1_ref[...] = h1 * isq


_mid_tc = pl.pallas_call(
    _mid_body,
    out_shape=jax.ShapeDtypeStruct((_N, _D), jnp.float32),
)


def _final_body(q_ref, h1_ref, isq_ref, b1_ref, out_ref):
    agg = q_ref[0] + q_ref[1] - h1_ref[...]
    out_ref[...] = agg * isq_ref[...] + b1_ref[...]


_final_tc = pl.pallas_call(
    _final_body,
    out_shape=jax.ShapeDtypeStruct((_N, _D), jnp.float32),
)



def kernel(x, edge_index, W0, b0, W1, b1):
    src = edge_index[0]
    dst = edge_index[1]
    deg_p = _deg_sc(dst)
    degt = jnp.transpose(deg_p[:, 0, :])
    isq, h0 = _prep_tc(degt, x, W0)
    p = _edge_sc(h0, src, dst)
    h1 = _mid_tc(p, h0, isq, b0, W1)
    q = _edge_sc(h1, src, dst)
    return _final_tc(q, h1, isq, b1)

# --- scband reference (transcript-rebuilt; emitter-appended) ---
"""Pipeline reference for scband-gcnnet-79173427134951 (READ-ONLY COPY).

The authoritative reference and input builder live on the scoring server;
editing this copy changes nothing except your own understanding.
"""

import jax, jax.numpy as jnp
import numpy as np

N = 10000
E = 320000
D = 128

def setup_inputs(seed: int = 0) -> dict:
    key = jax.random.key(seed)
    k1, k2, k3, k4, k5, k6 = jax.random.split(key, 6)
    x = jax.random.normal(k1, (N, D), dtype=jnp.float32)
    edge_index = jax.random.randint(k2, (2, E), 0, N, dtype=jnp.int32)
    W0 = jax.random.normal(k3, (D, D), dtype=jnp.float32) * 0.05
    b0 = jnp.zeros((D,), dtype=jnp.float32)
    W1 = jax.random.normal(k4, (D, D), dtype=jnp.float32) * 0.05
    b1 = jnp.zeros((D,), dtype=jnp.float32)
    return {"x": x, "edge_index": edge_index, "W0": W0, "b0": b0, "W1": W1, "b1": b1}


def reference(x, edge_index, W0, b0, W1, b1):
    # GCN stack: 2 layers of symmetric-normalized graph convolution with self-loops,
    # ReLU between layers. Dropout is identity in eval mode.
    src = edge_index[0]
    dst = edge_index[1]
    loop = jnp.arange(N, dtype=src.dtype)
    src = jnp.concatenate([src, loop])
    dst = jnp.concatenate([dst, loop])
    ones = jnp.ones_like(dst, dtype=x.dtype)
    deg = jax.ops.segment_sum(ones, dst, num_segments=N)
    inv_sqrt = jnp.where(deg > 0, 1.0 / jnp.sqrt(deg), 0.0)
    norm = inv_sqrt[src] * inv_sqrt[dst]

    def conv(h, W, b):
        h = h @ W
        msgs = h[src] * norm[:, None]
        agg = jax.ops.segment_sum(msgs, dst, num_segments=N)
        return agg + b

    h = jax.nn.relu(conv(x, W0, b0))
    out = conv(h, W1, b1)
    return out

if __name__ == "__main__":
    import jax
    _d = setup_inputs()
    print(jax.jit(kernel)(*tuple(_d.values())))

</pallas_src>

<mosaic_0001>
#map = affine_map<(d0, d1) -> (0)>
#map1 = affine_map<(d0, d1) -> (0, 0, 0)>
module attributes {stable_mosaic.version = 14 : i64} {
  func.func @_deg_sc(%arg0: i32, %arg1: i32, %arg2: memref<320000xi32, #tpu.memory_space<hbm>>, %arg3: memref<32x1x10000xf32, #tpu.memory_space<hbm>>, %arg4: memref<2000xi32, #tpu.memory_space<vmem>>, %arg5: memref<1x10000xf32, #tpu.memory_space<vmem>>) attributes {dimension_semantics = [#tpu.dimension_semantics<core_parallel>, #tpu.dimension_semantics<subcore_parallel>], iteration_bounds = array<i64: 2, 16>, scalar_prefetch = 0 : i64, scratch_operands = 2 : i64, tpu.core_type = #tpu.core_type<sc_vector_subcore>, window_params = [{transform_indices = #map}, {transform_indices = #map1}]} {
    %mul3A = arith.constant 2 : i32
    %mul3A_0 = arith.muli %arg1, %mul3A : i32
    %add3A = arith.addi %mul3A_0, %arg0 : i32
    %scan3A = arith.constant 0 : i32
    %scan3A_1 = arith.constant 625 : i32
    %scan3A_2 = arith.addi %scan3A, %scan3A_1 : i32
    %scan3A_3 = arith.constant 1 : i32
    scf.for %scan3A_13 = %scan3A to %scan3A_2 step %scan3A_3  : i32 {
      %mul3A_14 = arith.constant 16 : i32
      %mul3A_15 = arith.muli %scan3A_13, %mul3A_14 : i32
      %add3A_16 = arith.constant 0 : i32
      %add3A_17 = arith.addi %add3A_16, %mul3A_15 : i32
      %broadcast_in_dim3A_18 = arith.constant 0.000000e+00 : f32
      %broadcast_in_dim3A_19 = vector.broadcast %broadcast_in_dim3A_18 : f32 to vector<16xf32>
      %swap3A = arith.constant 0 : i32
      %swap3A_20 = arith.index_cast %swap3A : i32 to index
      %swap3A_21 = arith.index_cast %add3A_17 : i32 to index
      %swap3A_22 = tpu.vector_load %arg5[%swap3A_20, %swap3A_21] {strides = array<i32>} : memref<1x10000xf32, #tpu.memory_space<vmem>>, vector<16xf32>,
      tpu.vector_store %arg5[%swap3A_20, %swap3A_21], %broadcast_in_dim3A_19 {strides = array<i32>} : memref<1x10000xf32, #tpu.memory_space<vmem>>, vector<16xf32>,
    }
    %scan3A_4 = arith.constant 625 : i32
    %broadcast_in_dim3A = arith.constant 0 : i32
    %broadcast_in_dim3A_5 = vector.broadcast %broadcast_in_dim3A : i32 to vector<16xi32>
    %broadcast_in_dim3A_6 = arith.constant 1.000000e+00 : f32
    %broadcast_in_dim3A_7 = vector.broadcast %broadcast_in_dim3A_6 : f32 to vector<16xf32>
    %scan3A_8 = arith.constant 0 : i32
    %scan3A_9 = arith.constant 5 : i32
    %scan3A_10 = arith.addi %scan3A_8, %scan3A_9 : i32
    %scan3A_11 = arith.constant 1 : i32
    scf.for %scan3A_13 = %scan3A_8 to %scan3A_10 step %scan3A_11  : i32 {
      %mul3A_14 = arith.constant 2000 : i32
      %mul3A_15 = arith.muli %scan3A_13, %mul3A_14 : i32
      %add3A_16 = arith.constant 0 : i32
      %add3A_17 = arith.addi %add3A_16, %mul3A_15 : i32
      %mul3A_18 = arith.constant 10000 : i32
      %mul3A_19 = arith.muli %add3A, %mul3A_18 : i32
      %add3A_20 = arith.addi %mul3A_19, %add3A_17 : i32
      "tpu.region"() ({
        %run_scoped3A = tpu.sem_alloc : memref<!tpu.dma_semaphore, #tpu.memory_space<semaphore_mem>>
        %dma_start3A = tpu.memref_slice %arg2[%add3A_20] : memref<320000xi32, #tpu.memory_space<hbm>> -> memref<2000xi32, #tpu.memory_space<hbm>>
        %dma_start3A_26 = tpu.memref_slice %arg2[%add3A_20] : memref<320000xi32, #tpu.memory_space<hbm>> -> memref<2000xi32, #tpu.memory_space<hbm>>
        tpu.enqueue_dma source(%dma_start3A_26 : memref<2000xi32, #tpu.memory_space<hbm>>) target(%arg4 : memref<2000xi32, #tpu.memory_space<vmem>>) target_semaphore(%run_scoped3A : memref<!tpu.dma_semaphore, #tpu.memory_space<semaphore_mem>>)
        %dma_wait3A = tpu.memref_slice %arg2[%add3A_20] : memref<320000xi32, #tpu.memory_space<hbm>> -> memref<2000xi32, #tpu.memory_space<hbm>>
        %dma_wait3A_27 = tpu.memref_slice %arg2[%add3A_20] : memref<320000xi32, #tpu.memory_space<hbm>> -> memref<2000xi32, #tpu.memory_space<hbm>>
        tpu.wait_dma2 semaphore(%run_scoped3A : memref<!tpu.dma_semaphore, #tpu.memory_space<semaphore_mem>>) src(%dma_wait3A_27 : memref<2000xi32, #tpu.memory_space<hbm>>) dst(%arg4 : memref<2000xi32, #tpu.memory_space<vmem>>)
        tpu.yield
      }) : () -> ()
      %scan3A_21 = arith.constant 0 : i32
      %scan3A_22 = arith.constant 125 : i32
      %scan3A_23 = arith.addi %scan3A_21, %scan3A_22 : i32
      %scan3A_24 = arith.constant 1 : i32
      scf.for %scan3A_26 = %scan3A_21 to %scan3A_23 step %scan3A_24  : i32 {
        %mul3A_27 = arith.constant 16 : i32
        %mul3A_28 = arith.muli %scan3A_26, %mul3A_27 : i32
        %add3A_29 = arith.constant 0 : i32
        %add3A_30 = arith.addi %add3A_29, %mul3A_28 : i32
        %get3A = arith.index_cast %add3A_30 : i32 to index
        %get3A_31 = tpu.vector_load %arg4[%get3A] {strides = array<i32>} : memref<2000xi32, #tpu.memory_space<vmem>>, vector<16xi32>,
        tpu.vector_store_idx %arg5[%broadcast_in_dim3A_5, %get3A_31], %broadcast_in_dim3A_7 {add = true} : memref<1x10000xf32, #tpu.memory_space<vmem>>[vector<16xi32>, vector<16xi32>], vector<16xf32>,
      }
      %scan3A_25 = arith.constant 125 : i32
    }
    %scan3A_12 = arith.constant 5 : i32
    "tpu.region"() ({
      %run_scoped3A = tpu.sem_alloc : memref<!tpu.dma_semaphore, #tpu.memory_space<semaphore_mem>>
      %dma_start3A = arith.constant 0 : i32
      %dma_start3A_13 = arith.constant 0 : i32
      %dma_start3A_14 = tpu.memref_slice %arg3[%add3A, %dma_start3A, %dma_start3A_13] : memref<32x1x10000xf32, #tpu.memory_space<hbm>> -> memref<1x1x10000xf32, #tpu.memory_space<hbm>>
      %dma_start3A_15 = tpu.memref_squeeze %dma_start3A_14 : memref<1x1x10000xf32, #tpu.memory_space<hbm>> -> memref<1x10000xf32, #tpu.memory_space<hbm>>
      %dma_start3A_16 = arith.constant 0 : i32
      %dma_start3A_17 = arith.constant 0 : i32
      %dma_start3A_18 = tpu.memref_slice %arg3[%add3A, %dma_start3A_16, %dma_start3A_17] : memref<32x1x10000xf32, #tpu.memory_space<hbm>> -> memref<1x1x10000xf32, #tpu.memory_space<hbm>>
      %dma_start3A_19 = tpu.memref_squeeze %dma_start3A_18 : memref<1x1x10000xf32, #tpu.memory_space<hbm>> -> memref<1x10000xf32, #tpu.memory_space<hbm>>
      tpu.enqueue_dma source(%arg5 : memref<1x10000xf32, #tpu.memory_space<vmem>>) target(%dma_start3A_19 : memref<1x10000xf32, #tpu.memory_space<hbm>>) target_semaphore(%run_scoped3A : memref<!tpu.dma_semaphore, #tpu.memory_space<semaphore_mem>>)
      %dma_wait3A = arith.constant 0 : i32
      %dma_wait3A_20 = arith.constant 0 : i32
      %dma_wait3A_21 = tpu.memref_slice %arg3[%add3A, %dma_wait3A, %dma_wait3A_20] : memref<32x1x10000xf32, #tpu.memory_space<hbm>> -> memref<1x1x10000xf32, #tpu.memory_space<hbm>>
      %dma_wait3A_22 = tpu.memref_squeeze %dma_wait3A_21 : memref<1x1x10000xf32, #tpu.memory_space<hbm>> -> memref<1x10000xf32, #tpu.memory_space<hbm>>
      %dma_wait3A_23 = arith.constant 0 : i32
      %dma_wait3A_24 = arith.constant 0 : i32
      %dma_wait3A_25 = tpu.memref_slice %arg3[%add3A, %dma_wait3A_23, %dma_wait3A_24] : memref<32x1x10000xf32, #tpu.memory_space<hbm>> -> memref<1x1x10000xf32, #tpu.memory_space<hbm>>
      %dma_wait3A_26 = tpu.memref_squeeze %dma_wait3A_25 : memref<1x1x10000xf32, #tpu.memory_space<hbm>> -> memref<1x10000xf32, #tpu.memory_space<hbm>>
      tpu.wait_dma2 semaphore(%run_scoped3A : memref<!tpu.dma_semaphore, #tpu.memory_space<semaphore_mem>>) src(%arg5 : memref<1x10000xf32, #tpu.memory_space<vmem>>) dst(%dma_wait3A_26 : memref<1x10000xf32, #tpu.memory_space<hbm>>)
      tpu.yield
    }) : () -> ()
    return
  }
}

#map = affine_map<(d0, d1) -> (0, 0)>
#map1 = affine_map<(d0, d1) -> (0)>
#map2 = affine_map<(d0, d1) -> (0, 0, 0)>
module attributes {stable_mosaic.version = 14 : i64} {
  func.func @_edge_sc(%arg0: i32, %arg1: i32, %arg2: memref<10000x128xf32, #tpu.memory_space<hbm>>, %arg3: memref<320000xi32, #tpu.memory_space<hbm>>, %arg4: memref<320000xi32, #tpu.memory_space<hbm>>, %arg5: memref<2x10000x128xf32, #tpu.memory_space<hbm>>, %arg6: memref<4x80xi32, #tpu.memory_space<vmem>>, %arg7: memref<4x80xi32, #tpu.memory_space<vmem>>, %arg8: memref<80xi32, #tpu.memory_space<vmem>>, %arg9: memref<80xi32, #tpu.memory_space<vmem>>, %arg10: memref<4x80x128xf32, #tpu.memory_space<vmem>>, %arg11: memref<10000x128xf32, #tpu.memory_space<vmem_shared>>, %arg12: memref<4x!tpu.dma_semaphore, #tpu.memory_space<semaphore_mem>>, %arg13: memref<4x!tpu.dma_semaphore, #tpu.memory_space<semaphore_mem>>, %arg14: memref<4x!tpu.dma_semaphore, #tpu.memory_space<semaphore_mem>>, %arg15: memref<4x!tpu.dma_semaphore, #tpu.memory_space<semaphore_mem>>) attributes {dimension_semantics = [#tpu.dimension_semantics<core_parallel>, #tpu.dimension_semantics<subcore_parallel>], iteration_bounds = array<i64: 2, 16>, scalar_prefetch = 0 : i64, scratch_operands = 10 : i64, tpu.core_type = #tpu.core_type<sc_vector_subcore>, window_params = [{transform_indices = #map}, {transform_indices = #map1}, {transform_indices = #map1}, {transform_indices = #map2}]} {
    %mul3A = arith.constant 2 : i32
    %mul3A_0 = arith.muli %arg1, %mul3A : i32
    %add3A = arith.addi %mul3A_0, %arg0 : i32
    %mul3A_1 = arith.constant 10000 : i32
    %mul3A_2 = arith.muli %add3A, %mul3A_1 : i32
    %mul3A_3 = arith.constant 624 : i32
    %mul3A_4 = arith.muli %arg1, %mul3A_3 : i32
    %mul3A_5 = arith.constant 624 : i32
    %mul3A_6 = arith.muli %arg1, %mul3A_5 : i32
    "tpu.region"() ({
      %run_scoped3A_187 = tpu.sem_alloc : memref<!tpu.dma_semaphore, #tpu.memory_space<semaphore_mem>>
      %dma_start3A_188 = arith.constant 0 : i32
      %dma_start3A_189 = tpu.memref_slice %arg11[%mul3A_6, %dma_start3A_188] : memref<10000x128xf32, #tpu.memory_space<vmem_shared>> -> memref<624x128xf32, #tpu.memory_space<vmem_shared>>
      %dma_start3A_190 = arith.constant 0 : i32
      %dma_start3A_191 = tpu.memref_slice %arg2[%mul3A_4, %dma_start3A_190] : memref<10000x128xf32, #tpu.memory_space<hbm>> -> memref<624x128xf32, #tpu.memory_space<hbm>>
      tpu.enqueue_dma source(%dma_start3A_191 : memref<624x128xf32, #tpu.memory_space<hbm>>) target(%dma_start3A_189 : memref<624x128xf32, #tpu.memory_space<vmem_shared>>) target_semaphore(%run_scoped3A_187 : memref<!tpu.dma_semaphore, #tpu.memory_space<semaphore_mem>>)
      %dma_wait3A_192 = arith.constant 0 : i32
      %dma_wait3A_193 = tpu.memref_slice %arg11[%mul3A_6, %dma_wait3A_192] : memref<10000x128xf32, #tpu.memory_space<vmem_shared>> -> memref<624x128xf32, #tpu.memory_space<vmem_shared>>
      %dma_wait3A_194 = arith.constant 0 : i32
      %dma_wait3A_195 = tpu.memref_slice %arg2[%mul3A_4, %dma_wait3A_194] : memref<10000x128xf32, #tpu.memory_space<hbm>> -> memref<624x128xf32, #tpu.memory_space<hbm>>
      tpu.wait_dma2 semaphore(%run_scoped3A_187 : memref<!tpu.dma_semaphore, #tpu.memory_space<semaphore_mem>>) src(%dma_wait3A_195 : memref<624x128xf32, #tpu.memory_space<hbm>>) dst(%dma_wait3A_193 : memref<624x128xf32, #tpu.memory_space<vmem_shared>>)
      tpu.yield
    }) : () -> ()
    %eq3A = arith.constant 15 : i32
    %eq3A_7 = arith.cmpi eq, %arg1, %eq3A : i32
    %convert_element_type3A = arith.extui %eq3A_7 : i1 to i32
    %cond3A = arith.constant 0 : i32
    %cond3A_8 = arith.cmpi ne, %convert_element_type3A, %cond3A : i32
    scf.if %cond3A_8 {
      "tpu.region"() ({
        %run_scoped3A_187 = tpu.sem_alloc : memref<!tpu.dma_semaphore, #tpu.memory_space<semaphore_mem>>
        %dma_start3A_188 = arith.constant 9984 : i32
        %dma_start3A_189 = arith.constant 0 : i32
        %dma_start3A_190 = tpu.memref_slice %arg11[%dma_start3A_188, %dma_start3A_189] : memref<10000x128xf32, #tpu.memory_space<vmem_shared>> -> memref<16x128xf32, #tpu.memory_space<vmem_shared>>
        %dma_start3A_191 = arith.constant 9984 : i32
        %dma_start3A_192 = arith.constant 0 : i32
        %dma_start3A_193 = tpu.memref_slice %arg2[%dma_start3A_191, %dma_start3A_192] : memref<10000x128xf32, #tpu.memory_space<hbm>> -> memref<16x128xf32, #tpu.memory_space<hbm>>
        tpu.enqueue_dma source(%dma_start3A_193 : memref<16x128xf32, #tpu.memory_space<hbm>>) target(%dma_start3A_190 : memref<16x128xf32, #tpu.memory_space<vmem_shared>>) target_semaphore(%run_scoped3A_187 : memref<!tpu.dma_semaphore, #tpu.memory_space<semaphore_mem>>)
        %dma_wait3A_194 = arith.constant 9984 : i32
        %dma_wait3A_195 = arith.constant 0 : i32
        %dma_wait3A_196 = tpu.memref_slice %arg11[%dma_wait3A_194, %dma_wait3A_195] : memref<10000x128xf32, #tpu.memory_space<vmem_shared>> -> memref<16x128xf32, #tpu.memory_space<vmem_shared>>
        %dma_wait3A_197 = arith.constant 9984 : i32
        %dma_wait3A_198 = arith.constant 0 : i32
        %dma_wait3A_199 = tpu.memref_slice %arg2[%dma_wait3A_197, %dma_wait3A_198] : memref<10000x128xf32, #tpu.memory_space<hbm>> -> memref<16x128xf32, #tpu.memory_space<hbm>>
        tpu.wait_dma2 semaphore(%run_scoped3A_187 : memref<!tpu.dma_semaphore, #tpu.memory_space<semaphore_mem>>) src(%dma_wait3A_199 : memref<16x128xf32, #tpu.memory_space<hbm>>) dst(%dma_wait3A_196 : memref<16x128xf32, #tpu.memory_space<vmem_shared>>)
        tpu.yield
      }) : () -> ()
    } else {
    }
    %barrier3A = arith.constant 0 : index
    tpu.barrier barrier_id(%barrier3A)
    %add3A_9 = arith.constant 0 : i32
    %add3A_10 = arith.addi %mul3A_2, %add3A_9 : i32
    %dma_start3A = arith.constant 0 : i32
    %dma_start3A_11 = arith.constant 0 : i32
    %dma_start3A_12 = arith.constant 0 : i32
    %dma_start3A_13 = tpu.memref_slice %arg6[%dma_start3A, %dma_start3A_12] : memref<4x80xi32, #tpu.memory_space<vmem>> -> memref<1x80xi32, #tpu.memory_space<vmem>>
    %dma_start3A_14 = tpu.memref_squeeze %dma_start3A_13 : memref<1x80xi32, #tpu.memory_space<vmem>> -> memref<80xi32, #tpu.memory_space<vmem>>
    %dma_start3A_15 = tpu.memref_slice %arg3[%add3A_10] : memref<320000xi32, #tpu.memory_space<hbm>> -> memref<80xi32, #tpu.memory_space<hbm>>
    %dma_start3A_16 = tpu.memref_slice %arg12[%dma_start3A_11] : memref<4x!tpu.dma_semaphore, #tpu.memory_space<semaphore_mem>> -> memref<1x!tpu.dma_semaphore, #tpu.memory_space<semaphore_mem>>
    %dma_start3A_17 = tpu.memref_squeeze %dma_start3A_16 : memref<1x!tpu.dma_semaphore, #tpu.memory_space<semaphore_mem>> -> memref<!tpu.dma_semaphore, #tpu.memory_space<semaphore_mem>>
    %dma_start3A_18 = arith.constant 0 : i32
    %dma_start3A_19 = tpu.memref_slice %arg6[%dma_start3A, %dma_start3A_18] : memref<4x80xi32, #tpu.memory_space<vmem>> -> memref<1x80xi32, #tpu.memory_space<vmem>>
    %dma_start3A_20 = tpu.memref_squeeze %dma_start3A_19 : memref<1x80xi32, #tpu.memory_space<vmem>> -> memref<80xi32, #tpu.memory_space<vmem>>
    %dma_start3A_21 = tpu.memref_slice %arg3[%add3A_10] : memref<320000xi32, #tpu.memory_space<hbm>> -> memref<80xi32, #tpu.memory_space<hbm>>
    tpu.enqueue_dma source(%dma_start3A_21 : memref<80xi32, #tpu.memory_space<hbm>>) target(%dma_start3A_20 : memref<80xi32, #tpu.memory_space<vmem>>) target_semaphore(%dma_start3A_17 : memref<!tpu.dma_semaphore, #tpu.memory_space<semaphore_mem>>)
    %add3A_22 = arith.constant 0 : i32
    %add3A_23 = arith.addi %mul3A_2, %add3A_22 : i32
    %dma_start3A_24 = arith.constant 0 : i32
    %dma_start3A_25 = arith.constant 0 : i32
    %dma_start3A_26 = arith.constant 0 : i32
    %dma_start3A_27 = tpu.memref_slice %arg7[%dma_start3A_24, %dma_start3A_26] : memref<4x80xi32, #tpu.memory_space<vmem>> -> memref<1x80xi32, #tpu.memory_space<vmem>>
    %dma_start3A_28 = tpu.memref_squeeze %dma_start3A_27 : memref<1x80xi32, #tpu.memory_space<vmem>> -> memref<80xi32, #tpu.memory_space<vmem>>
    %dma_start3A_29 = tpu.memref_slice %arg4[%add3A_23] : memref<320000xi32, #tpu.memory_space<hbm>> -> memref<80xi32, #tpu.memory_space<hbm>>
    %dma_start3A_30 = tpu.memref_slice %arg13[%dma_start3A_25] : memref<4x!tpu.dma_semaphore, #tpu.memory_space<semaphore_mem>> -> memref<1x!tpu.dma_semaphore, #tpu.memory_space<semaphore_mem>>
    %dma_start3A_31 = tpu.memref_squeeze %dma_start3A_30 : memref<1x!tpu.dma_semaphore, #tpu.memory_space<semaphore_mem>> -> memref<!tpu.dma_semaphore, #tpu.memory_space<semaphore_mem>>
    %dma_start3A_32 = arith.constant 0 : i32
    %dma_start3A_33 = tpu.memref_slice %arg7[%dma_start3A_24, %dma_start3A_32] : memref<4x80xi32, #tpu.memory_space<vmem>> -> memref<1x80xi32, #tpu.memory_space<vmem>>
    %dma_start3A_34 = tpu.memref_squeeze %dma_start3A_33 : memref<1x80xi32, #tpu.memory_space<vmem>> -> memref<80xi32, #tpu.memory_space<vmem>>
    %dma_start3A_35 = tpu.memref_slice %arg4[%add3A_23] : memref<320000xi32, #tpu.memory_space<hbm>> -> memref<80xi32, #tpu.memory_space<hbm>>
    tpu.enqueue_dma source(%dma_start3A_35 : memref<80xi32, #tpu.memory_space<hbm>>) target(%dma_start3A_34 : memref<80xi32, #tpu.memory_space<vmem>>) target_semaphore(%dma_start3A_31 : memref<!tpu.dma_semaphore, #tpu.memory_space<semaphore_mem>>)
    %add3A_36 = arith.constant 80 : i32
    %add3A_37 = arith.addi %mul3A_2, %add3A_36 : i32
    %dma_start3A_38 = arith.constant 1 : i32
    %dma_start3A_39 = arith.constant 1 : i32
    %dma_start3A_40 = arith.constant 0 : i32
    %dma_start3A_41 = tpu.memref_slice %arg6[%dma_start3A_38, %dma_start3A_40] : memref<4x80xi32, #tpu.memory_space<vmem>> -> memref<1x80xi32, #tpu.memory_space<vmem>>
    %dma_start3A_42 = tpu.memref_squeeze %dma_start3A_41 : memref<1x80xi32, #tpu.memory_space<vmem>> -> memref<80xi32, #tpu.memory_space<vmem>>
    %dma_start3A_43 = tpu.memref_slice %arg3[%add3A_37] : memref<320000xi32, #tpu.memory_space<hbm>> -> memref<80xi32, #tpu.memory_space<hbm>>
    %dma_start3A_44 = tpu.memref_slice %arg12[%dma_start3A_39] : memref<4x!tpu.dma_semaphore, #tpu.memory_space<semaphore_mem>> -> memref<1x!tpu.dma_semaphore, #tpu.memory_space<semaphore_mem>>
    %dma_start3A_45 = tpu.memref_squeeze %dma_start3A_44 : memref<1x!tpu.dma_semaphore, #tpu.memory_space<semaphore_mem>> -> memref<!tpu.dma_semaphore, #tpu.memory_space<semaphore_mem>>
    %dma_start3A_46 = arith.constant 0 : i32
    %dma_start3A_47 = tpu.memref_slice %arg6[%dma_start3A_38, %dma_start3A_46] : memref<4x80xi32, #tpu.memory_space<vmem>> -> memref<1x80xi32, #tpu.memory_space<vmem>>
    %dma_start3A_48 = tpu.memref_squeeze %dma_start3A_47 : memref<1x80xi32, #tpu.memory_space<vmem>> -> memref<80xi32, #tpu.memory_space<vmem>>
    %dma_start3A_49 = tpu.memref_slice %arg3[%add3A_37] : memref<320000xi32, #tpu.memory_space<hbm>> -> memref<80xi32, #tpu.memory_space<hbm>>
    tpu.enqueue_dma source(%dma_start3A_49 : memref<80xi32, #tpu.memory_space<hbm>>) target(%dma_start3A_48 : memref<80xi32, #tpu.memory_space<vmem>>) target_semaphore(%dma_start3A_45 : memref<!tpu.dma_semaphore, #tpu.memory_space<semaphore_mem>>)
    %add3A_50 = arith.constant 80 : i32
    %add3A_51 = arith.addi %mul3A_2, %add3A_50 : i32
    %dma_start3A_52 = arith.constant 1 : i32
    %dma_start3A_53 = arith.constant 1 : i32
    %dma_start3A_54 = arith.constant 0 : i32
    %dma_start3A_55 = tpu.memref_slice %arg7[%dma_start3A_52, %dma_start3A_54] : memref<4x80xi32, #tpu.memory_space<vmem>> -> memref<1x80xi32, #tpu.memory_space<vmem>>
    %dma_start3A_56 = tpu.memref_squeeze %dma_start3A_55 : memref<1x80xi32, #tpu.memory_space<vmem>> -> memref<80xi32, #tpu.memory_space<vmem>>
    %dma_start3A_57 = tpu.memref_slice %arg4[%add3A_51] : memref<320000xi32, #tpu.memory_space<hbm>> -> memref<80xi32, #tpu.memory_space<hbm>>
    %dma_start3A_58 = tpu.memref_slice %arg13[%dma_start3A_53] : memref<4x!tpu.dma_semaphore, #tpu.memory_space<semaphore_mem>> -> memref<1x!tpu.dma_semaphore, #tpu.memory_space<semaphore_mem>>
    %dma_start3A_59 = tpu.memref_squeeze %dma_start3A_58 : memref<1x!tpu.dma_semaphore, #tpu.memory_space<semaphore_mem>> -> memref<!tpu.dma_semaphore, #tpu.memory_space<semaphore_mem>>
    %dma_start3A_60 = arith.constant 0 : i32
    %dma_start3A_61 = tpu.memref_slice %arg7[%dma_start3A_52, %dma_start3A_60] : memref<4x80xi32, #tpu.memory_space<vmem>> -> memref<1x80xi32, #tpu.memory_space<vmem>>
    %dma_start3A_62 = tpu.memref_squeeze %dma_start3A_61 : memref<1x80xi32, #tpu.memory_space<vmem>> -> memref<80xi32, #tpu.memory_space<vmem>>
    %dma_start3A_63 = tpu.memref_slice %arg4[%add3A_51] : memref<320000xi32, #tpu.memory_space<hbm>> -> memref<80xi32, #tpu.memory_space<hbm>>
    tpu.enqueue_dma source(%dma_start3A_63 : memref<80xi32, #tpu.memory_space<hbm>>) target(%dma_start3A_62 : memref<80xi32, #tpu.memory_space<vmem>>) target_semaphore(%dma_start3A_59 : memref<!tpu.dma_semaphore, #tpu.memory_space<semaphore_mem>>)
    %add3A_64 = arith.constant 160 : i32
    %add3A_65 = arith.addi %mul3A_2, %add3A_64 : i32
    %dma_start3A_66 = arith.constant 2 : i32
    %dma_start3A_67 = arith.constant 2 : i32
    %dma_start3A_68 = arith.constant 0 : i32
    %dma_start3A_69 = tpu.memref_slice %arg6[%dma_start3A_66, %dma_start3A_68] : memref<4x80xi32, #tpu.memory_space<vmem>> -> memref<1x80xi32, #tpu.memory_space<vmem>>
    %dma_start3A_70 = tpu.memref_squeeze %dma_start3A_69 : memref<1x80xi32, #tpu.memory_space<vmem>> -> memref<80xi32, #tpu.memory_space<vmem>>
    %dma_start3A_71 = tpu.memref_slice %arg3[%add3A_65] : memref<320000xi32, #tpu.memory_space<hbm>> -> memref<80xi32, #tpu.memory_space<hbm>>
    %dma_start3A_72 = tpu.memref_slice %arg12[%dma_start3A_67] : memref<4x!tpu.dma_semaphore, #tpu.memory_space<semaphore_mem>> -> memref<1x!tpu.dma_semaphore, #tpu.memory_space<semaphore_mem>>
    %dma_start3A_73 = tpu.memref_squeeze %dma_start3A_72 : memref<1x!tpu.dma_semaphore, #tpu.memory_space<semaphore_mem>> -> memref<!tpu.dma_semaphore, #tpu.memory_space<semaphore_mem>>
    %dma_start3A_74 = arith.constant 0 : i32
    %dma_start3A_75 = tpu.memref_slice %arg6[%dma_start3A_66, %dma_start3A_74] : memref<4x80xi32, #tpu.memory_space<vmem>> -> memref<1x80xi32, #tpu.memory_space<vmem>>
    %dma_start3A_76 = tpu.memref_squeeze %dma_start3A_75 : memref<1x80xi32, #tpu.memory_space<vmem>> -> memref<80xi32, #tpu.memory_space<vmem>>
    %dma_start3A_77 = tpu.memref_slice %arg3[%add3A_65] : memref<320000xi32, #tpu.memory_space<hbm>> -> memref<80xi32, #tpu.memory_space<hbm>>
    tpu.enqueue_dma source(%dma_start3A_77 : memref<80xi32, #tpu.memory_space<hbm>>) target(%dma_start3A_76 : memref<80xi32, #tpu.memory_space<vmem>>) target_semaphore(%dma_start3A_73 : memref<!tpu.dma_semaphore, #tpu.memory_space<semaphore_mem>>)
    %add3A_78 = arith.constant 160 : i32
    %add3A_79 = arith.addi %mul3A_2, %add3A_78 : i32
    %dma_start3A_80 = arith.constant 2 : i32
    %dma_start3A_81 = arith.constant 2 : i32
    %dma_start3A_82 = arith.constant 0 : i32
    %dma_start3A_83 = tpu.memref_slice %arg7[%dma_start3A_80, %dma_start3A_82] : memref<4x80xi32, #tpu.memory_space<vmem>> -> memref<1x80xi32, #tpu.memory_space<vmem>>
    %dma_start3A_84 = tpu.memref_squeeze %dma_start3A_83 : memref<1x80xi32, #tpu.memory_space<vmem>> -> memref<80xi32, #tpu.memory_space<vmem>>
    %dma_start3A_85 = tpu.memref_slice %arg4[%add3A_79] : memref<320000xi32, #tpu.memory_space<hbm>> -> memref<80xi32, #tpu.memory_space<hbm>>
    %dma_start3A_86 = tpu.memref_slice %arg13[%dma_start3A_81] : memref<4x!tpu.dma_semaphore, #tpu.memory_space<semaphore_mem>> -> memref<1x!tpu.dma_semaphore, #tpu.memory_space<semaphore_mem>>
    %dma_start3A_87 = tpu.memref_squeeze %dma_start3A_86 : memref<1x!tpu.dma_semaphore, #tpu.memory_space<semaphore_mem>> -> memref<!tpu.dma_semaphore, #tpu.memory_space<semaphore_mem>>
    %dma_start3A_88 = arith.constant 0 : i32
    %dma_start3A_89 = tpu.memref_slice %arg7[%dma_start3A_80, %dma_start3A_88] : memref<4x80xi32, #tpu.memory_space<vmem>> -> memref<1x80xi32, #tpu.memory_space<vmem>>
    %dma_start3A_90 = tpu.memref_squeeze %dma_start3A_89 : memref<1x80xi32, #tpu.memory_space<vmem>> -> memref<80xi32, #tpu.memory_space<vmem>>
    %dma_start3A_91 = tpu.memref_slice %arg4[%add3A_79] : memref<320000xi32, #tpu.memory_space<hbm>> -> memref<80xi32, #tpu.memory_space<hbm>>
    tpu.enqueue_dma source(%dma_start3A_91 : memref<80xi32, #tpu.memory_space<hbm>>) target(%dma_start3A_90 : memref<80xi32, #tpu.memory_space<vmem>>) target_semaphore(%dma_start3A_87 : memref<!tpu.dma_semaphore, #tpu.memory_space<semaphore_mem>>)
    %add3A_92 = arith.constant 240 : i32
    %add3A_93 = arith.addi %mul3A_2, %add3A_92 : i32
    %dma_start3A_94 = arith.constant 3 : i32
    %dma_start3A_95 = arith.constant 3 : i32
    %dma_start3A_96 = arith.constant 0 : i32
    %dma_start3A_97 = tpu.memref_slice %arg6[%dma_start3A_94, %dma_start3A_96] : memref<4x80xi32, #tpu.memory_space<vmem>> -> memref<1x80xi32, #tpu.memory_space<vmem>>
    %dma_start3A_98 = tpu.memref_squeeze %dma_start3A_97 : memref<1x80xi32, #tpu.memory_space<vmem>> -> memref<80xi32, #tpu.memory_space<vmem>>
    %dma_start3A_99 = tpu.memref_slice %arg3[%add3A_93] : memref<320000xi32, #tpu.memory_space<hbm>> -> memref<80xi32, #tpu.memory_space<hbm>>
    %dma_start3A_100 = tpu.memref_slice %arg12[%dma_start3A_95] : memref<4x!tpu.dma_semaphore, #tpu.memory_space<semaphore_mem>> -> memref<1x!tpu.dma_semaphore, #tpu.memory_space<semaphore_mem>>
    %dma_start3A_101 = tpu.memref_squeeze %dma_start3A_100 : memref<1x!tpu.dma_semaphore, #tpu.memory_space<semaphore_mem>> -> memref<!tpu.dma_semaphore, #tpu.memory_space<semaphore_mem>>
    %dma_start3A_102 = arith.constant 0 : i32
    %dma_start3A_103 = tpu.memref_slice %arg6[%dma_start3A_94, %dma_start3A_102] : memref<4x80xi32, #tpu.memory_space<vmem>> -> memref<1x80xi32, #tpu.memory_space<vmem>>
    %dma_start3A_104 = tpu.memref_squeeze %dma_start3A_103 : memref<1x80xi32, #tpu.memory_space<vmem>> -> memref<80xi32, #tpu.memory_space<vmem>>
    %dma_start3A_105 = tpu.memref_slice %arg3[%add3A_93] : memref<320000xi32, #tpu.memory_space<hbm>> -> memref<80xi32, #tpu.memory_space<hbm>>
    tpu.enqueue_dma source(%dma_start3A_105 : memref<80xi32, #tpu.memory_space<hbm>>) target(%dma_start3A_104 : memref<80xi32, #tpu.memory_space<vmem>>) target_semaphore(%dma_start3A_101 : memref<!tpu.dma_semaphore, #tpu.memory_space<semaphore_mem>>)
    %add3A_106 = arith.constant 240 : i32
    %add3A_107 = arith.addi %mul3A_2, %add3A_106 : i32
    %dma_start3A_108 = arith.constant 3 : i32
    %dma_start3A_109 = arith.constant 3 : i32
    %dma_start3A_110 = arith.constant 0 : i32
    %dma_start3A_111 = tpu.memref_slice %arg7[%dma_start3A_108, %dma_start3A_110] : memref<4x80xi32, #tpu.memory_space<vmem>> -> memref<1x80xi32, #tpu.memory_space<vmem>>
    %dma_start3A_112 = tpu.memref_squeeze %dma_start3A_111 : memref<1x80xi32, #tpu.memory_space<vmem>> -> memref<80xi32, #tpu.memory_space<vmem>>
    %dma_start3A_113 = tpu.memref_slice %arg4[%add3A_107] : memref<320000xi32, #tpu.memory_space<hbm>> -> memref<80xi32, #tpu.memory_space<hbm>>
    %dma_start3A_114 = tpu.memref_slice %arg13[%dma_start3A_109] : memref<4x!tpu.dma_semaphore, #tpu.memory_space<semaphore_mem>> -> memref<1x!tpu.dma_semaphore, #tpu.memory_space<semaphore_mem>>
    %dma_start3A_115 = tpu.memref_squeeze %dma_start3A_114 : memref<1x!tpu.dma_semaphore, #tpu.memory_space<semaphore_mem>> -> memref<!tpu.dma_semaphore, #tpu.memory_space<semaphore_mem>>
    %dma_start3A_116 = arith.constant 0 : i32
    %dma_start3A_117 = tpu.memref_slice %arg7[%dma_start3A_108, %dma_start3A_116] : memref<4x80xi32, #tpu.memory_space<vmem>> -> memref<1x80xi32, #tpu.memory_space<vmem>>
    %dma_start3A_118 = tpu.memref_squeeze %dma_start3A_117 : memref<1x80xi32, #tpu.memory_space<vmem>> -> memref<80xi32, #tpu.memory_space<vmem>>
    %dma_start3A_119 = tpu.memref_slice %arg4[%add3A_107] : memref<320000xi32, #tpu.memory_space<hbm>> -> memref<80xi32, #tpu.memory_space<hbm>>
    tpu.enqueue_dma source(%dma_start3A_119 : memref<80xi32, #tpu.memory_space<hbm>>) target(%dma_start3A_118 : memref<80xi32, #tpu.memory_space<vmem>>) target_semaphore(%dma_start3A_115 : memref<!tpu.dma_semaphore, #tpu.memory_space<semaphore_mem>>)
    %scan3A = arith.constant 0 : i32
    %scan3A_120 = arith.constant 31 : i32
    %scan3A_121 = arith.addi %scan3A, %scan3A_120 : i32
    %scan3A_122 = arith.constant 1 : i32
    scf.for %scan3A_187 = %scan3A to %scan3A_121 step %scan3A_122  : i32 {
      %mul3A_188 = arith.constant 1 : i32
      %mul3A_189 = arith.muli %scan3A_187, %mul3A_188 : i32
      %add3A_190 = arith.constant 0 : i32
      %add3A_191 = arith.addi %add3A_190, %mul3A_189 : i32
      %dma_wait3A_192 = arith.constant 0 : i32
      %dma_wait3A_193 = arith.constant 0 : i32
      %dma_wait3A_194 = arith.constant 0 : i32
      %dma_wait3A_195 = tpu.memref_slice %arg6[%dma_wait3A_192, %dma_wait3A_194] : memref<4x80xi32, #tpu.memory_space<vmem>> -> memref<1x80xi32, #tpu.memory_space<vmem>>
      %dma_wait3A_196 = tpu.memref_squeeze %dma_wait3A_195 : memref<1x80xi32, #tpu.memory_space<vmem>> -> memref<80xi32, #tpu.memory_space<vmem>>
      %dma_wait3A_197 = arith.constant 0 : i32
      %dma_wait3A_198 = tpu.memref_slice %arg3[%dma_wait3A_197] : memref<320000xi32, #tpu.memory_space<hbm>> -> memref<80xi32, #tpu.memory_space<hbm>>
      %dma_wait3A_199 = tpu.memref_slice %arg12[%dma_wait3A_193] : memref<4x!tpu.dma_semaphore, #tpu.memory_space<semaphore_mem>> -> memref<1x!tpu.dma_semaphore, #tpu.memory_space<semaphore_mem>>
      %dma_wait3A_200 = tpu.memref_squeeze %dma_wait3A_199 : memref<1x!tpu.dma_semaphore, #tpu.memory_space<semaphore_mem>> -> memref<!tpu.dma_semaphore, #tpu.memory_space<semaphore_mem>>
      %dma_wait3A_201 = arith.constant 0 : i32
      %dma_wait3A_202 = tpu.memref_slice %arg6[%dma_wait3A_192, %dma_wait3A_201] : memref<4x80xi32, #tpu.memory_space<vmem>> -> memref<1x80xi32, #tpu.memory_space<vmem>>
      %dma_wait3A_203 = tpu.memref_squeeze %dma_wait3A_202 : memref<1x80xi32, #tpu.memory_space<vmem>> -> memref<80xi32, #tpu.memory_space<vmem>>
      %dma_wait3A_204 = arith.constant 0 : i32
      %dma_wait3A_205 = tpu.memref_slice %arg3[%dma_wait3A_204] : memref<320000xi32, #tpu.memory_space<hbm>> -> memref<80xi32, #tpu.memory_space<hbm>>
      tpu.wait_dma2 semaphore(%dma_wait3A_200 : memref<!tpu.dma_semaphore, #tpu.memory_space<semaphore_mem>>) src(%dma_wait3A_205 : memref<80xi32, #tpu.memory_space<hbm>>) dst(%dma_wait3A_203 : memref<80xi32, #tpu.memory_space<vmem>>)
      %dma_start3A_206 = arith.constant 0 : i32
      %dma_start3A_207 = arith.constant 0 : i32
      %dma_start3A_208 = arith.constant 0 : i32
      %dma_start3A_209 = arith.constant 0 : i32
      %dma_start3A_210 = arith.constant 0 : i32
      %dma_start3A_211 = tpu.memref_slice %arg10[%dma_start3A_207, %dma_start3A_209, %dma_start3A_210] : memref<4x80x128xf32, #tpu.memory_space<vmem>> -> memref<1x80x128xf32, #tpu.memory_space<vmem>>
      %dma_start3A_212 = tpu.memref_squeeze %dma_start3A_211 : memref<1x80x128xf32, #tpu.memory_space<vmem>> -> memref<80x128xf32, #tpu.memory_space<vmem>>
      %dma_start3A_213 = arith.constant 0 : i32
      %dma_start3A_214 = tpu.memref_slice %arg6[%dma_start3A_206, %dma_start3A_213] : memref<4x80xi32, #tpu.memory_space<vmem>> -> memref<1x80xi32, #tpu.memory_space<vmem>>
      %dma_start3A_215 = tpu.memref_squeeze %dma_start3A_214 : memref<1x80xi32, #tpu.memory_space<vmem>> -> memref<80xi32, #tpu.memory_space<vmem>>
      %dma_start3A_216 = arith.constant 0 : i32
      %dma_start3A_217 = arith.constant 0 : i32
      %dma_start3A_218 = tpu.memref_slice %arg2[%dma_start3A_216, %dma_start3A_217] : memref<10000x128xf32, #tpu.memory_space<hbm>> -> memref<10000x128xf32, #tpu.memory_space<hbm>>
      %dma_start3A_219 = tpu.memref_slice %arg14[%dma_start3A_208] : memref<4x!tpu.dma_semaphore, #tpu.memory_space<semaphore_mem>> -> memref<1x!tpu.dma_semaphore, #tpu.memory_space<semaphore_mem>>
      %dma_start3A_220 = tpu.memref_squeeze %dma_start3A_219 : memref<1x!tpu.dma_semaphore, #tpu.memory_space<semaphore_mem>> -> memref<!tpu.dma_semaphore, #tpu.memory_space<semaphore_mem>>
      tpu.enqueue_indirect_dma source(%dma_start3A_218 : memref<10000x128xf32, #tpu.memory_space<hbm>>) target(%dma_start3A_212 : memref<80x128xf32, #tpu.memory_space<vmem>>) offsets(%dma_start3A_215 : memref<80xi32, #tpu.memory_space<vmem>>) semaphore(%dma_start3A_220 : memref<!tpu.dma_semaphore, #tpu.memory_space<semaphore_mem>>)
      %dma_wait3A_221 = arith.constant 1 : i32
      %dma_wait3A_222 = arith.constant 1 : i32
      %dma_wait3A_223 = arith.constant 0 : i32
      %dma_wait3A_224 = tpu.memref_slice %arg6[%dma_wait3A_221, %dma_wait3A_223] : memref<4x80xi32, #tpu.memory_space<vmem>> -> memref<1x80xi32, #tpu.memory_space<vmem>>
      %dma_wait3A_225 = tpu.memref_squeeze %dma_wait3A_224 : memref<1x80xi32, #tpu.memory_space<vmem>> -> memref<80xi32, #tpu.memory_space<vmem>>
      %dma_wait3A_226 = arith.constant 0 : i32
      %dma_wait3A_227 = tpu.memref_slice %arg3[%dma_wait3A_226] : memref<320000xi32, #tpu.memory_space<hbm>> -> memref<80xi32, #tpu.memory_space<hbm>>
      %dma_wait3A_228 = tpu.memref_slice %arg12[%dma_wait3A_222] : memref<4x!tpu.dma_semaphore, #tpu.memory_space<semaphore_mem>> -> memref<1x!tpu.dma_semaphore, #tpu.memory_space<semaphore_mem>>
      %dma_wait3A_229 = tpu.memref_squeeze %dma_wait3A_228 : memref<1x!tpu.dma_semaphore, #tpu.memory_space<semaphore_mem>> -> memref<!tpu.dma_semaphore, #tpu.memory_space<semaphore_mem>>
      %dma_wait3A_230 = arith.constant 0 : i32
      %dma_wait3A_231 = tpu.memref_slice %arg6[%dma_wait3A_221, %dma_wait3A_230] : memref<4x80xi32, #tpu.memory_space<vmem>> -> memref<1x80xi32, #tpu.memory_space<vmem>>
      %dma_wait3A_232 = tpu.memref_squeeze %dma_wait3A_231 : memref<1x80xi32, #tpu.memory_space<vmem>> -> memref<80xi32, #tpu.memory_space<vmem>>
      %dma_wait3A_233 = arith.constant 0 : i32
      %dma_wait3A_234 = tpu.memref_slice %arg3[%dma_wait3A_233] : memref<320000xi32, #tpu.memory_space<hbm>> -> memref<80xi32, #tpu.memory_space<hbm>>
      tpu.wait_dma2 semaphore(%dma_wait3A_229 : memref<!tpu.dma_semaphore, #tpu.memory_space<semaphore_mem>>) src(%dma_wait3A_234 : memref<80xi32, #tpu.memory_space<hbm>>) dst(%dma_wait3A_232 : memref<80xi32, #tpu.memory_space<vmem>>)
      %dma_start3A_235 = arith.constant 1 : i32
      %dma_start3A_236 = arith.constant 1 : i32
      %dma_start3A_237 = arith.constant 1 : i32
      %dma_start3A_238 = arith.constant 0 : i32
      %dma_start3A_239 = arith.constant 0 : i32
      %dma_start3A_240 = tpu.memref_slice %arg10[%dma_start3A_236, %dma_start3A_238, %dma_start3A_239] : memref<4x80x128xf32, #tpu.memory_space<vmem>> -> memref<1x80x128xf32, #tpu.memory_space<vmem>>
      %dma_start3A_241 = tpu.memref_squeeze %dma_start3A_240 : memref<1x80x128xf32, #tpu.memory_space<vmem>> -> memref<80x128xf32, #tpu.memory_space<vmem>>
      %dma_start3A_242 = arith.constant 0 : i32
      %dma_start3A_243 = tpu.memref_slice %arg6[%dma_start3A_235, %dma_start3A_242] : memref<4x80xi32, #tpu.memory_space<vmem>> -> memref<1x80xi32, #tpu.memory_space<vmem>>
      %dma_start3A_244 = tpu.memref_squeeze %dma_start3A_243 : memref<1x80xi32, #tpu.memory_space<vmem>> -> memref<80xi32, #tpu.memory_space<vmem>>
      %dma_start3A_245 = arith.constant 0 : i32
      %dma_start3A_246 = arith.constant 0 : i32
      %dma_start3A_247 = tpu.memref_slice %arg2[%dma_start3A_245, %dma_start3A_246] : memref<10000x128xf32, #tpu.memory_space<hbm>> -> memref<10000x128xf32, #tpu.memory_space<hbm>>
      %dma_start3A_248 = tpu.memref_slice %arg14[%dma_start3A_237] : memref<4x!tpu.dma_semaphore, #tpu.memory_space<semaphore_mem>> -> memref<1x!tpu.dma_semaphore, #tpu.memory_space<semaphore_mem>>
      %dma_start3A_249 = tpu.memref_squeeze %dma_start3A_248 : memref<1x!tpu.dma_semaphore, #tpu.memory_space<semaphore_mem>> -> memref<!tpu.dma_semaphore, #tpu.memory_space<semaphore_mem>>
      tpu.enqueue_indirect_dma source(%dma_start3A_247 : memref<10000x128xf32, #tpu.memory_space<hbm>>) target(%dma_start3A_241 : memref<80x128xf32, #tpu.memory_space<vmem>>) offsets(%dma_start3A_244 : memref<80xi32, #tpu.memory_space<vmem>>) semaphore(%dma_start3A_249 : memref<!tpu.dma_semaphore, #tpu.memory_space<semaphore_mem>>)
      %dma_wait3A_250 = arith.constant 2 : i32
      %dma_wait3A_251 = arith.constant 2 : i32
      %dma_wait3A_252 = arith.constant 0 : i32
      %dma_wait3A_253 = tpu.memref_slice %arg6[%dma_wait3A_250, %dma_wait3A_252] : memref<4x80xi32, #tpu.memory_space<vmem>> -> memref<1x80xi32, #tpu.memory_space<vmem>>
      %dma_wait3A_254 = tpu.memref_squeeze %dma_wait3A_253 : memref<1x80xi32, #tpu.memory_space<vmem>> -> memref<80xi32, #tpu.memory_space<vmem>>
      %dma_wait3A_255 = arith.constant 0 : i32
      %dma_wait3A_256 = tpu.memref_slice %arg3[%dma_wait3A_255] : memref<320000xi32, #tpu.memory_space<hbm>> -> memref<80xi32, #tpu.memory_space<hbm>>
      %dma_wait3A_257 = tpu.memref_slice %arg12[%dma_wait3A_251] : memref<4x!tpu.dma_semaphore, #tpu.memory_space<semaphore_mem>> -> memref<1x!tpu.dma_semaphore, #tpu.memory_space<semaphore_mem>>
      %dma_wait3A_258 = tpu.memref_squeeze %dma_wait3A_257 : memref<1x!tpu.dma_semaphore, #tpu.memory_space<semaphore_mem>> -> memref<!tpu.dma_semaphore, #tpu.memory_space<semaphore_mem>>
      %dma_wait3A_259 = arith.constant 0 : i32
      %dma_wait3A_260 = tpu.memref_slice %arg6[%dma_wait3A_250, %dma_wait3A_259] : memref<4x80xi32, #tpu.memory_space<vmem>> -> memref<1x80xi32, #tpu.memory_space<vmem>>
      %dma_wait3A_261 = tpu.memref_squeeze %dma_wait3A_260 : memref<1x80xi32, #tpu.memory_space<vmem>> -> memref<80xi32, #tpu.memory_space<vmem>>
      %dma_wait3A_262 = arith.constant 0 : i32
      %dma_wait3A_263 = tpu.memref_slice %arg3[%dma_wait3A_262] : memref<320000xi32, #tpu.memory_space<hbm>> -> memref<80xi32, #tpu.memory_space<hbm>>
      tpu.wait_dma2 semaphore(%dma_wait3A_258 : memref<!tpu.dma_semaphore, #tpu.memory_space<semaphore_mem>>) src(%dma_wait3A_263 : memref<80xi32, #tpu.memory_space<hbm>>) dst(%dma_wait3A_261 : memref<80xi32, #tpu.memory_space<vmem>>)
      %dma_start3A_264 = arith.constant 2 : i32
      %dma_start3A_265 = arith.constant 2 : i32
      %dma_start3A_266 = arith.constant 2 : i32
      %dma_start3A_267 = arith.constant 0 : i32
      %dma_start3A_268 = arith.constant 0 : i32
      %dma_start3A_269 = tpu.memref_slice %arg10[%dma_start3A_265, %dma_start3A_267, %dma_start3A_268] : memref<4x80x128xf32, #tpu.memory_space<vmem>> -> memref<1x80x128xf32, #tpu.memory_space<vmem>>
      %dma_start3A_270 = tpu.memref_squeeze %dma_start3A_269 : memref<1x80x128xf32, #tpu.memory_space<vmem>> -> memref<80x128xf32, #tpu.memory_space<vmem>>
      %dma_start3A_271 = arith.constant 0 : i32
      %dma_start3A_272 = tpu.memref_slice %arg6[%dma_start3A_264, %dma_start3A_271] : memref<4x80xi32, #tpu.memory_space<vmem>> -> memref<1x80xi32, #tpu.memory_space<vmem>>
      %dma_start3A_273 = tpu.memref_squeeze %dma_start3A_272 : memref<1x80xi32, #tpu.memory_space<vmem>> -> memref<80xi32, #tpu.memory_space<vmem>>
      %dma_start3A_274 = arith.constant 0 : i32
      %dma_start3A_275 = arith.constant 0 : i32
      %dma_start3A_276 = tpu.memref_slice %arg2[%dma_start3A_274, %dma_start3A_275] : memref<10000x128xf32, #tpu.memory_space<hbm>> -> memref<10000x128xf32, #tpu.memory_space<hbm>>
      %dma_start3A_277 = tpu.memref_slice %arg14[%dma_start3A_266] : memref<4x!tpu.dma_semaphore, #tpu.memory_space<semaphore_mem>> -> memref<1x!tpu.dma_semaphore, #tpu.memory_space<semaphore_mem>>
      %dma_start3A_278 = tpu.memref_squeeze %dma_start3A_277 : memref<1x!tpu.dma_semaphore, #tpu.memory_space<semaphore_mem>> -> memref<!tpu.dma_semaphore, #tpu.memory_space<semaphore_mem>>
      tpu.enqueue_indirect_dma source(%dma_start3A_276 : memref<10000x128xf32, #tpu.memory_space<hbm>>) target(%dma_start3A_270 : memref<80x128xf32, #tpu.memory_space<vmem>>) offsets(%dma_start3A_273 : memref<80xi32, #tpu.memory_space<vmem>>) semaphore(%dma_start3A_278 : memref<!tpu.dma_semaphore, #tpu.memory_space<semaphore_mem>>)
      %dma_wait3A_279 = arith.constant 3 : i32
      %dma_wait3A_280 = arith.constant 3 : i32
      %dma_wait3A_281 = arith.constant 0 : i32
      %dma_wait3A_282 = tpu.memref_slice %arg6[%dma_wait3A_279, %dma_wait3A_281] : memref<4x80xi32, #tpu.memory_space<vmem>> -> memref<1x80xi32, #tpu.memory_space<vmem>>
      %dma_wait3A_283 = tpu.memref_squeeze %dma_wait3A_282 : memref<1x80xi32, #tpu.memory_space<vmem>> -> memref<80xi32, #tpu.memory_space<vmem>>
      %dma_wait3A_284 = arith.constant 0 : i32
      %dma_wait3A_285 = tpu.memref_slice %arg3[%dma_wait3A_284] : memref<320000xi32, #tpu.memory_space<hbm>> -> memref<80xi32, #tpu.memory_space<hbm>>
      %dma_wait3A_286 = tpu.memref_slice %arg12[%dma_wait3A_280] : memref<4x!tpu.dma_semaphore, #tpu.memory_space<semaphore_mem>> -> memref<1x!tpu.dma_semaphore, #tpu.memory_space<semaphore_mem>>
      %dma_wait3A_287 = tpu.memref_squeeze %dma_wait3A_286 : memref<1x!tpu.dma_semaphore, #tpu.memory_space<semaphore_mem>> -> memref<!tpu.dma_semaphore, #tpu.memory_space<semaphore_mem>>
      %dma_wait3A_288 = arith.constant 0 : i32
      %dma_wait3A_289 = tpu.memref_slice %arg6[%dma_wait3A_279, %dma_wait3A_288] : memref<4x80xi32, #tpu.memory_space<vmem>> -> memref<1x80xi32, #tpu.memory_space<vmem>>
      %dma_wait3A_290 = tpu.memref_squeeze %dma_wait3A_289 : memref<1x80xi32, #tpu.memory_space<vmem>> -> memref<80xi32, #tpu.memory_space<vmem>>
      %dma_wait3A_291 = arith.constant 0 : i32
      %dma_wait3A_292 = tpu.memref_slice %arg3[%dma_wait3A_291] : memref<320000xi32, #tpu.memory_space<hbm>> -> memref<80xi32, #tpu.memory_space<hbm>>
      tpu.wait_dma2 semaphore(%dma_wait3A_287 : memref<!tpu.dma_semaphore, #tpu.memory_space<semaphore_mem>>) src(%dma_wait3A_292 : memref<80xi32, #tpu.memory_space<hbm>>) dst(%dma_wait3A_290 : memref<80xi32, #tpu.memory_space<vmem>>)
      %dma_start3A_293 = arith.constant 3 : i32
      %dma_start3A_294 = arith.constant 3 : i32
      %dma_start3A_295 = arith.constant 3 : i32
      %dma_start3A_296 = arith.constant 0 : i32
      %dma_start3A_297 = arith.constant 0 : i32
      %dma_start3A_298 = tpu.memref_slice %arg10[%dma_start3A_294, %dma_start3A_296, %dma_start3A_297] : memref<4x80x128xf32, #tpu.memory_space<vmem>> -> memref<1x80x128xf32, #tpu.memory_space<vmem>>
      %dma_start3A_299 = tpu.memref_squeeze %dma_start3A_298 : memref<1x80x128xf32, #tpu.memory_space<vmem>> -> memref<80x128xf32, #tpu.memory_space<vmem>>
      %dma_start3A_300 = arith.constant 0 : i32
      %dma_start3A_301 = tpu.memref_slice %arg6[%dma_start3A_293, %dma_start3A_300] : memref<4x80xi32, #tpu.memory_space<vmem>> -> memref<1x80xi32, #tpu.memory_space<vmem>>
      %dma_start3A_302 = tpu.memref_squeeze %dma_start3A_301 : memref<1x80xi32, #tpu.memory_space<vmem>> -> memref<80xi32, #tpu.memory_space<vmem>>
      %dma_start3A_303 = arith.constant 0 : i32
      %dma_start3A_304 = arith.constant 0 : i32
      %dma_start3A_305 = tpu.memref_slice %arg2[%dma_start3A_303, %dma_start3A_304] : memref<10000x128xf32, #tpu.memory_space<hbm>> -> memref<10000x128xf32, #tpu.memory_space<hbm>>
      %dma_start3A_306 = tpu.memref_slice %arg14[%dma_start3A_295] : memref<4x!tpu.dma_semaphore, #tpu.memory_space<semaphore_mem>> -> memref<1x!tpu.dma_semaphore, #tpu.memory_space<semaphore_mem>>
      %dma_start3A_307 = tpu.memref_squeeze %dma_start3A_306 : memref<1x!tpu.dma_semaphore, #tpu.memory_space<semaphore_mem>> -> memref<!tpu.dma_semaphore, #tpu.memory_space<semaphore_mem>>
      tpu.enqueue_indirect_dma source(%dma_start3A_305 : memref<10000x128xf32, #tpu.memory_space<hbm>>) target(%dma_start3A_299 : memref<80x128xf32, #tpu.memory_space<vmem>>) offsets(%dma_start3A_302 : memref<80xi32, #tpu.memory_space<vmem>>) semaphore(%dma_start3A_307 : memref<!tpu.dma_semaphore, #tpu.memory_space<semaphore_mem>>)
      %dma_wait3A_308 = arith.constant 0 : i32
      %dma_wait3A_309 = arith.constant 0 : i32
      %dma_wait3A_310 = arith.constant 0 : i32
      %dma_wait3A_311 = arith.constant 0 : i32
      %dma_wait3A_312 = arith.constant 0 : i32
      %dma_wait3A_313 = tpu.memref_slice %arg10[%dma_wait3A_309, %dma_wait3A_311, %dma_wait3A_312] : memref<4x80x128xf32, #tpu.memory_space<vmem>> -> memref<1x80x128xf32, #tpu.memory_space<vmem>>
      %dma_wait3A_314 = tpu.memref_squeeze %dma_wait3A_313 : memref<1x80x128xf32, #tpu.memory_space<vmem>> -> memref<80x128xf32, #tpu.memory_space<vmem>>
      %dma_wait3A_315 = arith.constant 0 : i32
      %dma_wait3A_316 = tpu.memref_slice %arg6[%dma_wait3A_308, %dma_wait3A_315] : memref<4x80xi32, #tpu.memory_space<vmem>> -> memref<1x80xi32, #tpu.memory_space<vmem>>
      %dma_wait3A_317 = tpu.memref_squeeze %dma_wait3A_316 : memref<1x80xi32, #tpu.memory_space<vmem>> -> memref<80xi32, #tpu.memory_space<vmem>>
      %dma_wait3A_318 = arith.constant 0 : i32
      %dma_wait3A_319 = arith.constant 0 : i32
      %dma_wait3A_320 = tpu.memref_slice %arg2[%dma_wait3A_318, %dma_wait3A_319] : memref<10000x128xf32, #tpu.memory_space<hbm>> -> memref<10000x128xf32, #tpu.memory_space<hbm>>
      %dma_wait3A_321 = tpu.memref_slice %arg14[%dma_wait3A_310] : memref<4x!tpu.dma_semaphore, #tpu.memory_space<semaphore_mem>> -> memref<1x!tpu.dma_semaphore, #tpu.memory_space<semaphore_mem>>
      %dma_wait3A_322 = tpu.memref_squeeze %dma_wait3A_321 : memref<1x!tpu.dma_semaphore, #tpu.memory_space<semaphore_mem>> -> memref<!tpu.dma_semaphore, #tpu.memory_space<semaphore_mem>>
      tpu.wait_indirect_dma semaphore(%dma_wait3A_322 : memref<!tpu.dma_semaphore, #tpu.memory_space<semaphore_mem>>) src(%dma_wait3A_320 : memref<10000x128xf32, #tpu.memory_space<hbm>>) dst(%dma_wait3A_314 : memref<80x128xf32, #tpu.memory_space<vmem>>)
      %dma_wait3A_323 = arith.constant 0 : i32
      %dma_wait3A_324 = arith.constant 0 : i32
      %dma_wait3A_325 = arith.constant 0 : i32
      %dma_wait3A_326 = tpu.memref_slice %arg7[%dma_wait3A_323, %dma_wait3A_325] : memref<4x80xi32, #tpu.memory_space<vmem>> -> memref<1x80xi32, #tpu.memory_space<vmem>>
      %dma_wait3A_327 = tpu.memref_squeeze %dma_wait3A_326 : memref<1x80xi32, #tpu.memory_space<vmem>> -> memref<80xi32, #tpu.memory_space<vmem>>
      %dma_wait3A_328 = arith.constant 0 : i32
      %dma_wait3A_329 = tpu.memref_slice %arg3[%dma_wait3A_328] : memref<320000xi32, #tpu.memory_space<hbm>> -> memref<80xi32, #tpu.memory_space<hbm>>
      %dma_wait3A_330 = tpu.memref_slice %arg13[%dma_wait3A_324] : memref<4x!tpu.dma_semaphore, #tpu.memory_space<semaphore_mem>> -> memref<1x!tpu.dma_semaphore, #tpu.memory_space<semaphore_mem>>
      %dma_wait3A_331 = tpu.memref_squeeze %dma_wait3A_330 : memref<1x!tpu.dma_semaphore, #tpu.memory_space<semaphore_mem>> -> memref<!tpu.dma_semaphore, #tpu.memory_space<semaphore_mem>>
      %dma_wait3A_332 = arith.constant 0 : i32
      %dma_wait3A_333 = tpu.memref_slice %arg7[%dma_wait3A_323, %dma_wait3A_332] : memref<4x80xi32, #tpu.memory_space<vmem>> -> memref<1x80xi32, #tpu.memory_space<vmem>>
      %dma_wait3A_334 = tpu.memref_squeeze %dma_wait3A_333 : memref<1x80xi32, #tpu.memory_space<vmem>> -> memref<80xi32, #tpu.memory_space<vmem>>
      %dma_wait3A_335 = arith.constant 0 : i32
      %dma_wait3A_336 = tpu.memref_slice %arg3[%dma_wait3A_335] : memref<320000xi32, #tpu.memory_space<hbm>> -> memref<80xi32, #tpu.memory_space<hbm>>
      tpu.wait_dma2 semaphore(%dma_wait3A_331 : memref<!tpu.dma_semaphore, #tpu.memory_space<semaphore_mem>>) src(%dma_wait3A_336 : memref<80xi32, #tpu.memory_space<hbm>>) dst(%dma_wait3A_334 : memref<80xi32, #tpu.memory_space<vmem>>)
      %dma_start3A_337 = arith.constant 0 : i32
      %dma_start3A_338 = arith.constant 0 : i32
      %dma_start3A_339 = arith.constant 0 : i32
      %dma_start3A_340 = arith.constant 0 : i32
      %dma_start3A_341 = arith.constant 0 : i32
      %dma_start3A_342 = tpu.memref_slice %arg10[%dma_start3A_337, %dma_start3A_340, %dma_start3A_341] : memref<4x80x128xf32, #tpu.memory_space<vmem>> -> memref<1x80x128xf32, #tpu.memory_space<vmem>>
      %dma_start3A_343 = tpu.memref_squeeze %dma_start3A_342 : memref<1x80x128xf32, #tpu.memory_space<vmem>> -> memref<80x128xf32, #tpu.memory_space<vmem>>
      %dma_start3A_344 = arith.constant 0 : i32
      %dma_start3A_345 = tpu.memref_slice %arg7[%dma_start3A_338, %dma_start3A_344] : memref<4x80xi32, #tpu.memory_space<vmem>> -> memref<1x80xi32, #tpu.memory_space<vmem>>
      %dma_start3A_346 = tpu.memref_squeeze %dma_start3A_345 : memref<1x80xi32, #tpu.memory_space<vmem>> -> memref<80xi32, #tpu.memory_space<vmem>>
      %dma_start3A_347 = arith.constant 0 : i32
      %dma_start3A_348 = arith.constant 0 : i32
      %dma_start3A_349 = tpu.memref_slice %arg11[%dma_start3A_347, %dma_start3A_348] : memref<10000x128xf32, #tpu.memory_space<vmem_shared>> -> memref<10000x128xf32, #tpu.memory_space<vmem_shared>>
      %dma_start3A_350 = tpu.memref_slice %arg15[%dma_start3A_339] : memref<4x!tpu.dma_semaphore, #tpu.memory_space<semaphore_mem>> -> memref<1x!tpu.dma_semaphore, #tpu.memory_space<semaphore_mem>>
      %dma_start3A_351 = tpu.memref_squeeze %dma_start3A_350 : memref<1x!tpu.dma_semaphore, #tpu.memory_space<semaphore_mem>> -> memref<!tpu.dma_semaphore, #tpu.memory_space<semaphore_mem>>
      tpu.enqueue_indirect_dma source(%dma_start3A_343 : memref<80x128xf32, #tpu.memory_space<vmem>>) target(%dma_start3A_349 : memref<10000x128xf32, #tpu.memory_space<vmem_shared>>) offsets(%dma_start3A_346 : memref<80xi32, #tpu.memory_space<vmem>>) semaphore(%dma_start3A_351 : memref<!tpu.dma_semaphore, #tpu.memory_space<semaphore_mem>>) {add = true}
      %dma_wait3A_352 = arith.constant 1 : i32
      %dma_wait3A_353 = arith.constant 1 : i32
      %dma_wait3A_354 = arith.constant 1 : i32
      %dma_wait3A_355 = arith.constant 0 : i32
      %dma_wait3A_356 = arith.constant 0 : i32
      %dma_wait3A_357 = tpu.memref_slice %arg10[%dma_wait3A_353, %dma_wait3A_355, %dma_wait3A_356] : memref<4x80x128xf32, #tpu.memory_space<vmem>> -> memref<1x80x128xf32, #tpu.memory_space<vmem>>
      %dma_wait3A_358 = tpu.memref_squeeze %dma_wait3A_357 : memref<1x80x128xf32, #tpu.memory_space<vmem>> -> memref<80x128xf32, #tpu.memory_space<vmem>>
      %dma_wait3A_359 = arith.constant 0 : i32
      %dma_wait3A_360 = tpu.memref_slice %arg6[%dma_wait3A_352, %dma_wait3A_359] : memref<4x80xi32, #tpu.memory_space<vmem>> -> memref<1x80xi32, #tpu.memory_space<vmem>>
      %dma_wait3A_361 = tpu.memref_squeeze %dma_wait3A_360 : memref<1x80xi32, #tpu.memory_space<vmem>> -> memref<80xi32, #tpu.memory_space<vmem>>
      %dma_wait3A_362 = arith.constant 0 : i32
      %dma_wait3A_363 = arith.constant 0 : i32
      %dma_wait3A_364 = tpu.memref_slice %arg2[%dma_wait3A_362, %dma_wait3A_363] : memref<10000x128xf32, #tpu.memory_space<hbm>> -> memref<10000x128xf32, #tpu.memory_space<hbm>>
      %dma_wait3A_365 = tpu.memref_slice %arg14[%dma_wait3A_354] : memref<4x!tpu.dma_semaphore, #tpu.memory_space<semaphore_mem>> -> memref<1x!tpu.dma_semaphore, #tpu.memory_space<semaphore_mem>>
      %dma_wait3A_366 = tpu.memref_squeeze %dma_wait3A_365 : memref<1x!tpu.dma_semaphore, #tpu.memory_space<semaphore_mem>> -> memref<!tpu.dma_semaphore, #tpu.memory_space<semaphore_mem>>
      tpu.wait_indirect_dma semaphore(%dma_wait3A_366 : memref<!tpu.dma_semaphore, #tpu.memory_space<semaphore_mem>>) src(%dma_wait3A_364 : memref<10000x128xf32, #tpu.memory_space<hbm>>) dst(%dma_wait3A_358 : memref<80x128xf32, #tpu.memory_space<vmem>>)
      %dma_wait3A_367 = arith.constant 1 : i32
      %dma_wait3A_368 = arith.constant 1 : i32
      %dma_wait3A_369 = arith.constant 0 : i32
      %dma_wait3A_370 = tpu.memref_slice %arg7[%dma_wait3A_367, %dma_wait3A_369] : memref<4x80xi32, #tpu.memory_space<vmem>> -> memref<1x80xi32, #tpu.memory_space<vmem>>
      %dma_wait3A_371 = tpu.memref_squeeze %dma_wait3A_370 : memref<1x80xi32, #tpu.memory_space<vmem>> -> memref<80xi32, #tpu.memory_space<vmem>>
      %dma_wait3A_372 = arith.constant 0 : i32
      %dma_wait3A_373 = tpu.memref_slice %arg3[%dma_wait3A_372] : memref<320000xi32, #tpu.memory_space<hbm>> -> memref<80xi32, #tpu.memory_space<hbm>>
      %dma_wait3A_374 = tpu.memref_slice %arg13[%dma_wait3A_368] : memref<4x!tpu.dma_semaphore, #tpu.memory_space<semaphore_mem>> -> memref<1x!tpu.dma_semaphore, #tpu.memory_space<semaphore_mem>>
      %dma_wait3A_375 = tpu.memref_squeeze %dma_wait3A_374 : memref<1x!tpu.dma_semaphore, #tpu.memory_space<semaphore_mem>> -> memref<!tpu.dma_semaphore, #tpu.memory_space<semaphore_mem>>
      %dma_wait3A_376 = arith.constant 0 : i32
      %dma_wait3A_377 = tpu.memref_slice %arg7[%dma_wait3A_367, %dma_wait3A_376] : memref<4x80xi32, #tpu.memory_space<vmem>> -> memref<1x80xi32, #tpu.memory_space<vmem>>
      %dma_wait3A_378 = tpu.memref_squeeze %dma_wait3A_377 : memref<1x80xi32, #tpu.memory_space<vmem>> -> memref<80xi32, #tpu.memory_space<vmem>>
      %dma_wait3A_379 = arith.constant 0 : i32
      %dma_wait3A_380 = tpu.memref_slice %arg3[%dma_wait3A_379] : memref<320000xi32, #tpu.memory_space<hbm>> -> memref<80xi32, #tpu.memory_space<hbm>>
      tpu.wait_dma2 semaphore(%dma_wait3A_375 : memref<!tpu.dma_semaphore, #tpu.memory_space<semaphore_mem>>) src(%dma_wait3A_380 : memref<80xi32, #tpu.memory_space<hbm>>) dst(%dma_wait3A_378 : memref<80xi32, #tpu.memory_space<vmem>>)
      %dma_start3A_381 = arith.constant 1 : i32
      %dma_start3A_382 = arith.constant 1 : i32
      %dma_start3A_383 = arith.constant 1 : i32
      %dma_start3A_384 = arith.constant 0 : i32
      %dma_start3A_385 = arith.constant 0 : i32
      %dma_start3A_386 = tpu.memref_slice %arg10[%dma_start3A_381, %dma_start3A_384, %dma_start3A_385] : memref<4x80x128xf32, #tpu.memory_space<vmem>> -> memref<1x80x128xf32, #tpu.memory_space<vmem>>
      %dma_start3A_387 = tpu.memref_squeeze %dma_start3A_386 : memref<1x80x128xf32, #tpu.memory_space<vmem>> -> memref<80x128xf32, #tpu.memory_space<vmem>>
      %dma_start3A_388 = arith.constant 0 : i32
      %dma_start3A_389 = tpu.memref_slice %arg7[%dma_start3A_382, %dma_start3A_388] : memref<4x80xi32, #tpu.memory_space<vmem>> -> memref<1x80xi32, #tpu.memory_space<vmem>>
      %dma_start3A_390 = tpu.memref_squeeze %dma_start3A_389 : memref<1x80xi32, #tpu.memory_space<vmem>> -> memref<80xi32, #tpu.memory_space<vmem>>
      %dma_start3A_391 = arith.constant 0 : i32
      %dma_start3A_392 = arith.constant 0 : i32
      %dma_start3A_393 = tpu.memref_slice %arg11[%dma_start3A_391, %dma_start3A_392] : memref<10000x128xf32, #tpu.memory_space<vmem_shared>> -> memref<10000x128xf32, #tpu.memory_space<vmem_shared>>
      %dma_start3A_394 = tpu.memref_slice %arg15[%dma_start3A_383] : memref<4x!tpu.dma_semaphore, #tpu.memory_space<semaphore_mem>> -> memref<1x!tpu.dma_semaphore, #tpu.memory_space<semaphore_mem>>
      %dma_start3A_395 = tpu.memref_squeeze %dma_start3A_394 : memref<1x!tpu.dma_semaphore, #tpu.memory_space<semaphore_mem>> -> memref<!tpu.dma_semaphore, #tpu.memory_space<semaphore_mem>>
      tpu.enqueue_indirect_dma source(%dma_start3A_387 : memref<80x128xf32, #tpu.memory_space<vmem>>) target(%dma_start3A_393 : memref<10000x128xf32, #tpu.memory_space<vmem_shared>>) offsets(%dma_start3A_390 : memref<80xi32, #tpu.memory_space<vmem>>) semaphore(%dma_start3A_395 : memref<!tpu.dma_semaphore, #tpu.memory_space<semaphore_mem>>) {add = true}
      %dma_wait3A_396 = arith.constant 2 : i32
      %dma_wait3A_397 = arith.constant 2 : i32
      %dma_wait3A_398 = arith.constant 2 : i32
      %dma_wait3A_399 = arith.constant 0 : i32
      %dma_wait3A_400 = arith.constant 0 : i32
      %dma_wait3A_401 = tpu.memref_slice %arg10[%dma_wait3A_397, %dma_wait3A_399, %dma_wait3A_400] : memref<4x80x128xf32, #tpu.memory_space<vmem>> -> memref<1x80x128xf32, #tpu.memory_space<vmem>>
      %dma_wait3A_402 = tpu.memref_squeeze %dma_wait3A_401 : memref<1x80x128xf32, #tpu.memory_space<vmem>> -> memref<80x128xf32, #tpu.memory_space<vmem>>
      %dma_wait3A_403 = arith.constant 0 : i32
      %dma_wait3A_404 = tpu.memref_slice %arg6[%dma_wait3A_396, %dma_wait3A_403] : memref<4x80xi32, #tpu.memory_space<vmem>> -> memref<1x80xi32, #tpu.memory_space<vmem>>
      %dma_wait3A_405 = tpu.memref_squeeze %dma_wait3A_404 : memref<1x80xi32, #tpu.memory_space<vmem>> -> memref<80xi32, #tpu.memory_space<vmem>>
      %dma_wait3A_406 = arith.constant 0 : i32
      %dma_wait3A_407 = arith.constant 0 : i32
      %dma_wait3A_408 = tpu.memref_slice %arg2[%dma_wait3A_406, %dma_wait3A_407] : memref<10000x128xf32, #tpu.memory_space<hbm>> -> memref<10000x128xf32, #tpu.memory_space<hbm>>
      %dma_wait3A_409 = tpu.memref_slice %arg14[%dma_wait3A_398] : memref<4x!tpu.dma_semaphore, #tpu.memory_space<semaphore_mem>> -> memref<1x!tpu.dma_semaphore, #tpu.memory_space<semaphore_mem>>
      %dma_wait3A_410 = tpu.memref_squeeze %dma_wait3A_409 : memref<1x!tpu.dma_semaphore, #tpu.memory_space<semaphore_mem>> -> memref<!tpu.dma_semaphore, #tpu.memory_space<semaphore_mem>>
      tpu.wait_indirect_dma semaphore(%dma_wait3A_410 : memref<!tpu.dma_semaphore, #tpu.memory_space<semaphore_mem>>) src(%dma_wait3A_408 : memref<10000x128xf32, #tpu.memory_space<hbm>>) dst(%dma_wait3A_402 : memref<80x128xf32, #tpu.memory_space<vmem>>)
      %dma_wait3A_411 = arith.constant 2 : i32
      %dma_wait3A_412 = arith.constant 2 : i32
      %dma_wait3A_413 = arith.constant 0 : i32
      %dma_wait3A_414 = tpu.memref_slice %arg7[%dma_wait3A_411, %dma_wait3A_413] : memref<4x80xi32, #tpu.memory_space<vmem>> -> memref<1x80xi32, #tpu.memory_space<vmem>>
      %dma_wait3A_415 = tpu.memref_squeeze %dma_wait3A_414 : memref<1x80xi32, #tpu.memory_space<vmem>> -> memref<80xi32, #tpu.memory_space<vmem>>
      %dma_wait3A_416 = arith.constant 0 : i32
      %dma_wait3A_417 = tpu.memref_slice %arg3[%dma_wait3A_416] : memref<320000xi32, #tpu.memory_space<hbm>> -> memref<80xi32, #tpu.memory_space<hbm>>
      %dma_wait3A_418 = tpu.memref_slice %arg13[%dma_wait3A_412] : memref<4x!tpu.dma_semaphore, #tpu.memory_space<semaphore_mem>> -> memref<1x!tpu.dma_semaphore, #tpu.memory_space<semaphore_mem>>
      %dma_wait3A_419 = tpu.memref_squeeze %dma_wait3A_418 : memref<1x!tpu.dma_semaphore, #tpu.memory_space<semaphore_mem>> -> memref<!tpu.dma_semaphore, #tpu.memory_space<semaphore_mem>>
      %dma_wait3A_420 = arith.constant 0 : i32
      %dma_wait3A_421 = tpu.memref_slice %arg7[%dma_wait3A_411, %dma_wait3A_420] : memref<4x80xi32, #tpu.memory_space<vmem>> -> memref<1x80xi32, #tpu.memory_space<vmem>>
      %dma_wait3A_422 = tpu.memref_squeeze %dma_wait3A_421 : memref<1x80xi32, #tpu.memory_space<vmem>> -> memref<80xi32, #tpu.memory_space<vmem>>
      %dma_wait3A_423 = arith.constant 0 : i32
      %dma_wait3A_424 = tpu.memref_slice %arg3[%dma_wait3A_423] : memref<320000xi32, #tpu.memory_space<hbm>> -> memref<80xi32, #tpu.memory_space<hbm>>
      tpu.wait_dma2 semaphore(%dma_wait3A_419 : memref<!tpu.dma_semaphore, #tpu.memory_space<semaphore_mem>>) src(%dma_wait3A_424 : memref<80xi32, #tpu.memory_space<hbm>>) dst(%dma_wait3A_422 : memref<80xi32, #tpu.memory_space<vmem>>)
      %dma_start3A_425 = arith.constant 2 : i32
      %dma_start3A_426 = arith.constant 2 : i32
      %dma_start3A_427 = arith.constant 2 : i32
      %dma_start3A_428 = arith.constant 0 : i32
      %dma_start3A_429 = arith.constant 0 : i32
      %dma_start3A_430 = tpu.memref_slice %arg10[%dma_start3A_425, %dma_start3A_428, %dma_start3A_429] : memref<4x80x128xf32, #tpu.memory_space<vmem>> -> memref<1x80x128xf32, #tpu.memory_space<vmem>>
      %dma_start3A_431 = tpu.memref_squeeze %dma_start3A_430 : memref<1x80x128xf32, #tpu.memory_space<vmem>> -> memref<80x128xf32, #tpu.memory_space<vmem>>
      %dma_start3A_432 = arith.constant 0 : i32
      %dma_start3A_433 = tpu.memref_slice %arg7[%dma_start3A_426, %dma_start3A_432] : memref<4x80xi32, #tpu.memory_space<vmem>> -> memref<1x80xi32, #tpu.memory_space<vmem>>
      %dma_start3A_434 = tpu.memref_squeeze %dma_start3A_433 : memref<1x80xi32, #tpu.memory_space<vmem>> -> memref<80xi32, #tpu.memory_space<vmem>>
      %dma_start3A_435 = arith.constant 0 : i32
      %dma_start3A_436 = arith.constant 0 : i32
      %dma_start3A_437 = tpu.memref_slice %arg11[%dma_start3A_435, %dma_start3A_436] : memref<10000x128xf32, #tpu.memory_space<vmem_shared>> -> memref<10000x128xf32, #tpu.memory_space<vmem_shared>>
      %dma_start3A_438 = tpu.memref_slice %arg15[%dma_start3A_427] : memref<4x!tpu.dma_semaphore, #tpu.memory_space<semaphore_mem>> -> memref<1x!tpu.dma_semaphore, #tpu.memory_space<semaphore_mem>>
      %dma_start3A_439 = tpu.memref_squeeze %dma_start3A_438 : memref<1x!tpu.dma_semaphore, #tpu.memory_space<semaphore_mem>> -> memref<!tpu.dma_semaphore, #tpu.memory_space<semaphore_mem>>
      tpu.enqueue_indirect_dma source(%dma_start3A_431 : memref<80x128xf32, #tpu.memory_space<vmem>>) target(%dma_start3A_437 : memref<10000x128xf32, #tpu.memory_space<vmem_shared>>) offsets(%dma_start3A_434 : memref<80xi32, #tpu.memory_space<vmem>>) semaphore(%dma_start3A_439 : memref<!tpu.dma_semaphore, #tpu.memory_space<semaphore_mem>>) {add = true}
      %dma_wait3A_440 = arith.constant 3 : i32
      %dma_wait3A_441 = arith.constant 3 : i32
      %dma_wait3A_442 = arith.constant 3 : i32
      %dma_wait3A_443 = arith.constant 0 : i32
      %dma_wait3A_444 = arith.constant 0 : i32
      %dma_wait3A_445 = tpu.memref_slice %arg10[%dma_wait3A_441, %dma_wait3A_443, %dma_wait3A_444] : memref<4x80x128xf32, #tpu.memory_space<vmem>> -> memref<1x80x128xf32, #tpu.memory_space<vmem>>
      %dma_wait3A_446 = tpu.memref_squeeze %dma_wait3A_445 : memref<1x80x128xf32, #tpu.memory_space<vmem>> -> memref<80x128xf32, #tpu.memory_space<vmem>>
      %dma_wait3A_447 = arith.constant 0 : i32
      %dma_wait3A_448 = tpu.memref_slice %arg6[%dma_wait3A_440, %dma_wait3A_447] : memref<4x80xi32, #tpu.memory_space<vmem>> -> memref<1x80xi32, #tpu.memory_space<vmem>>
      %dma_wait3A_449 = tpu.memref_squeeze %dma_wait3A_448 : memref<1x80xi32, #tpu.memory_space<vmem>> -> memref<80xi32, #tpu.memory_space<vmem>>
      %dma_wait3A_450 = arith.constant 0 : i32
      %dma_wait3A_451 = arith.constant 0 : i32
      %dma_wait3A_452 = tpu.memref_slice %arg2[%dma_wait3A_450, %dma_wait3A_451] : memref<10000x128xf32, #tpu.memory_space<hbm>> -> memref<10000x128xf32, #tpu.memory_space<hbm>>
      %dma_wait3A_453 = tpu.memref_slice %arg14[%dma_wait3A_442] : memref<4x!tpu.dma_semaphore, #tpu.memory_space<semaphore_mem>> -> memref<1x!tpu.dma_semaphore, #tpu.memory_space<semaphore_mem>>
      %dma_wait3A_454 = tpu.memref_squeeze %dma_wait3A_453 : memref<1x!tpu.dma_semaphore, #tpu.memory_space<semaphore_mem>> -> memref<!tpu.dma_semaphore, #tpu.memory_space<semaphore_mem>>
      tpu.wait_indirect_dma semaphore(%dma_wait3A_454 : memref<!tpu.dma_semaphore, #tpu.memory_space<semaphore_mem>>) src(%dma_wait3A_452 : memref<10000x128xf32, #tpu.memory_space<hbm>>) dst(%dma_wait3A_446 : memref<80x128xf32, #tpu.memory_space<vmem>>)
      %dma_wait3A_455 = arith.constant 3 : i32
      %dma_wait3A_456 = arith.constant 3 : i32
      %dma_wait3A_457 = arith.constant 0 : i32
      %dma_wait3A_458 = tpu.memref_slice %arg7[%dma_wait3A_455, %dma_wait3A_457] : memref<4x80xi32, #tpu.memory_space<vmem>> -> memref<1x80xi32, #tpu.memory_space<vmem>>
      %dma_wait3A_459 = tpu.memref_squeeze %dma_wait3A_458 : memref<1x80xi32, #tpu.memory_space<vmem>> -> memref<80xi32, #tpu.memory_space<vmem>>
      %dma_wait3A_460 = arith.constant 0 : i32
      %dma_wait3A_461 = tpu.memref_slice %arg3[%dma_wait3A_460] : memref<320000xi32, #tpu.memory_space<hbm>> -> memref<80xi32, #tpu.memory_space<hbm>>
      %dma_wait3A_462 = tpu.memref_slice %arg13[%dma_wait3A_456] : memref<4x!tpu.dma_semaphore, #tpu.memory_space<semaphore_mem>> -> memref<1x!tpu.dma_semaphore, #tpu.memory_space<semaphore_mem>>
      %dma_wait3A_463 = tpu.memref_squeeze %dma_wait3A_462 : memref<1x!tpu.dma_semaphore, #tpu.memory_space<semaphore_mem>> -> memref<!tpu.dma_semaphore, #tpu.memory_space<semaphore_mem>>
      %dma_wait3A_464 = arith.constant 0 : i32
      %dma_wait3A_465 = tpu.memref_slice %arg7[%dma_wait3A_455, %dma_wait3A_464] : memref<4x80xi32, #tpu.memory_space<vmem>> -> memref<1x80xi32, #tpu.memory_space<vmem>>
      %dma_wait3A_466 = tpu.memref_squeeze %dma_wait3A_465 : memref<1x80xi32, #tpu.memory_space<vmem>> -> memref<80xi32, #tpu.memory_space<vmem>>
      %dma_wait3A_467 = arith.constant 0 : i32
      %dma_wait3A_468 = tpu.memref_slice %arg3[%dma_wait3A_467] : memref<320000xi32, #tpu.memory_space<hbm>> -> memref<80xi32, #tpu.memory_space<hbm>>
      tpu.wait_dma2 semaphore(%dma_wait3A_463 : memref<!tpu.dma_semaphore, #tpu.memory_space<semaphore_mem>>) src(%dma_wait3A_468 : memref<80xi32, #tpu.memory_space<hbm>>) dst(%dma_wait3A_466 : memref<80xi32, #tpu.memory_space<vmem>>)
      %dma_start3A_469 = arith.constant 3 : i32
      %dma_start3A_470 = arith.constant 3 : i32
      %dma_start3A_471 = arith.constant 3 : i32
      %dma_start3A_472 = arith.constant 0 : i32
      %dma_start3A_473 = arith.constant 0 : i32
      %dma_start3A_474 = tpu.memref_slice %arg10[%dma_start3A_469, %dma_start3A_472, %dma_start3A_473] : memref<4x80x128xf32, #tpu.memory_space<vmem>> -> memref<1x80x128xf32, #tpu.memory_space<vmem>>
      %dma_start3A_475 = tpu.memref_squeeze %dma_start3A_474 : memref<1x80x128xf32, #tpu.memory_space<vmem>> -> memref<80x128xf32, #tpu.memory_space<vmem>>
      %dma_start3A_476 = arith.constant 0 : i32
      %dma_start3A_477 = tpu.memref_slice %arg7[%dma_start3A_470, %dma_start3A_476] : memref<4x80xi32, #tpu.memory_space<vmem>> -> memref<1x80xi32, #tpu.memory_space<vmem>>
      %dma_start3A_478 = tpu.memref_squeeze %dma_start3A_477 : memref<1x80xi32, #tpu.memory_space<vmem>> -> memref<80xi32, #tpu.memory_space<vmem>>
      %dma_start3A_479 = arith.constant 0 : i32
      %dma_start3A_480 = arith.constant 0 : i32
      %dma_start3A_481 = tpu.memref_slice %arg11[%dma_start3A_479, %dma_start3A_480] : memref<10000x128xf32, #tpu.memory_space<vmem_shared>> -> memref<10000x128xf32, #tpu.memory_space<vmem_shared>>
      %dma_start3A_482 = tpu.memref_slice %arg15[%dma_start3A_471] : memref<4x!tpu.dma_semaphore, #tpu.memory_space<semaphore_mem>> -> memref<1x!tpu.dma_semaphore, #tpu.memory_space<semaphore_mem>>
      %dma_start3A_483 = tpu.memref_squeeze %dma_start3A_482 : memref<1x!tpu.dma_semaphore, #tpu.memory_space<semaphore_mem>> -> memref<!tpu.dma_semaphore, #tpu.memory_space<semaphore_mem>>
      tpu.enqueue_indirect_dma source(%dma_start3A_475 : memref<80x128xf32, #tpu.memory_space<vmem>>) target(%dma_start3A_481 : memref<10000x128xf32, #tpu.memory_space<vmem_shared>>) offsets(%dma_start3A_478 : memref<80xi32, #tpu.memory_space<vmem>>) semaphore(%dma_start3A_483 : memref<!tpu.dma_semaphore, #tpu.memory_space<semaphore_mem>>) {add = true}
      %dma_wait3A_484 = arith.constant 0 : i32
      %dma_wait3A_485 = arith.constant 0 : i32
      %dma_wait3A_486 = arith.constant 0 : i32
      %dma_wait3A_487 = arith.constant 0 : i32
      %dma_wait3A_488 = tpu.memref_slice %arg10[%dma_wait3A_484, %dma_wait3A_486, %dma_wait3A_487] : memref<4x80x128xf32, #tpu.memory_space<vmem>> -> memref<1x80x128xf32, #tpu.memory_space<vmem>>
      %dma_wait3A_489 = tpu.memref_squeeze %dma_wait3A_488 : memref<1x80x128xf32, #tpu.memory_space<vmem>> -> memref<80x128xf32, #tpu.memory_space<vmem>>
      %dma_wait3A_490 = arith.constant 0 : i32
      %dma_wait3A_491 = arith.constant 0 : i32
      %dma_wait3A_492 = tpu.memref_slice %arg11[%dma_wait3A_490, %dma_wait3A_491] : memref<10000x128xf32, #tpu.memory_space<vmem_shared>> -> memref<80x128xf32, #tpu.memory_space<vmem_shared>>
      %dma_wait3A_493 = tpu.memref_slice %arg15[%dma_wait3A_485] : memref<4x!tpu.dma_semaphore, #tpu.memory_space<semaphore_mem>> -> memref<1x!tpu.dma_semaphore, #tpu.memory_space<semaphore_mem>>
      %dma_wait3A_494 = tpu.memref_squeeze %dma_wait3A_493 : memref<1x!tpu.dma_semaphore, #tpu.memory_space<semaphore_mem>> -> memref<!tpu.dma_semaphore, #tpu.memory_space<semaphore_mem>>
      %dma_wait3A_495 = arith.constant 0 : i32
      %dma_wait3A_496 = arith.constant 0 : i32
      %dma_wait3A_497 = tpu.memref_slice %arg11[%dma_wait3A_495, %dma_wait3A_496] : memref<10000x128xf32, #tpu.memory_space<vmem_shared>> -> memref<80x128xf32, #tpu.memory_space<vmem_shared>>
      %dma_wait3A_498 = arith.constant 0 : i32
      %dma_wait3A_499 = arith.constant 0 : i32
      %dma_wait3A_500 = tpu.memref_slice %arg10[%dma_wait3A_484, %dma_wait3A_498, %dma_wait3A_499] : memref<4x80x128xf32, #tpu.memory_space<vmem>> -> memref<1x80x128xf32, #tpu.memory_space<vmem>>
      %dma_wait3A_501 = tpu.memref_squeeze %dma_wait3A_500 : memref<1x80x128xf32, #tpu.memory_space<vmem>> -> memref<80x128xf32, #tpu.memory_space<vmem>>
      tpu.wait_dma2 semaphore(%dma_wait3A_494 : memref<!tpu.dma_semaphore, #tpu.memory_space<semaphore_mem>>) src(%dma_wait3A_501 : memref<80x128xf32, #tpu.memory_space<vmem>>) dst(%dma_wait3A_497 : memref<80x128xf32, #tpu.memory_space<vmem_shared>>)
      %lt3A = arith.constant 30 : i32
      %lt3A_502 = arith.cmpi slt, %add3A_191, %lt3A : i32
      %convert_element_type3A_503 = arith.extui %lt3A_502 : i1 to i32
      %cond3A_504 = arith.constant 0 : i32
      %cond3A_505 = arith.cmpi ne, %convert_element_type3A_503, %cond3A_504 : i32
      scf.if %cond3A_505 {
        %add3A_575 = arith.constant 1 : i32
        %add3A_576 = arith.addi %add3A_191, %add3A_575 : i32
        %mul3A_577 = arith.constant 4 : i32
        %mul3A_578 = arith.muli %add3A_576, %mul3A_577 : i32
        %mul3A_579 = arith.constant 80 : i32
        %mul3A_580 = arith.muli %mul3A_578, %mul3A_579 : i32
        %add3A_581 = arith.addi %mul3A_2, %mul3A_580 : i32
        %add3A_582 = arith.constant 0 : i32
        %add3A_583 = arith.addi %add3A_581, %add3A_582 : i32
        %dma_start3A_584 = arith.constant 0 : i32
        %dma_start3A_585 = arith.constant 0 : i32
        %dma_start3A_586 = arith.constant 0 : i32
        %dma_start3A_587 = tpu.memref_slice %arg6[%dma_start3A_584, %dma_start3A_586] : memref<4x80xi32, #tpu.memory_space<vmem>> -> memref<1x80xi32, #tpu.memory_space<vmem>>
        %dma_start3A_588 = tpu.memref_squeeze %dma_start3A_587 : memref<1x80xi32, #tpu.memory_space<vmem>> -> memref<80xi32, #tpu.memory_space<vmem>>
        %dma_start3A_589 = tpu.memref_slice %arg3[%add3A_583] : memref<320000xi32, #tpu.memory_space<hbm>> -> memref<80xi32, #tpu.memory_space<hbm>>
        %dma_start3A_590 = tpu.memref_slice %arg12[%dma_start3A_585] : memref<4x!tpu.dma_semaphore, #tpu.memory_space<semaphore_mem>> -> memref<1x!tpu.dma_semaphore, #tpu.memory_space<semaphore_mem>>
        %dma_start3A_591 = tpu.memref_squeeze %dma_start3A_590 : memref<1x!tpu.dma_semaphore, #tpu.memory_space<semaphore_mem>> -> memref<!tpu.dma_semaphore, #tpu.memory_space<semaphore_mem>>
        %dma_start3A_592 = arith.constant 0 : i32
        %dma_start3A_593 = tpu.memref_slice %arg6[%dma_start3A_584, %dma_start3A_592] : memref<4x80xi32, #tpu.memory_space<vmem>> -> memref<1x80xi32, #tpu.memory_space<vmem>>
        %dma_start3A_594 = tpu.memref_squeeze %dma_start3A_593 : memref<1x80xi32, #tpu.memory_space<vmem>> -> memref<80xi32, #tpu.memory_space<vmem>>
        %dma_start3A_595 = tpu.memref_slice %arg3[%add3A_583] : memref<320000xi32, #tpu.memory_space<hbm>> -> memref<80xi32, #tpu.memory_space<hbm>>
        tpu.enqueue_dma source(%dma_start3A_595 : memref<80xi32, #tpu.memory_space<hbm>>) target(%dma_start3A_594 : memref<80xi32, #tpu.memory_space<vmem>>) target_semaphore(%dma_start3A_591 : memref<!tpu.dma_semaphore, #tpu.memory_space<semaphore_mem>>)
        %dma_start3A_596 = arith.constant 0 : i32
        %dma_start3A_597 = arith.constant 0 : i32
        %dma_start3A_598 = arith.constant 0 : i32
        %dma_start3A_599 = tpu.memref_slice %arg7[%dma_start3A_596, %dma_start3A_598] : memref<4x80xi32, #tpu.memory_space<vmem>> -> memref<1x80xi32, #tpu.memory_space<vmem>>
        %dma_start3A_600 = tpu.memref_squeeze %dma_start3A_599 : memref<1x80xi32, #tpu.memory_space<vmem>> -> memref<80xi32, #tpu.memory_space<vmem>>
        %dma_start3A_601 = tpu.memref_slice %arg4[%add3A_583] : memref<320000xi32, #tpu.memory_space<hbm>> -> memref<80xi32, #tpu.memory_space<hbm>>
        %dma_start3A_602 = tpu.memref_slice %arg13[%dma_start3A_597] : memref<4x!tpu.dma_semaphore, #tpu.memory_space<semaphore_mem>> -> memref<1x!tpu.dma_semaphore, #tpu.memory_space<semaphore_mem>>
        %dma_start3A_603 = tpu.memref_squeeze %dma_start3A_602 : memref<1x!tpu.dma_semaphore, #tpu.memory_space<semaphore_mem>> -> memref<!tpu.dma_semaphore, #tpu.memory_space<semaphore_mem>>
        %dma_start3A_604 = arith.constant 0 : i32
        %dma_start3A_605 = tpu.memref_slice %arg7[%dma_start3A_596, %dma_start3A_604] : memref<4x80xi32, #tpu.memory_space<vmem>> -> memref<1x80xi32, #tpu.memory_space<vmem>>
        %dma_start3A_606 = tpu.memref_squeeze %dma_start3A_605 : memref<1x80xi32, #tpu.memory_space<vmem>> -> memref<80xi32, #tpu.memory_space<vmem>>
        %dma_start3A_607 = tpu.memref_slice %arg4[%add3A_583] : memref<320000xi32, #tpu.memory_space<hbm>> -> memref<80xi32, #tpu.memory_space<hbm>>
        tpu.enqueue_dma source(%dma_start3A_607 : memref<80xi32, #tpu.memory_space<hbm>>) target(%dma_start3A_606 : memref<80xi32, #tpu.memory_space<vmem>>) target_semaphore(%dma_start3A_603 : memref<!tpu.dma_semaphore, #tpu.memory_space<semaphore_mem>>)
      } else {
      }
      %dma_wait3A_506 = arith.constant 1 : i32
      %dma_wait3A_507 = arith.constant 1 : i32
      %dma_wait3A_508 = arith.constant 0 : i32
      %dma_wait3A_509 = arith.constant 0 : i32
      %dma_wait3A_510 = tpu.memref_slice %arg10[%dma_wait3A_506, %dma_wait3A_508, %dma_wait3A_509] : memref<4x80x128xf32, #tpu.memory_space<vmem>> -> memref<1x80x128xf32, #tpu.memory_space<vmem>>
      %dma_wait3A_511 = tpu.memref_squeeze %dma_wait3A_510 : memref<1x80x128xf32, #tpu.memory_space<vmem>> -> memref<80x128xf32, #tpu.memory_space<vmem>>
      %dma_wait3A_512 = arith.constant 0 : i32
      %dma_wait3A_513 = arith.constant 0 : i32
      %dma_wait3A_514 = tpu.memref_slice %arg11[%dma_wait3A_512, %dma_wait3A_513] : memref<10000x128xf32, #tpu.memory_space<vmem_shared>> -> memref<80x128xf32, #tpu.memory_space<vmem_shared>>
      %dma_wait3A_515 = tpu.memref_slice %arg15[%dma_wait3A_507] : memref<4x!tpu.dma_semaphore, #tpu.memory_space<semaphore_mem>> -> memref<1x!tpu.dma_semaphore, #tpu.memory_space<semaphore_mem>>
      %dma_wait3A_516 = tpu.memref_squeeze %dma_wait3A_515 : memref<1x!tpu.dma_semaphore, #tpu.memory_space<semaphore_mem>> -> memref<!tpu.dma_semaphore, #tpu.memory_space<semaphore_mem>>
      %dma_wait3A_517 = arith.constant 0 : i32
      %dma_wait3A_518 = arith.constant 0 : i32
      %dma_wait3A_519 = tpu.memref_slice %arg11[%dma_wait3A_517, %dma_wait3A_518] : memref<10000x128xf32, #tpu.memory_space<vmem_shared>> -> memref<80x128xf32, #tpu.memory_space<vmem_shared>>
      %dma_wait3A_520 = arith.constant 0 : i32
      %dma_wait3A_521 = arith.constant 0 : i32
      %dma_wait3A_522 = tpu.memref_slice %arg10[%dma_wait3A_506, %dma_wait3A_520, %dma_wait3A_521] : memref<4x80x128xf32, #tpu.memory_space<vmem>> -> memref<1x80x128xf32, #tpu.memory_space<vmem>>
      %dma_wait3A_523 = tpu.memref_squeeze %dma_wait3A_522 : memref<1x80x128xf32, #tpu.memory_space<vmem>> -> memref<80x128xf32, #tpu.memory_space<vmem>>
      tpu.wait_dma2 semaphore(%dma_wait3A_516 : memref<!tpu.dma_semaphore, #tpu.memory_space<semaphore_mem>>) src(%dma_wait3A_523 : memref<80x128xf32, #tpu.memory_space<vmem>>) dst(%dma_wait3A_519 : memref<80x128xf32, #tpu.memory_space<vmem_shared>>)
      %lt3A_524 = arith.constant 30 : i32
      %lt3A_525 = arith.cmpi slt, %add3A_191, %lt3A_524 : i32
      %convert_element_type3A_526 = arith.extui %lt3A_525 : i1 to i32
      %cond3A_527 = arith.constant 0 : i32
      %cond3A_528 = arith.cmpi ne, %convert_element_type3A_526, %cond3A_527 : i32
      scf.if %cond3A_528 {
        %add3A_575 = arith.constant 1 : i32
        %add3A_576 = arith.addi %add3A_191, %add3A_575 : i32
        %mul3A_577 = arith.constant 4 : i32
        %mul3A_578 = arith.muli %add3A_576, %mul3A_577 : i32
        %mul3A_579 = arith.constant 80 : i32
        %mul3A_580 = arith.muli %mul3A_578, %mul3A_579 : i32
        %add3A_581 = arith.addi %mul3A_2, %mul3A_580 : i32
        %add3A_582 = arith.constant 80 : i32
        %add3A_583 = arith.addi %add3A_581, %add3A_582 : i32
        %dma_start3A_584 = arith.constant 1 : i32
        %dma_start3A_585 = arith.constant 1 : i32
        %dma_start3A_586 = arith.constant 0 : i32
        %dma_start3A_587 = tpu.memref_slice %arg6[%dma_start3A_584, %dma_start3A_586] : memref<4x80xi32, #tpu.memory_space<vmem>> -> memref<1x80xi32, #tpu.memory_space<vmem>>
        %dma_start3A_588 = tpu.memref_squeeze %dma_start3A_587 : memref<1x80xi32, #tpu.memory_space<vmem>> -> memref<80xi32, #tpu.memory_space<vmem>>
        %dma_start3A_589 = tpu.memref_slice %arg3[%add3A_583] : memref<320000xi32, #tpu.memory_space<hbm>> -> memref<80xi32, #tpu.memory_space<hbm>>
        %dma_start3A_590 = tpu.memref_slice %arg12[%dma_start3A_585] : memref<4x!tpu.dma_semaphore, #tpu.memory_space<semaphore_mem>> -> memref<1x!tpu.dma_semaphore, #tpu.memory_space<semaphore_mem>>
        %dma_start3A_591 = tpu.memref_squeeze %dma_start3A_590 : memref<1x!tpu.dma_semaphore, #tpu.memory_space<semaphore_mem>> -> memref<!tpu.dma_semaphore, #tpu.memory_space<semaphore_mem>>
        %dma_start3A_592 = arith.constant 0 : i32
        %dma_start3A_593 = tpu.memref_slice %arg6[%dma_start3A_584, %dma_start3A_592] : memref<4x80xi32, #tpu.memory_space<vmem>> -> memref<1x80xi32, #tpu.memory_space<vmem>>
        %dma_start3A_594 = tpu.memref_squeeze %dma_start3A_593 : memref<1x80xi32, #tpu.memory_space<vmem>> -> memref<80xi32, #tpu.memory_space<vmem>>
        %dma_start3A_595 = tpu.memref_slice %arg3[%add3A_583] : memref<320000xi32, #tpu.memory_space<hbm>> -> memref<80xi32, #tpu.memory_space<hbm>>
        tpu.enqueue_dma source(%dma_start3A_595 : memref<80xi32, #tpu.memory_space<hbm>>) target(%dma_start3A_594 : memref<80xi32, #tpu.memory_space<vmem>>) target_semaphore(%dma_start3A_591 : memref<!tpu.dma_semaphore, #tpu.memory_space<semaphore_mem>>)
        %dma_start3A_596 = arith.constant 1 : i32
        %dma_start3A_597 = arith.constant 1 : i32
        %dma_start3A_598 = arith.constant 0 : i32
        %dma_start3A_599 = tpu.memref_slice %arg7[%dma_start3A_596, %dma_start3A_598] : memref<4x80xi32, #tpu.memory_space<vmem>> -> memref<1x80xi32, #tpu.memory_space<vmem>>
        %dma_start3A_600 = tpu.memref_squeeze %dma_start3A_599 : memref<1x80xi32, #tpu.memory_space<vmem>> -> memref<80xi32, #tpu.memory_space<vmem>>
        %dma_start3A_601 = tpu.memref_slice %arg4[%add3A_583] : memref<320000xi32, #tpu.memory_space<hbm>> -> memref<80xi32, #tpu.memory_space<hbm>>
        %dma_start3A_602 = tpu.memref_slice %arg13[%dma_start3A_597] : memref<4x!tpu.dma_semaphore, #tpu.memory_space<semaphore_mem>> -> memref<1x!tpu.dma_semaphore, #tpu.memory_space<semaphore_mem>>
        %dma_start3A_603 = tpu.memref_squeeze %dma_start3A_602 : memref<1x!tpu.dma_semaphore, #tpu.memory_space<semaphore_mem>> -> memref<!tpu.dma_semaphore, #tpu.memory_space<semaphore_mem>>
        %dma_start3A_604 = arith.constant 0 : i32
        %dma_start3A_605 = tpu.memref_slice %arg7[%dma_start3A_596, %dma_start3A_604] : memref<4x80xi32, #tpu.memory_space<vmem>> -> memref<1x80xi32, #tpu.memory_space<vmem>>
        %dma_start3A_606 = tpu.memref_squeeze %dma_start3A_605 : memref<1x80xi32, #tpu.memory_space<vmem>> -> memref<80xi32, #tpu.memory_space<vmem>>
        %dma_start3A_607 = tpu.memref_slice %arg4[%add3A_583] : memref<320000xi32, #tpu.memory_space<hbm>> -> memref<80xi32, #tpu.memory_space<hbm>>
        tpu.enqueue_dma source(%dma_start3A_607 : memref<80xi32, #tpu.memory_space<hbm>>) target(%dma_start3A_606 : memref<80xi32, #tpu.memory_space<vmem>>) target_semaphore(%dma_start3A_603 : memref<!tpu.dma_semaphore, #tpu.memory_space<semaphore_mem>>)
      } else {
      }
      %dma_wait3A_529 = arith.constant 2 : i32
      %dma_wait3A_530 = arith.constant 2 : i32
      %dma_wait3A_531 = arith.constant 0 : i32
      %dma_wait3A_532 = arith.constant 0 : i32
      %dma_wait3A_533 = tpu.memref_slice %arg10[%dma_wait3A_529, %dma_wait3A_531, %dma_wait3A_532] : memref<4x80x128xf32, #tpu.memory_space<vmem>> -> memref<1x80x128xf32, #tpu.memory_space<vmem>>
      %dma_wait3A_534 = tpu.memref_squeeze %dma_wait3A_533 : memref<1x80x128xf32, #tpu.memory_space<vmem>> -> memref<80x128xf32, #tpu.memory_space<vmem>>
      %dma_wait3A_535 = arith.constant 0 : i32
      %dma_wait3A_536 = arith.constant 0 : i32
      %dma_wait3A_537 = tpu.memref_slice %arg11[%dma_wait3A_535, %dma_wait3A_536] : memref<10000x128xf32, #tpu.memory_space<vmem_shared>> -> memref<80x128xf32, #tpu.memory_space<vmem_shared>>
      %dma_wait3A_538 = tpu.memref_slice %arg15[%dma_wait3A_530] : memref<4x!tpu.dma_semaphore, #tpu.memory_space<semaphore_mem>> -> memref<1x!tpu.dma_semaphore, #tpu.memory_space<semaphore_mem>>
      %dma_wait3A_539 = tpu.memref_squeeze %dma_wait3A_538 : memref<1x!tpu.dma_semaphore, #tpu.memory_space<semaphore_mem>> -> memref<!tpu.dma_semaphore, #tpu.memory_space<semaphore_mem>>
      %dma_wait3A_540 = arith.constant 0 : i32
      %dma_wait3A_541 = arith.constant 0 : i32
      %dma_wait3A_542 = tpu.memref_slice %arg11[%dma_wait3A_540, %dma_wait3A_541] : memref<10000x128xf32, #tpu.memory_space<vmem_shared>> -> memref<80x128xf32, #tpu.memory_space<vmem_shared>>
      %dma_wait3A_543 = arith.constant 0 : i32
      %dma_wait3A_544 = arith.constant 0 : i32
      %dma_wait3A_545 = tpu.memref_slice %arg10[%dma_wait3A_529, %dma_wait3A_543, %dma_wait3A_544] : memref<4x80x128xf32, #tpu.memory_space<vmem>> -> memref<1x80x128xf32, #tpu.memory_space<vmem>>
      %dma_wait3A_546 = tpu.memref_squeeze %dma_wait3A_545 : memref<1x80x128xf32, #tpu.memory_space<vmem>> -> memref<80x128xf32, #tpu.memory_space<vmem>>
      tpu.wait_dma2 semaphore(%dma_wait3A_539 : memref<!tpu.dma_semaphore, #tpu.memory_space<semaphore_mem>>) src(%dma_wait3A_546 : memref<80x128xf32, #tpu.memory_space<vmem>>) dst(%dma_wait3A_542 : memref<80x128xf32, #tpu.memory_space<vmem_shared>>)
      %lt3A_547 = arith.constant 30 : i32
      %lt3A_548 = arith.cmpi slt, %add3A_191, %lt3A_547 : i32
      %convert_element_type3A_549 = arith.extui %lt3A_548 : i1 to i32
      %cond3A_550 = arith.constant 0 : i32
      %cond3A_551 = arith.cmpi ne, %convert_element_type3A_549, %cond3A_550 : i32
      scf.if %cond3A_551 {
        %add3A_575 = arith.constant 1 : i32
        %add3A_576 = arith.addi %add3A_191, %add3A_575 : i32
        %mul3A_577 = arith.constant 4 : i32
        %mul3A_578 = arith.muli %add3A_576, %mul3A_577 : i32
        %mul3A_579 = arith.constant 80 : i32
        %mul3A_580 = arith.muli %mul3A_578, %mul3A_579 : i32
        %add3A_581 = arith.addi %mul3A_2, %mul3A_580 : i32
        %add3A_582 = arith.constant 160 : i32
        %add3A_583 = arith.addi %add3A_581, %add3A_582 : i32
        %dma_start3A_584 = arith.constant 2 : i32
        %dma_start3A_585 = arith.constant 2 : i32
        %dma_start3A_586 = arith.constant 0 : i32
        %dma_start3A_587 = tpu.memref_slice %arg6[%dma_start3A_584, %dma_start3A_586] : memref<4x80xi32, #tpu.memory_space<vmem>> -> memref<1x80xi32, #tpu.memory_space<vmem>>
        %dma_start3A_588 = tpu.memref_squeeze %dma_start3A_587 : memref<1x80xi32, #tpu.memory_space<vmem>> -> memref<80xi32, #tpu.memory_space<vmem>>
        %dma_start3A_589 = tpu.memref_slice %arg3[%add3A_583] : memref<320000xi32, #tpu.memory_space<hbm>> -> memref<80xi32, #tpu.memory_space<hbm>>
        %dma_start3A_590 = tpu.memref_slice %arg12[%dma_start3A_585] : memref<4x!tpu.dma_semaphore, #tpu.memory_space<semaphore_mem>> -> memref<1x!tpu.dma_semaphore, #tpu.memory_space<semaphore_mem>>
        %dma_start3A_591 = tpu.memref_squeeze %dma_start3A_590 : memref<1x!tpu.dma_semaphore, #tpu.memory_space<semaphore_mem>> -> memref<!tpu.dma_semaphore, #tpu.memory_space<semaphore_mem>>
        %dma_start3A_592 = arith.constant 0 : i32
        %dma_start3A_593 = tpu.memref_slice %arg6[%dma_start3A_584, %dma_start3A_592] : memref<4x80xi32, #tpu.memory_space<vmem>> -> memref<1x80xi32, #tpu.memory_space<vmem>>
        %dma_start3A_594 = tpu.memref_squeeze %dma_start3A_593 : memref<1x80xi32, #tpu.memory_space<vmem>> -> memref<80xi32, #tpu.memory_space<vmem>>
        %dma_start3A_595 = tpu.memref_slice %arg3[%add3A_583] : memref<320000xi32, #tpu.memory_space<hbm>> -> memref<80xi32, #tpu.memory_space<hbm>>
        tpu.enqueue_dma source(%dma_start3A_595 : memref<80xi32, #tpu.memory_space<hbm>>) target(%dma_start3A_594 : memref<80xi32, #tpu.memory_space<vmem>>) target_semaphore(%dma_start3A_591 : memref<!tpu.dma_semaphore, #tpu.memory_space<semaphore_mem>>)
        %dma_start3A_596 = arith.constant 2 : i32
        %dma_start3A_597 = arith.constant 2 : i32
        %dma_start3A_598 = arith.constant 0 : i32
        %dma_start3A_599 = tpu.memref_slice %arg7[%dma_start3A_596, %dma_start3A_598] : memref<4x80xi32, #tpu.memory_space<vmem>> -> memref<1x80xi32, #tpu.memory_space<vmem>>
        %dma_start3A_600 = tpu.memref_squeeze %dma_start3A_599 : memref<1x80xi32, #tpu.memory_space<vmem>> -> memref<80xi32, #tpu.memory_space<vmem>>
        %dma_start3A_601 = tpu.memref_slice %arg4[%add3A_583] : memref<320000xi32, #tpu.memory_space<hbm>> -> memref<80xi32, #tpu.memory_space<hbm>>
        %dma_start3A_602 = tpu.memref_slice %arg13[%dma_start3A_597] : memref<4x!tpu.dma_semaphore, #tpu.memory_space<semaphore_mem>> -> memref<1x!tpu.dma_semaphore, #tpu.memory_space<semaphore_mem>>
        %dma_start3A_603 = tpu.memref_squeeze %dma_start3A_602 : memref<1x!tpu.dma_semaphore, #tpu.memory_space<semaphore_mem>> -> memref<!tpu.dma_semaphore, #tpu.memory_space<semaphore_mem>>
        %dma_start3A_604 = arith.constant 0 : i32
        %dma_start3A_605 = tpu.memref_slice %arg7[%dma_start3A_596, %dma_start3A_604] : memref<4x80xi32, #tpu.memory_space<vmem>> -> memref<1x80xi32, #tpu.memory_space<vmem>>
        %dma_start3A_606 = tpu.memref_squeeze %dma_start3A_605 : memref<1x80xi32, #tpu.memory_space<vmem>> -> memref<80xi32, #tpu.memory_space<vmem>>
        %dma_start3A_607 = tpu.memref_slice %arg4[%add3A_583] : memref<320000xi32, #tpu.memory_space<hbm>> -> memref<80xi32, #tpu.memory_space<hbm>>
        tpu.enqueue_dma source(%dma_start3A_607 : memref<80xi32, #tpu.memory_space<hbm>>) target(%dma_start3A_606 : memref<80xi32, #tpu.memory_space<vmem>>) target_semaphore(%dma_start3A_603 : memref<!tpu.dma_semaphore, #tpu.memory_space<semaphore_mem>>)
      } else {
      }
      %dma_wait3A_552 = arith.constant 3 : i32
      %dma_wait3A_553 = arith.constant 3 : i32
      %dma_wait3A_554 = arith.constant 0 : i32
      %dma_wait3A_555 = arith.constant 0 : i32
      %dma_wait3A_556 = tpu.memref_slice %arg10[%dma_wait3A_552, %dma_wait3A_554, %dma_wait3A_555] : memref<4x80x128xf32, #tpu.memory_space<vmem>> -> memref<1x80x128xf32, #tpu.memory_space<vmem>>
      %dma_wait3A_557 = tpu.memref_squeeze %dma_wait3A_556 : memref<1x80x128xf32, #tpu.memory_space<vmem>> -> memref<80x128xf32, #tpu.memory_space<vmem>>
      %dma_wait3A_558 = arith.constant 0 : i32
      %dma_wait3A_559 = arith.constant 0 : i32
      %dma_wait3A_560 = tpu.memref_slice %arg11[%dma_wait3A_558, %dma_wait3A_559] : memref<10000x128xf32, #tpu.memory_space<vmem_shared>> -> memref<80x128xf32, #tpu.memory_space<vmem_shared>>
      %dma_wait3A_561 = tpu.memref_slice %arg15[%dma_wait3A_553] : memref<4x!tpu.dma_semaphore, #tpu.memory_space<semaphore_mem>> -> memref<1x!tpu.dma_semaphore, #tpu.memory_space<semaphore_mem>>
      %dma_wait3A_562 = tpu.memref_squeeze %dma_wait3A_561 : memref<1x!tpu.dma_semaphore, #tpu.memory_space<semaphore_mem>> -> memref<!tpu.dma_semaphore, #tpu.memory_space<semaphore_mem>>
      %dma_wait3A_563 = arith.constant 0 : i32
      %dma_wait3A_564 = arith.constant 0 : i32
      %dma_wait3A_565 = tpu.memref_slice %arg11[%dma_wait3A_563, %dma_wait3A_564] : memref<10000x128xf32, #tpu.memory_space<vmem_shared>> -> memref<80x128xf32, #tpu.memory_space<vmem_shared>>
      %dma_wait3A_566 = arith.constant 0 : i32
      %dma_wait3A_567 = arith.constant 0 : i32
      %dma_wait3A_568 = tpu.memref_slice %arg10[%dma_wait3A_552, %dma_wait3A_566, %dma_wait3A_567] : memref<4x80x128xf32, #tpu.memory_space<vmem>> -> memref<1x80x128xf32, #tpu.memory_space<vmem>>
      %dma_wait3A_569 = tpu.memref_squeeze %dma_wait3A_568 : memref<1x80x128xf32, #tpu.memory_space<vmem>> -> memref<80x128xf32, #tpu.memory_space<vmem>>
      tpu.wait_dma2 semaphore(%dma_wait3A_562 : memref<!tpu.dma_semaphore, #tpu.memory_space<semaphore_mem>>) src(%dma_wait3A_569 : memref<80x128xf32, #tpu.memory_space<vmem>>) dst(%dma_wait3A_565 : memref<80x128xf32, #tpu.memory_space<vmem_shared>>)
      %lt3A_570 = arith.constant 30 : i32
      %lt3A_571 = arith.cmpi slt, %add3A_191, %lt3A_570 : i32
      %convert_element_type3A_572 = arith.extui %lt3A_571 : i1 to i32
      %cond3A_573 = arith.constant 0 : i32
      %cond3A_574 = arith.cmpi ne, %convert_element_type3A_572, %cond3A_573 : i32
      scf.if %cond3A_574 {
        %add3A_575 = arith.constant 1 : i32
        %add3A_576 = arith.addi %add3A_191, %add3A_575 : i32
        %mul3A_577 = arith.constant 4 : i32
        %mul3A_578 = arith.muli %add3A_576, %mul3A_577 : i32
        %mul3A_579 = arith.constant 80 : i32
        %mul3A_580 = arith.muli %mul3A_578, %mul3A_579 : i32
        %add3A_581 = arith.addi %mul3A_2, %mul3A_580 : i32
        %add3A_582 = arith.constant 240 : i32
        %add3A_583 = arith.addi %add3A_581, %add3A_582 : i32
        %dma_start3A_584 = arith.constant 3 : i32
        %dma_start3A_585 = arith.constant 3 : i32
        %dma_start3A_586 = arith.constant 0 : i32
        %dma_start3A_587 = tpu.memref_slice %arg6[%dma_start3A_584, %dma_start3A_586] : memref<4x80xi32, #tpu.memory_space<vmem>> -> memref<1x80xi32, #tpu.memory_space<vmem>>
        %dma_start3A_588 = tpu.memref_squeeze %dma_start3A_587 : memref<1x80xi32, #tpu.memory_space<vmem>> -> memref<80xi32, #tpu.memory_space<vmem>>
        %dma_start3A_589 = tpu.memref_slice %arg3[%add3A_583] : memref<320000xi32, #tpu.memory_space<hbm>> -> memref<80xi32, #tpu.memory_space<hbm>>
        %dma_start3A_590 = tpu.memref_slice %arg12[%dma_start3A_585] : memref<4x!tpu.dma_semaphore, #tpu.memory_space<semaphore_mem>> -> memref<1x!tpu.dma_semaphore, #tpu.memory_space<semaphore_mem>>
        %dma_start3A_591 = tpu.memref_squeeze %dma_start3A_590 : memref<1x!tpu.dma_semaphore, #tpu.memory_space<semaphore_mem>> -> memref<!tpu.dma_semaphore, #tpu.memory_space<semaphore_mem>>
        %dma_start3A_592 = arith.constant 0 : i32
        %dma_start3A_593 = tpu.memref_slice %arg6[%dma_start3A_584, %dma_start3A_592] : memref<4x80xi32, #tpu.memory_space<vmem>> -> memref<1x80xi32, #tpu.memory_space<vmem>>
        %dma_start3A_594 = tpu.memref_squeeze %dma_start3A_593 : memref<1x80xi32, #tpu.memory_space<vmem>> -> memref<80xi32, #tpu.memory_space<vmem>>
        %dma_start3A_595 = tpu.memref_slice %arg3[%add3A_583] : memref<320000xi32, #tpu.memory_space<hbm>> -> memref<80xi32, #tpu.memory_space<hbm>>
        tpu.enqueue_dma source(%dma_start3A_595 : memref<80xi32, #tpu.memory_space<hbm>>) target(%dma_start3A_594 : memref<80xi32, #tpu.memory_space<vmem>>) target_semaphore(%dma_start3A_591 : memref<!tpu.dma_semaphore, #tpu.memory_space<semaphore_mem>>)
        %dma_start3A_596 = arith.constant 3 : i32
        %dma_start3A_597 = arith.constant 3 : i32
        %dma_start3A_598 = arith.constant 0 : i32
        %dma_start3A_599 = tpu.memref_slice %arg7[%dma_start3A_596, %dma_start3A_598] : memref<4x80xi32, #tpu.memory_space<vmem>> -> memref<1x80xi32, #tpu.memory_space<vmem>>
        %dma_start3A_600 = tpu.memref_squeeze %dma_start3A_599 : memref<1x80xi32, #tpu.memory_space<vmem>> -> memref<80xi32, #tpu.memory_space<vmem>>
        %dma_start3A_601 = tpu.memref_slice %arg4[%add3A_583] : memref<320000xi32, #tpu.memory_space<hbm>> -> memref<80xi32, #tpu.memory_space<hbm>>
        %dma_start3A_602 = tpu.memref_slice %arg13[%dma_start3A_597] : memref<4x!tpu.dma_semaphore, #tpu.memory_space<semaphore_mem>> -> memref<1x!tpu.dma_semaphore, #tpu.memory_space<semaphore_mem>>
        %dma_start3A_603 = tpu.memref_squeeze %dma_start3A_602 : memref<1x!tpu.dma_semaphore, #tpu.memory_space<semaphore_mem>> -> memref<!tpu.dma_semaphore, #tpu.memory_space<semaphore_mem>>
        %dma_start3A_604 = arith.constant 0 : i32
        %dma_start3A_605 = tpu.memref_slice %arg7[%dma_start3A_596, %dma_start3A_604] : memref<4x80xi32, #tpu.memory_space<vmem>> -> memref<1x80xi32, #tpu.memory_space<vmem>>
        %dma_start3A_606 = tpu.memref_squeeze %dma_start3A_605 : memref<1x80xi32, #tpu.memory_space<vmem>> -> memref<80xi32, #tpu.memory_space<vmem>>
        %dma_start3A_607 = tpu.memref_slice %arg4[%add3A_583] : memref<320000xi32, #tpu.memory_space<hbm>> -> memref<80xi32, #tpu.memory_space<hbm>>
        tpu.enqueue_dma source(%dma_start3A_607 : memref<80xi32, #tpu.memory_space<hbm>>) target(%dma_start3A_606 : memref<80xi32, #tpu.memory_space<vmem>>) target_semaphore(%dma_start3A_603 : memref<!tpu.dma_semaphore, #tpu.memory_space<semaphore_mem>>)
      } else {
      }
    }
    %scan3A_123 = arith.constant 31 : i32
    %add3A_124 = arith.constant 9920 : i32
    %add3A_125 = arith.addi %mul3A_2, %add3A_124 : i32
    %dma_start3A_126 = arith.constant 0 : i32
    %dma_start3A_127 = tpu.memref_slice %arg3[%add3A_125] : memref<320000xi32, #tpu.memory_space<hbm>> -> memref<80xi32, #tpu.memory_space<hbm>>
    %dma_start3A_128 = tpu.memref_slice %arg12[%dma_start3A_126] : memref<4x!tpu.dma_semaphore, #tpu.memory_space<semaphore_mem>> -> memref<1x!tpu.dma_semaphore, #tpu.memory_space<semaphore_mem>>
    %dma_start3A_129 = tpu.memref_squeeze %dma_start3A_128 : memref<1x!tpu.dma_semaphore, #tpu.memory_space<semaphore_mem>> -> memref<!tpu.dma_semaphore, #tpu.memory_space<semaphore_mem>>
    %dma_start3A_130 = tpu.memref_slice %arg3[%add3A_125] : memref<320000xi32, #tpu.memory_space<hbm>> -> memref<80xi32, #tpu.memory_space<hbm>>
    tpu.enqueue_dma source(%dma_start3A_130 : memref<80xi32, #tpu.memory_space<hbm>>) target(%arg8 : memref<80xi32, #tpu.memory_space<vmem>>) target_semaphore(%dma_start3A_129 : memref<!tpu.dma_semaphore, #tpu.memory_space<semaphore_mem>>)
    %dma_start3A_131 = arith.constant 0 : i32
    %dma_start3A_132 = tpu.memref_slice %arg4[%add3A_125] : memref<320000xi32, #tpu.memory_space<hbm>> -> memref<80xi32, #tpu.memory_space<hbm>>
    %dma_start3A_133 = tpu.memref_slice %arg13[%dma_start3A_131] : memref<4x!tpu.dma_semaphore, #tpu.memory_space<semaphore_mem>> -> memref<1x!tpu.dma_semaphore, #tpu.memory_space<semaphore_mem>>
    %dma_start3A_134 = tpu.memref_squeeze %dma_start3A_133 : memref<1x!tpu.dma_semaphore, #tpu.memory_space<semaphore_mem>> -> memref<!tpu.dma_semaphore, #tpu.memory_space<semaphore_mem>>
    %dma_start3A_135 = tpu.memref_slice %arg4[%add3A_125] : memref<320000xi32, #tpu.memory_space<hbm>> -> memref<80xi32, #tpu.memory_space<hbm>>
    tpu.enqueue_dma source(%dma_start3A_135 : memref<80xi32, #tpu.memory_space<hbm>>) target(%arg9 : memref<80xi32, #tpu.memory_space<vmem>>) target_semaphore(%dma_start3A_134 : memref<!tpu.dma_semaphore, #tpu.memory_space<semaphore_mem>>)
    %dma_wait3A = arith.constant 0 : i32
    %dma_wait3A_136 = arith.constant 0 : i32
    %dma_wait3A_137 = tpu.memref_slice %arg3[%dma_wait3A_136] : memref<320000xi32, #tpu.memory_space<hbm>> -> memref<80xi32, #tpu.memory_space<hbm>>
    %dma_wait3A_138 = tpu.memref_slice %arg12[%dma_wait3A] : memref<4x!tpu.dma_semaphore, #tpu.memory_space<semaphore_mem>> -> memref<1x!tpu.dma_semaphore, #tpu.memory_space<semaphore_mem>>
    %dma_wait3A_139 = tpu.memref_squeeze %dma_wait3A_138 : memref<1x!tpu.dma_semaphore, #tpu.memory_space<semaphore_mem>> -> memref<!tpu.dma_semaphore, #tpu.memory_space<semaphore_mem>>
    %dma_wait3A_140 = arith.constant 0 : i32
    %dma_wait3A_141 = tpu.memref_slice %arg3[%dma_wait3A_140] : memref<320000xi32, #tpu.memory_space<hbm>> -> memref<80xi32, #tpu.memory_space<hbm>>
    tpu.wait_dma2 semaphore(%dma_wait3A_139 : memref<!tpu.dma_semaphore, #tpu.memory_space<semaphore_mem>>) src(%dma_wait3A_141 : memref<80xi32, #tpu.memory_space<hbm>>) dst(%arg8 : memref<80xi32, #tpu.memory_space<vmem>>)
    %dma_start3A_142 = arith.constant 0 : i32
    %dma_start3A_143 = arith.constant 0 : i32
    %dma_start3A_144 = arith.constant 0 : i32
    %dma_start3A_145 = arith.constant 0 : i32
    %dma_start3A_146 = tpu.memref_slice %arg10[%dma_start3A_142, %dma_start3A_144, %dma_start3A_145] : memref<4x80x128xf32, #tpu.memory_space<vmem>> -> memref<1x80x128xf32, #tpu.memory_space<vmem>>
    %dma_start3A_147 = tpu.memref_squeeze %dma_start3A_146 : memref<1x80x128xf32, #tpu.memory_space<vmem>> -> memref<80x128xf32, #tpu.memory_space<vmem>>
    %dma_start3A_148 = arith.constant 0 : i32
    %dma_start3A_149 = arith.constant 0 : i32
    %dma_start3A_150 = tpu.memref_slice %dma_start3A_147[%dma_start3A_148, %dma_start3A_149] : memref<80x128xf32, #tpu.memory_space<vmem>> -> memref<80x128xf32, #tpu.memory_space<vmem>>
    %dma_start3A_151 = arith.constant 0 : i32
    %dma_start3A_152 = arith.constant 0 : i32
    %dma_start3A_153 = tpu.memref_slice %arg2[%dma_start3A_151, %dma_start3A_152] : memref<10000x128xf32, #tpu.memory_space<hbm>> -> memref<10000x128xf32, #tpu.memory_space<hbm>>
    %dma_start3A_154 = tpu.memref_slice %arg14[%dma_start3A_143] : memref<4x!tpu.dma_semaphore, #tpu.memory_space<semaphore_mem>> -> memref<1x!tpu.dma_semaphore, #tpu.memory_space<semaphore_mem>>
    %dma_start3A_155 = tpu.memref_squeeze %dma_start3A_154 : memref<1x!tpu.dma_semaphore, #tpu.memory_space<semaphore_mem>> -> memref<!tpu.dma_semaphore, #tpu.memory_space<semaphore_mem>>
    tpu.enqueue_indirect_dma source(%dma_start3A_153 : memref<10000x128xf32, #tpu.memory_space<hbm>>) target(%dma_start3A_150 : memref<80x128xf32, #tpu.memory_space<vmem>>) offsets(%arg8 : memref<80xi32, #tpu.memory_space<vmem>>) semaphore(%dma_start3A_155 : memref<!tpu.dma_semaphore, #tpu.memory_space<semaphore_mem>>)
    %dma_wait3A_156 = arith.constant 0 : i32
    %dma_wait3A_157 = arith.constant 0 : i32
    %dma_wait3A_158 = arith.constant 0 : i32
    %dma_wait3A_159 = arith.constant 0 : i32
    %dma_wait3A_160 = tpu.memref_slice %arg10[%dma_wait3A_156, %dma_wait3A_158, %dma_wait3A_159] : memref<4x80x128xf32, #tpu.memory_space<vmem>> -> memref<1x80x128xf32, #tpu.memory_space<vmem>>
    %dma_wait3A_161 = tpu.memref_squeeze %dma_wait3A_160 : memref<1x80x128xf32, #tpu.memory_space<vmem>> -> memref<80x128xf32, #tpu.memory_space<vmem>>
    %dma_wait3A_162 = arith.constant 0 : i32
    %dma_wait3A_163 = arith.constant 0 : i32
    %dma_wait3A_164 = tpu.memref_slice %dma_wait3A_161[%dma_wait3A_162, %dma_wait3A_163] : memref<80x128xf32, #tpu.memory_space<vmem>> -> memref<80x128xf32, #tpu.memory_space<vmem>>
    %dma_wait3A_165 = arith.constant 0 : i32
    %dma_wait3A_166 = arith.constant 0 : i32
    %dma_wait3A_167 = tpu.memref_slice %arg2[%dma_wait3A_165, %dma_wait3A_166] : memref<10000x128xf32, #tpu.memory_space<hbm>> -> memref<10000x128xf32, #tpu.memory_space<hbm>>
    %dma_wait3A_168 = tpu.memref_slice %arg14[%dma_wait3A_157] : memref<4x!tpu.dma_semaphore, #tpu.memory_space<semaphore_mem>> -> memref<1x!tpu.dma_semaphore, #tpu.memory_space<semaphore_mem>>
    %dma_wait3A_169 = tpu.memref_squeeze %dma_wait3A_168 : memref<1x!tpu.dma_semaphore, #tpu.memory_space<semaphore_mem>> -> memref<!tpu.dma_semaphore, #tpu.memory_space<semaphore_mem>>
    tpu.wait_indirect_dma semaphore(%dma_wait3A_169 : memref<!tpu.dma_semaphore, #tpu.memory_space<semaphore_mem>>) src(%dma_wait3A_167 : memref<10000x128xf32, #tpu.memory_space<hbm>>) dst(%dma_wait3A_164 : memref<80x128xf32, #tpu.memory_space<vmem>>)
    %dma_wait3A_170 = arith.constant 0 : i32
    %dma_wait3A_171 = arith.constant 0 : i32
    %dma_wait3A_172 = tpu.memref_slice %arg3[%dma_wait3A_171] : memref<320000xi32, #tpu.memory_space<hbm>> -> memref<80xi32, #tpu.memory_space<hbm>>
    %dma_wait3A_173 = tpu.memref_slice %arg13[%dma_wait3A_170] : memref<4x!tpu.dma_semaphore, #tpu.memory_space<semaphore_mem>> -> memref<1x!tpu.dma_semaphore, #tpu.memory_space<semaphore_mem>>
    %dma_wait3A_174 = tpu.memref_squeeze %dma_wait3A_173 : memref<1x!tpu.dma_semaphore, #tpu.memory_space<semaphore_mem>> -> memref<!tpu.dma_semaphore, #tpu.memory_space<semaphore_mem>>
    %dma_wait3A_175 = arith.constant 0 : i32
    %dma_wait3A_176 = tpu.memref_slice %arg3[%dma_wait3A_175] : memref<320000xi32, #tpu.memory_space<hbm>> -> memref<80xi32, #tpu.memory_space<hbm>>
    tpu.wait_dma2 semaphore(%dma_wait3A_174 : memref<!tpu.dma_semaphore, #tpu.memory_space<semaphore_mem>>) src(%dma_wait3A_176 : memref<80xi32, #tpu.memory_space<hbm>>) dst(%arg9 : memref<80xi32, #tpu.memory_space<vmem>>)
    %run_scoped3A = arith.constant 0 : i32
    "tpu.region"() ({
      %run_scoped3A_187 = tpu.sem_alloc : memref<!tpu.dma_semaphore, #tpu.memory_space<semaphore_mem>>
      %dma_start3A_188 = arith.constant 0 : i32
      %dma_start3A_189 = arith.constant 0 : i32
      %dma_start3A_190 = tpu.memref_slice %arg10[%run_scoped3A, %dma_start3A_188, %dma_start3A_189] : memref<4x80x128xf32, #tpu.memory_space<vmem>> -> memref<1x80x128xf32, #tpu.memory_space<vmem>>
      %dma_start3A_191 = tpu.memref_squeeze %dma_start3A_190 : memref<1x80x128xf32, #tpu.memory_space<vmem>> -> memref<80x128xf32, #tpu.memory_space<vmem>>
      %dma_start3A_192 = arith.constant 0 : i32
      %dma_start3A_193 = arith.constant 0 : i32
      %dma_start3A_194 = tpu.memref_slice %dma_start3A_191[%dma_start3A_192, %dma_start3A_193] : memref<80x128xf32, #tpu.memory_space<vmem>> -> memref<80x128xf32, #tpu.memory_space<vmem>>
      %dma_start3A_195 = arith.constant 0 : i32
      %dma_start3A_196 = arith.constant 0 : i32
      %dma_start3A_197 = tpu.memref_slice %arg11[%dma_start3A_195, %dma_start3A_196] : memref<10000x128xf32, #tpu.memory_space<vmem_shared>> -> memref<10000x128xf32, #tpu.memory_space<vmem_shared>>
      tpu.enqueue_indirect_dma source(%dma_start3A_194 : memref<80x128xf32, #tpu.memory_space<vmem>>) target(%dma_start3A_197 : memref<10000x128xf32, #tpu.memory_space<vmem_shared>>) offsets(%arg9 : memref<80xi32, #tpu.memory_space<vmem>>) semaphore(%run_scoped3A_187 : memref<!tpu.dma_semaphore, #tpu.memory_space<semaphore_mem>>) {add = true}
      %dma_wait3A_198 = arith.constant 0 : i32
      %dma_wait3A_199 = arith.constant 0 : i32
      %dma_wait3A_200 = tpu.memref_slice %arg10[%run_scoped3A, %dma_wait3A_198, %dma_wait3A_199] : memref<4x80x128xf32, #tpu.memory_space<vmem>> -> memref<1x80x128xf32, #tpu.memory_space<vmem>>
      %dma_wait3A_201 = tpu.memref_squeeze %dma_wait3A_200 : memref<1x80x128xf32, #tpu.memory_space<vmem>> -> memref<80x128xf32, #tpu.memory_space<vmem>>
      %dma_wait3A_202 = arith.constant 0 : i32
      %dma_wait3A_203 = arith.constant 0 : i32
      %dma_wait3A_204 = tpu.memref_slice %dma_wait3A_201[%dma_wait3A_202, %dma_wait3A_203] : memref<80x128xf32, #tpu.memory_space<vmem>> -> memref<80x128xf32, #tpu.memory_space<vmem>>
      %dma_wait3A_205 = arith.constant 0 : i32
      %dma_wait3A_206 = arith.constant 0 : i32
      %dma_wait3A_207 = tpu.memref_slice %arg11[%dma_wait3A_205, %dma_wait3A_206] : memref<10000x128xf32, #tpu.memory_space<vmem_shared>> -> memref<10000x128xf32, #tpu.memory_space<vmem_shared>>
      tpu.wait_indirect_dma semaphore(%run_scoped3A_187 : memref<!tpu.dma_semaphore, #tpu.memory_space<semaphore_mem>>) src(%dma_wait3A_204 : memref<80x128xf32, #tpu.memory_space<vmem>>) dst(%dma_wait3A_207 : memref<10000x128xf32, #tpu.memory_space<vmem_shared>>)
      tpu.yield
    }) : () -> ()
    %barrier3A_177 = arith.constant 0 : index
    tpu.barrier barrier_id(%barrier3A_177)
    %mul3A_178 = arith.constant 624 : i32
    %mul3A_179 = arith.muli %arg1, %mul3A_178 : i32
    %mul3A_180 = arith.constant 624 : i32
    %mul3A_181 = arith.muli %arg1, %mul3A_180 : i32
    "tpu.region"() ({
      %run_scoped3A_187 = tpu.sem_alloc : memref<!tpu.dma_semaphore, #tpu.memory_space<semaphore_mem>>
      %dma_start3A_188 = arith.constant 0 : i32
      %dma_start3A_189 = tpu.memref_slice %arg5[%arg0, %mul3A_181, %dma_start3A_188] : memref<2x10000x128xf32, #tpu.memory_space<hbm>> -> memref<1x624x128xf32, #tpu.memory_space<hbm>>
      %dma_start3A_190 = tpu.memref_squeeze %dma_start3A_189 : memref<1x624x128xf32, #tpu.memory_space<hbm>> -> memref<624x128xf32, #tpu.memory_space<hbm>>
      %dma_start3A_191 = arith.constant 0 : i32
      %dma_start3A_192 = tpu.memref_slice %arg11[%mul3A_179, %dma_start3A_191] : memref<10000x128xf32, #tpu.memory_space<vmem_shared>> -> memref<624x128xf32, #tpu.memory_space<vmem_shared>>
      tpu.enqueue_dma source(%dma_start3A_192 : memref<624x128xf32, #tpu.memory_space<vmem_shared>>) target(%dma_start3A_190 : memref<624x128xf32, #tpu.memory_space<hbm>>) target_semaphore(%run_scoped3A_187 : memref<!tpu.dma_semaphore, #tpu.memory_space<semaphore_mem>>)
      %dma_wait3A_193 = arith.constant 0 : i32
      %dma_wait3A_194 = tpu.memref_slice %arg5[%arg0, %mul3A_181, %dma_wait3A_193] : memref<2x10000x128xf32, #tpu.memory_space<hbm>> -> memref<1x624x128xf32, #tpu.memory_space<hbm>>
      %dma_wait3A_195 = tpu.memref_squeeze %dma_wait3A_194 : memref<1x624x128xf32, #tpu.memory_space<hbm>> -> memref<624x128xf32, #tpu.memory_space<hbm>>
      %dma_wait3A_196 = arith.constant 0 : i32
      %dma_wait3A_197 = tpu.memref_slice %arg11[%mul3A_179, %dma_wait3A_196] : memref<10000x128xf32, #tpu.memory_space<vmem_shared>> -> memref<624x128xf32, #tpu.memory_space<vmem_shared>>
      tpu.wait_dma2 semaphore(%run_scoped3A_187 : memref<!tpu.dma_semaphore, #tpu.memory_space<semaphore_mem>>) src(%dma_wait3A_197 : memref<624x128xf32, #tpu.memory_space<vmem_shared>>) dst(%dma_wait3A_195 : memref<624x128xf32, #tpu.memory_space<hbm>>)
      tpu.yield
    }) : () -> ()
    %eq3A_182 = arith.constant 15 : i32
    %eq3A_183 = arith.cmpi eq, %arg1, %eq3A_182 : i32
    %convert_element_type3A_184 = arith.extui %eq3A_183 : i1 to i32
    %cond3A_185 = arith.constant 0 : i32
    %cond3A_186 = arith.cmpi ne, %convert_element_type3A_184, %cond3A_185 : i32
    scf.if %cond3A_186 {
      "tpu.region"() ({
        %run_scoped3A_187 = tpu.sem_alloc : memref<!tpu.dma_semaphore, #tpu.memory_space<semaphore_mem>>
        %dma_start3A_188 = arith.constant 9984 : i32
        %dma_start3A_189 = arith.constant 0 : i32
        %dma_start3A_190 = tpu.memref_slice %arg5[%arg0, %dma_start3A_188, %dma_start3A_189] : memref<2x10000x128xf32, #tpu.memory_space<hbm>> -> memref<1x16x128xf32, #tpu.memory_space<hbm>>
        %dma_start3A_191 = tpu.memref_squeeze %dma_start3A_190 : memref<1x16x128xf32, #tpu.memory_space<hbm>> -> memref<16x128xf32, #tpu.memory_space<hbm>>
        %dma_start3A_192 = arith.constant 9984 : i32
        %dma_start3A_193 = arith.constant 0 : i32
        %dma_start3A_194 = tpu.memref_slice %arg11[%dma_start3A_192, %dma_start3A_193] : memref<10000x128xf32, #tpu.memory_space<vmem_shared>> -> memref<16x128xf32, #tpu.memory_space<vmem_shared>>
        tpu.enqueue_dma source(%dma_start3A_194 : memref<16x128xf32, #tpu.memory_space<vmem_shared>>) target(%dma_start3A_191 : memref<16x128xf32, #tpu.memory_space<hbm>>) target_semaphore(%run_scoped3A_187 : memref<!tpu.dma_semaphore, #tpu.memory_space<semaphore_mem>>)
        %dma_wait3A_195 = arith.constant 9984 : i32
        %dma_wait3A_196 = arith.constant 0 : i32
        %dma_wait3A_197 = tpu.memref_slice %arg5[%arg0, %dma_wait3A_195, %dma_wait3A_196] : memref<2x10000x128xf32, #tpu.memory_space<hbm>> -> memref<1x16x128xf32, #tpu.memory_space<hbm>>
        %dma_wait3A_198 = tpu.memref_squeeze %dma_wait3A_197 : memref<1x16x128xf32, #tpu.memory_space<hbm>> -> memref<16x128xf32, #tpu.memory_space<hbm>>
        %dma_wait3A_199 = arith.constant 9984 : i32
        %dma_wait3A_200 = arith.constant 0 : i32
        %dma_wait3A_201 = tpu.memref_slice %arg11[%dma_wait3A_199, %dma_wait3A_200] : memref<10000x128xf32, #tpu.memory_space<vmem_shared>> -> memref<16x128xf32, #tpu.memory_space<vmem_shared>>
        tpu.wait_dma2 semaphore(%run_scoped3A_187 : memref<!tpu.dma_semaphore, #tpu.memory_space<semaphore_mem>>) src(%dma_wait3A_201 : memref<16x128xf32, #tpu.memory_space<vmem_shared>>) dst(%dma_wait3A_198 : memref<16x128xf32, #tpu.memory_space<hbm>>)
        tpu.yield
      }) : () -> ()
    } else {
    }
    return
  }
}

#map = affine_map<(d0, d1) -> (0, 0)>
#map1 = affine_map<(d0, d1) -> (0)>
#map2 = affine_map<(d0, d1) -> (0, 0, 0)>
module attributes {stable_mosaic.version = 14 : i64} {
  func.func @_edge_sc(%arg0: i32, %arg1: i32, %arg2: memref<10000x128xf32, #tpu.memory_space<hbm>>, %arg3: memref<320000xi32, #tpu.memory_space<hbm>>, %arg4: memref<320000xi32, #tpu.memory_space<hbm>>, %arg5: memref<2x10000x128xf32, #tpu.memory_space<hbm>>, %arg6: memref<4x80xi32, #tpu.memory_space<vmem>>, %arg7: memref<4x80xi32, #tpu.memory_space<vmem>>, %arg8: memref<80xi32, #tpu.memory_space<vmem>>, %arg9: memref<80xi32, #tpu.memory_space<vmem>>, %arg10: memref<4x80x128xf32, #tpu.memory_space<vmem>>, %arg11: memref<10000x128xf32, #tpu.memory_space<vmem_shared>>, %arg12: memref<4x!tpu.dma_semaphore, #tpu.memory_space<semaphore_mem>>, %arg13: memref<4x!tpu.dma_semaphore, #tpu.memory_space<semaphore_mem>>, %arg14: memref<4x!tpu.dma_semaphore, #tpu.memory_space<semaphore_mem>>, %arg15: memref<4x!tpu.dma_semaphore, #tpu.memory_space<semaphore_mem>>) attributes {dimension_semantics = [#tpu.dimension_semantics<core_parallel>, #tpu.dimension_semantics<subcore_parallel>], iteration_bounds = array<i64: 2, 16>, scalar_prefetch = 0 : i64, scratch_operands = 10 : i64, tpu.core_type = #tpu.core_type<sc_vector_subcore>, window_params = [{transform_indices = #map}, {transform_indices = #map1}, {transform_indices = #map1}, {transform_indices = #map2}]} {
    %mul3A = arith.constant 2 : i32
    %mul3A_0 = arith.muli %arg1, %mul3A : i32
    %add3A = arith.addi %mul3A_0, %arg0 : i32
    %mul3A_1 = arith.constant 10000 : i32
    %mul3A_2 = arith.muli %add3A, %mul3A_1 : i32
    %mul3A_3 = arith.constant 624 : i32
    %mul3A_4 = arith.muli %arg1, %mul3A_3 : i32
    %mul3A_5 = arith.constant 624 : i32
    %mul3A_6 = arith.muli %arg1, %mul3A_5 : i32
    "tpu.region"() ({
      %run_scoped3A_187 = tpu.sem_alloc : memref<!tpu.dma_semaphore, #tpu.memory_space<semaphore_mem>>
      %dma_start3A_188 = arith.constant 0 : i32
      %dma_start3A_189 = tpu.memref_slice %arg11[%mul3A_6, %dma_start3A_188] : memref<10000x128xf32, #tpu.memory_space<vmem_shared>> -> memref<624x128xf32, #tpu.memory_space<vmem_shared>>
      %dma_start3A_190 = arith.constant 0 : i32
      %dma_start3A_191 = tpu.memref_slice %arg2[%mul3A_4, %dma_start3A_190] : memref<10000x128xf32, #tpu.memory_space<hbm>> -> memref<624x128xf32, #tpu.memory_space<hbm>>
      tpu.enqueue_dma source(%dma_start3A_191 : memref<624x128xf32, #tpu.memory_space<hbm>>) target(%dma_start3A_189 : memref<624x128xf32, #tpu.memory_space<vmem_shared>>) target_semaphore(%run_scoped3A_187 : memref<!tpu.dma_semaphore, #tpu.memory_space<semaphore_mem>>)
      %dma_wait3A_192 = arith.constant 0 : i32
      %dma_wait3A_193 = tpu.memref_slice %arg11[%mul3A_6, %dma_wait3A_192] : memref<10000x128xf32, #tpu.memory_space<vmem_shared>> -> memref<624x128xf32, #tpu.memory_space<vmem_shared>>
      %dma_wait3A_194 = arith.constant 0 : i32
      %dma_wait3A_195 = tpu.memref_slice %arg2[%mul3A_4, %dma_wait3A_194] : memref<10000x128xf32, #tpu.memory_space<hbm>> -> memref<624x128xf32, #tpu.memory_space<hbm>>
      tpu.wait_dma2 semaphore(%run_scoped3A_187 : memref<!tpu.dma_semaphore, #tpu.memory_space<semaphore_mem>>) src(%dma_wait3A_195 : memref<624x128xf32, #tpu.memory_space<hbm>>) dst(%dma_wait3A_193 : memref<624x128xf32, #tpu.memory_space<vmem_shared>>)
      tpu.yield
    }) : () -> ()
    %eq3A = arith.constant 15 : i32
    %eq3A_7 = arith.cmpi eq, %arg1, %eq3A : i32
    %convert_element_type3A = arith.extui %eq3A_7 : i1 to i32
    %cond3A = arith.constant 0 : i32
    %cond3A_8 = arith.cmpi ne, %convert_element_type3A, %cond3A : i32
    scf.if %cond3A_8 {
      "tpu.region"() ({
        %run_scoped3A_187 = tpu.sem_alloc : memref<!tpu.dma_semaphore, #tpu.memory_space<semaphore_mem>>
        %dma_start3A_188 = arith.constant 9984 : i32
        %dma_start3A_189 = arith.constant 0 : i32
        %dma_start3A_190 = tpu.memref_slice %arg11[%dma_start3A_188, %dma_start3A_189] : memref<10000x128xf32, #tpu.memory_space<vmem_shared>> -> memref<16x128xf32, #tpu.memory_space<vmem_shared>>
        %dma_start3A_191 = arith.constant 9984 : i32
        %dma_start3A_192 = arith.constant 0 : i32
        %dma_start3A_193 = tpu.memref_slice %arg2[%dma_start3A_191, %dma_start3A_192] : memref<10000x128xf32, #tpu.memory_space<hbm>> -> memref<16x128xf32, #tpu.memory_space<hbm>>
        tpu.enqueue_dma source(%dma_start3A_193 : memref<16x128xf32, #tpu.memory_space<hbm>>) target(%dma_start3A_190 : memref<16x128xf32, #tpu.memory_space<vmem_shared>>) target_semaphore(%run_scoped3A_187 : memref<!tpu.dma_semaphore, #tpu.memory_space<semaphore_mem>>)
        %dma_wait3A_194 = arith.constant 9984 : i32
        %dma_wait3A_195 = arith.constant 0 : i32
        %dma_wait3A_196 = tpu.memref_slice %arg11[%dma_wait3A_194, %dma_wait3A_195] : memref<10000x128xf32, #tpu.memory_space<vmem_shared>> -> memref<16x128xf32, #tpu.memory_space<vmem_shared>>
        %dma_wait3A_197 = arith.constant 9984 : i32
        %dma_wait3A_198 = arith.constant 0 : i32
        %dma_wait3A_199 = tpu.memref_slice %arg2[%dma_wait3A_197, %dma_wait3A_198] : memref<10000x128xf32, #tpu.memory_space<hbm>> -> memref<16x128xf32, #tpu.memory_space<hbm>>
        tpu.wait_dma2 semaphore(%run_scoped3A_187 : memref<!tpu.dma_semaphore, #tpu.memory_space<semaphore_mem>>) src(%dma_wait3A_199 : memref<16x128xf32, #tpu.memory_space<hbm>>) dst(%dma_wait3A_196 : memref<16x128xf32, #tpu.memory_space<vmem_shared>>)
        tpu.yield
      }) : () -> ()
    } else {
    }
    %barrier3A = arith.constant 0 : index
    tpu.barrier barrier_id(%barrier3A)
    %add3A_9 = arith.constant 0 : i32
    %add3A_10 = arith.addi %mul3A_2, %add3A_9 : i32
    %dma_start3A = arith.constant 0 : i32
    %dma_start3A_11 = arith.constant 0 : i32
    %dma_start3A_12 = arith.constant 0 : i32
    %dma_start3A_13 = tpu.memref_slice %arg6[%dma_start3A, %dma_start3A_12] : memref<4x80xi32, #tpu.memory_space<vmem>> -> memref<1x80xi32, #tpu.memory_space<vmem>>
    %dma_start3A_14 = tpu.memref_squeeze %dma_start3A_13 : memref<1x80xi32, #tpu.memory_space<vmem>> -> memref<80xi32, #tpu.memory_space<vmem>>
    %dma_start3A_15 = tpu.memref_slice %arg3[%add3A_10] : memref<320000xi32, #tpu.memory_space<hbm>> -> memref<80xi32, #tpu.memory_space<hbm>>
    %dma_start3A_16 = tpu.memref_slice %arg12[%dma_start3A_11] : memref<4x!tpu.dma_semaphore, #tpu.memory_space<semaphore_mem>> -> memref<1x!tpu.dma_semaphore, #tpu.memory_space<semaphore_mem>>
    %dma_start3A_17 = tpu.memref_squeeze %dma_start3A_16 : memref<1x!tpu.dma_semaphore, #tpu.memory_space<semaphore_mem>> -> memref<!tpu.dma_semaphore, #tpu.memory_space<semaphore_mem>>
    %dma_start3A_18 = arith.constant 0 : i32
    %dma_start3A_19 = tpu.memref_slice %arg6[%dma_start3A, %dma_start3A_18] : memref<4x80xi32, #tpu.memory_space<vmem>> -> memref<1x80xi32, #tpu.memory_space<vmem>>
    %dma_start3A_20 = tpu.memref_squeeze %dma_start3A_19 : memref<1x80xi32, #tpu.memory_space<vmem>> -> memref<80xi32, #tpu.memory_space<vmem>>
    %dma_start3A_21 = tpu.memref_slice %arg3[%add3A_10] : memref<320000xi32, #tpu.memory_space<hbm>> -> memref<80xi32, #tpu.memory_space<hbm>>
    tpu.enqueue_dma source(%dma_start3A_21 : memref<80xi32, #tpu.memory_space<hbm>>) target(%dma_start3A_20 : memref<80xi32, #tpu.memory_space<vmem>>) target_semaphore(%dma_start3A_17 : memref<!tpu.dma_semaphore, #tpu.memory_space<semaphore_mem>>)
    %add3A_22 = arith.constant 0 : i32
    %add3A_23 = arith.addi %mul3A_2, %add3A_22 : i32
    %dma_start3A_24 = arith.constant 0 : i32
    %dma_start3A_25 = arith.constant 0 : i32
    %dma_start3A_26 = arith.constant 0 : i32
    %dma_start3A_27 = tpu.memref_slice %arg7[%dma_start3A_24, %dma_start3A_26] : memref<4x80xi32, #tpu.memory_space<vmem>> -> memref<1x80xi32, #tpu.memory_space<vmem>>
    %dma_start3A_28 = tpu.memref_squeeze %dma_start3A_27 : memref<1x80xi32, #tpu.memory_space<vmem>> -> memref<80xi32, #tpu.memory_space<vmem>>
    %dma_start3A_29 = tpu.memref_slice %arg4[%add3A_23] : memref<320000xi32, #tpu.memory_space<hbm>> -> memref<80xi32, #tpu.memory_space<hbm>>
    %dma_start3A_30 = tpu.memref_slice %arg13[%dma_start3A_25] : memref<4x!tpu.dma_semaphore, #tpu.memory_space<semaphore_mem>> -> memref<1x!tpu.dma_semaphore, #tpu.memory_space<semaphore_mem>>
    %dma_start3A_31 = tpu.memref_squeeze %dma_start3A_30 : memref<1x!tpu.dma_semaphore, #tpu.memory_space<semaphore_mem>> -> memref<!tpu.dma_semaphore, #tpu.memory_space<semaphore_mem>>
    %dma_start3A_32 = arith.constant 0 : i32
    %dma_start3A_33 = tpu.memref_slice %arg7[%dma_start3A_24, %dma_start3A_32] : memref<4x80xi32, #tpu.memory_space<vmem>> -> memref<1x80xi32, #tpu.memory_space<vmem>>
    %dma_start3A_34 = tpu.memref_squeeze %dma_start3A_33 : memref<1x80xi32, #tpu.memory_space<vmem>> -> memref<80xi32, #tpu.memory_space<vmem>>
    %dma_start3A_35 = tpu.memref_slice %arg4[%add3A_23] : memref<320000xi32, #tpu.memory_space<hbm>> -> memref<80xi32, #tpu.memory_space<hbm>>
    tpu.enqueue_dma source(%dma_start3A_35 : memref<80xi32, #tpu.memory_space<hbm>>) target(%dma_start3A_34 : memref<80xi32, #tpu.memory_space<vmem>>) target_semaphore(%dma_start3A_31 : memref<!tpu.dma_semaphore, #tpu.memory_space<semaphore_mem>>)
    %add3A_36 = arith.constant 80 : i32
    %add3A_37 = arith.addi %mul3A_2, %add3A_36 : i32
    %dma_start3A_38 = arith.constant 1 : i32
    %dma_start3A_39 = arith.constant 1 : i32
    %dma_start3A_40 = arith.constant 0 : i32
    %dma_start3A_41 = tpu.memref_slice %arg6[%dma_start3A_38, %dma_start3A_40] : memref<4x80xi32, #tpu.memory_space<vmem>> -> memref<1x80xi32, #tpu.memory_space<vmem>>
    %dma_start3A_42 = tpu.memref_squeeze %dma_start3A_41 : memref<1x80xi32, #tpu.memory_space<vmem>> -> memref<80xi32, #tpu.memory_space<vmem>>
    %dma_start3A_43 = tpu.memref_slice %arg3[%add3A_37] : memref<320000xi32, #tpu.memory_space<hbm>> -> memref<80xi32, #tpu.memory_space<hbm>>
    %dma_start3A_44 = tpu.memref_slice %arg12[%dma_start3A_39] : memref<4x!tpu.dma_semaphore, #tpu.memory_space<semaphore_mem>> -> memref<1x!tpu.dma_semaphore, #tpu.memory_space<semaphore_mem>>
    %dma_start3A_45 = tpu.memref_squeeze %dma_start3A_44 : memref<1x!tpu.dma_semaphore, #tpu.memory_space<semaphore_mem>> -> memref<!tpu.dma_semaphore, #tpu.memory_space<semaphore_mem>>
    %dma_start3A_46 = arith.constant 0 : i32
    %dma_start3A_47 = tpu.memref_slice %arg6[%dma_start3A_38, %dma_start3A_46] : memref<4x80xi32, #tpu.memory_space<vmem>> -> memref<1x80xi32, #tpu.memory_space<vmem>>
    %dma_start3A_48 = tpu.memref_squeeze %dma_start3A_47 : memref<1x80xi32, #tpu.memory_space<vmem>> -> memref<80xi32, #tpu.memory_space<vmem>>
    %dma_start3A_49 = tpu.memref_slice %arg3[%add3A_37] : memref<320000xi32, #tpu.memory_space<hbm>> -> memref<80xi32, #tpu.memory_space<hbm>>
    tpu.enqueue_dma source(%dma_start3A_49 : memref<80xi32, #tpu.memory_space<hbm>>) target(%dma_start3A_48 : memref<80xi32, #tpu.memory_space<vmem>>) target_semaphore(%dma_start3A_45 : memref<!tpu.dma_semaphore, #tpu.memory_space<semaphore_mem>>)
    %add3A_50 = arith.constant 80 : i32
    %add3A_51 = arith.addi %mul3A_2, %add3A_50 : i32
    %dma_start3A_52 = arith.constant 1 : i32
    %dma_start3A_53 = arith.constant 1 : i32
    %dma_start3A_54 = arith.constant 0 : i32
    %dma_start3A_55 = tpu.memref_slice %arg7[%dma_start3A_52, %dma_start3A_54] : memref<4x80xi32, #tpu.memory_space<vmem>> -> memref<1x80xi32, #tpu.memory_space<vmem>>
    %dma_start3A_56 = tpu.memref_squeeze %dma_start3A_55 : memref<1x80xi32, #tpu.memory_space<vmem>> -> memref<80xi32, #tpu.memory_space<vmem>>
    %dma_start3A_57 = tpu.memref_slice %arg4[%add3A_51] : memref<320000xi32, #tpu.memory_space<hbm>> -> memref<80xi32, #tpu.memory_space<hbm>>
    %dma_start3A_58 = tpu.memref_slice %arg13[%dma_start3A_53] : memref<4x!tpu.dma_semaphore, #tpu.memory_space<semaphore_mem>> -> memref<1x!tpu.dma_semaphore, #tpu.memory_space<semaphore_mem>>
    %dma_start3A_59 = tpu.memref_squeeze %dma_start3A_58 : memref<1x!tpu.dma_semaphore, #tpu.memory_space<semaphore_mem>> -> memref<!tpu.dma_semaphore, #tpu.memory_space<semaphore_mem>>
    %dma_start3A_60 = arith.constant 0 : i32
    %dma_start3A_61 = tpu.memref_slice %arg7[%dma_start3A_52, %dma_start3A_60] : memref<4x80xi32, #tpu.memory_space<vmem>> -> memref<1x80xi32, #tpu.memory_space<vmem>>
    %dma_start3A_62 = tpu.memref_squeeze %dma_start3A_61 : memref<1x80xi32, #tpu.memory_space<vmem>> -> memref<80xi32, #tpu.memory_space<vmem>>
    %dma_start3A_63 = tpu.memref_slice %arg4[%add3A_51] : memref<320000xi32, #tpu.memory_space<hbm>> -> memref<80xi32, #tpu.memory_space<hbm>>
    tpu.enqueue_dma source(%dma_start3A_63 : memref<80xi32, #tpu.memory_space<hbm>>) target(%dma_start3A_62 : memref<80xi32, #tpu.memory_space<vmem>>) target_semaphore(%dma_start3A_59 : memref<!tpu.dma_semaphore, #tpu.memory_space<semaphore_mem>>)
    %add3A_64 = arith.constant 160 : i32
    %add3A_65 = arith.addi %mul3A_2, %add3A_64 : i32
    %dma_start3A_66 = arith.constant 2 : i32
    %dma_start3A_67 = arith.constant 2 : i32
    %dma_start3A_68 = arith.constant 0 : i32
    %dma_start3A_69 = tpu.memref_slice %arg6[%dma_start3A_66, %dma_start3A_68] : memref<4x80xi32, #tpu.memory_space<vmem>> -> memref<1x80xi32, #tpu.memory_space<vmem>>
    %dma_start3A_70 = tpu.memref_squeeze %dma_start3A_69 : memref<1x80xi32, #tpu.memory_space<vmem>> -> memref<80xi32, #tpu.memory_space<vmem>>
    %dma_start3A_71 = tpu.memref_slice %arg3[%add3A_65] : memref<320000xi32, #tpu.memory_space<hbm>> -> memref<80xi32, #tpu.memory_space<hbm>>
    %dma_start3A_72 = tpu.memref_slice %arg12[%dma_start3A_67] : memref<4x!tpu.dma_semaphore, #tpu.memory_space<semaphore_mem>> -> memref<1x!tpu.dma_semaphore, #tpu.memory_space<semaphore_mem>>
    %dma_start3A_73 = tpu.memref_squeeze %dma_start3A_72 : memref<1x!tpu.dma_semaphore, #tpu.memory_space<semaphore_mem>> -> memref<!tpu.dma_semaphore, #tpu.memory_space<semaphore_mem>>
    %dma_start3A_74 = arith.constant 0 : i32
    %dma_start3A_75 = tpu.memref_slice %arg6[%dma_start3A_66, %dma_start3A_74] : memref<4x80xi32, #tpu.memory_space<vmem>> -> memref<1x80xi32, #tpu.memory_space<vmem>>
    %dma_start3A_76 = tpu.memref_squeeze %dma_start3A_75 : memref<1x80xi32, #tpu.memory_space<vmem>> -> memref<80xi32, #tpu.memory_space<vmem>>
    %dma_start3A_77 = tpu.memref_slice %arg3[%add3A_65] : memref<320000xi32, #tpu.memory_space<hbm>> -> memref<80xi32, #tpu.memory_space<hbm>>
    tpu.enqueue_dma source(%dma_start3A_77 : memref<80xi32, #tpu.memory_space<hbm>>) target(%dma_start3A_76 : memref<80xi32, #tpu.memory_space<vmem>>) target_semaphore(%dma_start3A_73 : memref<!tpu.dma_semaphore, #tpu.memory_space<semaphore_mem>>)
    %add3A_78 = arith.constant 160 : i32
    %add3A_79 = arith.addi %mul3A_2, %add3A_78 : i32
    %dma_start3A_80 = arith.constant 2 : i32
    %dma_start3A_81 = arith.constant 2 : i32
    %dma_start3A_82 = arith.constant 0 : i32
    %dma_start3A_83 = tpu.memref_slice %arg7[%dma_start3A_80, %dma_start3A_82] : memref<4x80xi32, #tpu.memory_space<vmem>> -> memref<1x80xi32, #tpu.memory_space<vmem>>
    %dma_start3A_84 = tpu.memref_squeeze %dma_start3A_83 : memref<1x80xi32, #tpu.memory_space<vmem>> -> memref<80xi32, #tpu.memory_space<vmem>>
    %dma_start3A_85 = tpu.memref_slice %arg4[%add3A_79] : memref<320000xi32, #tpu.memory_space<hbm>> -> memref<80xi32, #tpu.memory_space<hbm>>
    %dma_start3A_86 = tpu.memref_slice %arg13[%dma_start3A_81] : memref<4x!tpu.dma_semaphore, #tpu.memory_space<semaphore_mem>> -> memref<1x!tpu.dma_semaphore, #tpu.memory_space<semaphore_mem>>
    %dma_start3A_87 = tpu.memref_squeeze %dma_start3A_86 : memref<1x!tpu.dma_semaphore, #tpu.memory_space<semaphore_mem>> -> memref<!tpu.dma_semaphore, #tpu.memory_space<semaphore_mem>>
    %dma_start3A_88 = arith.constant 0 : i32
    %dma_start3A_89 = tpu.memref_slice %arg7[%dma_start3A_80, %dma_start3A_88] : memref<4x80xi32, #tpu.memory_space<vmem>> -> memref<1x80xi32, #tpu.memory_space<vmem>>
    %dma_start3A_90 = tpu.memref_squeeze %dma_start3A_89 : memref<1x80xi32, #tpu.memory_space<vmem>> -> memref<80xi32, #tpu.memory_space<vmem>>
    %dma_start3A_91 = tpu.memref_slice %arg4[%add3A_79] : memref<320000xi32, #tpu.memory_space<hbm>> -> memref<80xi32, #tpu.memory_space<hbm>>
    tpu.enqueue_dma source(%dma_start3A_91 : memref<80xi32, #tpu.memory_space<hbm>>) target(%dma_start3A_90 : memref<80xi32, #tpu.memory_space<vmem>>) target_semaphore(%dma_start3A_87 : memref<!tpu.dma_semaphore, #tpu.memory_space<semaphore_mem>>)
    %add3A_92 = arith.constant 240 : i32
    %add3A_93 = arith.addi %mul3A_2, %add3A_92 : i32
    %dma_start3A_94 = arith.constant 3 : i32
    %dma_start3A_95 = arith.constant 3 : i32
    %dma_start3A_96 = arith.constant 0 : i32
    %dma_start3A_97 = tpu.memref_slice %arg6[%dma_start3A_94, %dma_start3A_96] : memref<4x80xi32, #tpu.memory_space<vmem>> -> memref<1x80xi32, #tpu.memory_space<vmem>>
    %dma_start3A_98 = tpu.memref_squeeze %dma_start3A_97 : memref<1x80xi32, #tpu.memory_space<vmem>> -> memref<80xi32, #tpu.memory_space<vmem>>
    %dma_start3A_99 = tpu.memref_slice %arg3[%add3A_93] : memref<320000xi32, #tpu.memory_space<hbm>> -> memref<80xi32, #tpu.memory_space<hbm>>
    %dma_start3A_100 = tpu.memref_slice %arg12[%dma_start3A_95] : memref<4x!tpu.dma_semaphore, #tpu.memory_space<semaphore_mem>> -> memref<1x!tpu.dma_semaphore, #tpu.memory_space<semaphore_mem>>
    %dma_start3A_101 = tpu.memref_squeeze %dma_start3A_100 : memref<1x!tpu.dma_semaphore, #tpu.memory_space<semaphore_mem>> -> memref<!tpu.dma_semaphore, #tpu.memory_space<semaphore_mem>>
    %dma_start3A_102 = arith.constant 0 : i32
    %dma_start3A_103 = tpu.memref_slice %arg6[%dma_start3A_94, %dma_start3A_102] : memref<4x80xi32, #tpu.memory_space<vmem>> -> memref<1x80xi32, #tpu.memory_space<vmem>>
    %dma_start3A_104 = tpu.memref_squeeze %dma_start3A_103 : memref<1x80xi32, #tpu.memory_space<vmem>> -> memref<80xi32, #tpu.memory_space<vmem>>
    %dma_start3A_105 = tpu.memref_slice %arg3[%add3A_93] : memref<320000xi32, #tpu.memory_space<hbm>> -> memref<80xi32, #tpu.memory_space<hbm>>
    tpu.enqueue_dma source(%dma_start3A_105 : memref<80xi32, #tpu.memory_space<hbm>>) target(%dma_start3A_104 : memref<80xi32, #tpu.memory_space<vmem>>) target_semaphore(%dma_start3A_101 : memref<!tpu.dma_semaphore, #tpu.memory_space<semaphore_mem>>)
    %add3A_106 = arith.constant 240 : i32
    %add3A_107 = arith.addi %mul3A_2, %add3A_106 : i32
    %dma_start3A_108 = arith.constant 3 : i32
    %dma_start3A_109 = arith.constant 3 : i32
    %dma_start3A_110 = arith.constant 0 : i32
    %dma_start3A_111 = tpu.memref_slice %arg7[%dma_start3A_108, %dma_start3A_110] : memref<4x80xi32, #tpu.memory_space<vmem>> -> memref<1x80xi32, #tpu.memory_space<vmem>>
    %dma_start3A_112 = tpu.memref_squeeze %dma_start3A_111 : memref<1x80xi32, #tpu.memory_space<vmem>> -> memref<80xi32, #tpu.memory_space<vmem>>
    %dma_start3A_113 = tpu.memref_slice %arg4[%add3A_107] : memref<320000xi32, #tpu.memory_space<hbm>> -> memref<80xi32, #tpu.memory_space<hbm>>
    %dma_start3A_114 = tpu.memref_slice %arg13[%dma_start3A_109] : memref<4x!tpu.dma_semaphore, #tpu.memory_space<semaphore_mem>> -> memref<1x!tpu.dma_semaphore, #tpu.memory_space<semaphore_mem>>
    %dma_start3A_115 = tpu.memref_squeeze %dma_start3A_114 : memref<1x!tpu.dma_semaphore, #tpu.memory_space<semaphore_mem>> -> memref<!tpu.dma_semaphore, #tpu.memory_space<semaphore_mem>>
    %dma_start3A_116 = arith.constant 0 : i32
    %dma_start3A_117 = tpu.memref_slice %arg7[%dma_start3A_108, %dma_start3A_116] : memref<4x80xi32, #tpu.memory_space<vmem>> -> memref<1x80xi32, #tpu.memory_space<vmem>>
    %dma_start3A_118 = tpu.memref_squeeze %dma_start3A_117 : memref<1x80xi32, #tpu.memory_space<vmem>> -> memref<80xi32, #tpu.memory_space<vmem>>
    %dma_start3A_119 = tpu.memref_slice %arg4[%add3A_107] : memref<320000xi32, #tpu.memory_space<hbm>> -> memref<80xi32, #tpu.memory_space<hbm>>
    tpu.enqueue_dma source(%dma_start3A_119 : memref<80xi32, #tpu.memory_space<hbm>>) target(%dma_start3A_118 : memref<80xi32, #tpu.memory_space<vmem>>) target_semaphore(%dma_start3A_115 : memref<!tpu.dma_semaphore, #tpu.memory_space<semaphore_mem>>)
    %scan3A = arith.constant 0 : i32
    %scan3A_120 = arith.constant 31 : i32
    %scan3A_121 = arith.addi %scan3A, %scan3A_120 : i32
    %scan3A_122 = arith.constant 1 : i32
    scf.for %scan3A_187 = %scan3A to %scan3A_121 step %scan3A_122  : i32 {
      %mul3A_188 = arith.constant 1 : i32
      %mul3A_189 = arith.muli %scan3A_187, %mul3A_188 : i32
      %add3A_190 = arith.constant 0 : i32
      %add3A_191 = arith.addi %add3A_190, %mul3A_189 : i32
      %dma_wait3A_192 = arith.constant 0 : i32
      %dma_wait3A_193 = arith.constant 0 : i32
      %dma_wait3A_194 = arith.constant 0 : i32
      %dma_wait3A_195 = tpu.memref_slice %arg6[%dma_wait3A_192, %dma_wait3A_194] : memref<4x80xi32, #tpu.memory_space<vmem>> -> memref<1x80xi32, #tpu.memory_space<vmem>>
      %dma_wait3A_196 = tpu.memref_squeeze %dma_wait3A_195 : memref<1x80xi32, #tpu.memory_space<vmem>> -> memref<80xi32, #tpu.memory_space<vmem>>
      %dma_wait3A_197 = arith.constant 0 : i32
      %dma_wait3A_198 = tpu.memref_slice %arg3[%dma_wait3A_197] : memref<320000xi32, #tpu.memory_space<hbm>> -> memref<80xi32, #tpu.memory_space<hbm>>
      %dma_wait3A_199 = tpu.memref_slice %arg12[%dma_wait3A_193] : memref<4x!tpu.dma_semaphore, #tpu.memory_space<semaphore_mem>> -> memref<1x!tpu.dma_semaphore, #tpu.memory_space<semaphore_mem>>
      %dma_wait3A_200 = tpu.memref_squeeze %dma_wait3A_199 : memref<1x!tpu.dma_semaphore, #tpu.memory_space<semaphore_mem>> -> memref<!tpu.dma_semaphore, #tpu.memory_space<semaphore_mem>>
      %dma_wait3A_201 = arith.constant 0 : i32
      %dma_wait3A_202 = tpu.memref_slice %arg6[%dma_wait3A_192, %dma_wait3A_201] : memref<4x80xi32, #tpu.memory_space<vmem>> -> memref<1x80xi32, #tpu.memory_space<vmem>>
      %dma_wait3A_203 = tpu.memref_squeeze %dma_wait3A_202 : memref<1x80xi32, #tpu.memory_space<vmem>> -> memref<80xi32, #tpu.memory_space<vmem>>
      %dma_wait3A_204 = arith.constant 0 : i32
      %dma_wait3A_205 = tpu.memref_slice %arg3[%dma_wait3A_204] : memref<320000xi32, #tpu.memory_space<hbm>> -> memref<80xi32, #tpu.memory_space<hbm>>
      tpu.wait_dma2 semaphore(%dma_wait3A_200 : memref<!tpu.dma_semaphore, #tpu.memory_space<semaphore_mem>>) src(%dma_wait3A_205 : memref<80xi32, #tpu.memory_space<hbm>>) dst(%dma_wait3A_203 : memref<80xi32, #tpu.memory_space<vmem>>)
      %dma_start3A_206 = arith.constant 0 : i32
      %dma_start3A_207 = arith.constant 0 : i32
      %dma_start3A_208 = arith.constant 0 : i32
      %dma_start3A_209 = arith.constant 0 : i32
      %dma_start3A_210 = arith.constant 0 : i32
      %dma_start3A_211 = tpu.memref_slice %arg10[%dma_start3A_207, %dma_start3A_209, %dma_start3A_210] : memref<4x80x128xf32, #tpu.memory_space<vmem>> -> memref<1x80x128xf32, #tpu.memory_space<vmem>>
      %dma_start3A_212 = tpu.memref_squeeze %dma_start3A_211 : memref<1x80x128xf32, #tpu.memory_space<vmem>> -> memref<80x128xf32, #tpu.memory_space<vmem>>
      %dma_start3A_213 = arith.constant 0 : i32
      %dma_start3A_214 = tpu.memref_slice %arg6[%dma_start3A_206, %dma_start3A_213] : memref<4x80xi32, #tpu.memory_space<vmem>> -> memref<1x80xi32, #tpu.memory_space<vmem>>
      %dma_start3A_215 = tpu.memref_squeeze %dma_start3A_214 : memref<1x80xi32, #tpu.memory_space<vmem>> -> memref<80xi32, #tpu.memory_space<vmem>>
      %dma_start3A_216 = arith.constant 0 : i32
      %dma_start3A_217 = arith.constant 0 : i32
      %dma_start3A_218 = tpu.memref_slice %arg2[%dma_start3A_216, %dma_start3A_217] : memref<10000x128xf32, #tpu.memory_space<hbm>> -> memref<10000x128xf32, #tpu.memory_space<hbm>>
      %dma_start3A_219 = tpu.memref_slice %arg14[%dma_start3A_208] : memref<4x!tpu.dma_semaphore, #tpu.memory_space<semaphore_mem>> -> memref<1x!tpu.dma_semaphore, #tpu.memory_space<semaphore_mem>>
      %dma_start3A_220 = tpu.memref_squeeze %dma_start3A_219 : memref<1x!tpu.dma_semaphore, #tpu.memory_space<semaphore_mem>> -> memref<!tpu.dma_semaphore, #tpu.memory_space<semaphore_mem>>
      tpu.enqueue_indirect_dma source(%dma_start3A_218 : memref<10000x128xf32, #tpu.memory_space<hbm>>) target(%dma_start3A_212 : memref<80x128xf32, #tpu.memory_space<vmem>>) offsets(%dma_start3A_215 : memref<80xi32, #tpu.memory_space<vmem>>) semaphore(%dma_start3A_220 : memref<!tpu.dma_semaphore, #tpu.memory_space<semaphore_mem>>)
      %dma_wait3A_221 = arith.constant 1 : i32
      %dma_wait3A_222 = arith.constant 1 : i32
      %dma_wait3A_223 = arith.constant 0 : i32
      %dma_wait3A_224 = tpu.memref_slice %arg6[%dma_wait3A_221, %dma_wait3A_223] : memref<4x80xi32, #tpu.memory_space<vmem>> -> memref<1x80xi32, #tpu.memory_space<vmem>>
      %dma_wait3A_225 = tpu.memref_squeeze %dma_wait3A_224 : memref<1x80xi32, #tpu.memory_space<vmem>> -> memref<80xi32, #tpu.memory_space<vmem>>
      %dma_wait3A_226 = arith.constant 0 : i32
      %dma_wait3A_227 = tpu.memref_slice %arg3[%dma_wait3A_226] : memref<320000xi32, #tpu.memory_space<hbm>> -> memref<80xi32, #tpu.memory_space<hbm>>
      %dma_wait3A_228 = tpu.memref_slice %arg12[%dma_wait3A_222] : memref<4x!tpu.dma_semaphore, #tpu.memory_space<semaphore_mem>> -> memref<1x!tpu.dma_semaphore, #tpu.memory_space<semaphore_mem>>
      %dma_wait3A_229 = tpu.memref_squeeze %dma_wait3A_228 : memref<1x!tpu.dma_semaphore, #tpu.memory_space<semaphore_mem>> -> memref<!tpu.dma_semaphore, #tpu.memory_space<semaphore_mem>>
      %dma_wait3A_230 = arith.constant 0 : i32
      %dma_wait3A_231 = tpu.memref_slice %arg6[%dma_wait3A_221, %dma_wait3A_230] : memref<4x80xi32, #tpu.memory_space<vmem>> -> memref<1x80xi32, #tpu.memory_space<vmem>>
      %dma_wait3A_232 = tpu.memref_squeeze %dma_wait3A_231 : memref<1x80xi32, #tpu.memory_space<vmem>> -> memref<80xi32, #tpu.memory_space<vmem>>
      %dma_wait3A_233 = arith.constant 0 : i32
      %dma_wait3A_234 = tpu.memref_slice %arg3[%dma_wait3A_233] : memref<320000xi32, #tpu.memory_space<hbm>> -> memref<80xi32, #tpu.memory_space<hbm>>
      tpu.wait_dma2 semaphore(%dma_wait3A_229 : memref<!tpu.dma_semaphore, #tpu.memory_space<semaphore_mem>>) src(%dma_wait3A_234 : memref<80xi32, #tpu.memory_space<hbm>>) dst(%dma_wait3A_232 : memref<80xi32, #tpu.memory_space<vmem>>)
      %dma_start3A_235 = arith.constant 1 : i32
      %dma_start3A_236 = arith.constant 1 : i32
      %dma_start3A_237 = arith.constant 1 : i32
      %dma_start3A_238 = arith.constant 0 : i32
      %dma_start3A_239 = arith.constant 0 : i32
      %dma_start3A_240 = tpu.memref_slice %arg10[%dma_start3A_236, %dma_start3A_238, %dma_start3A_239] : memref<4x80x128xf32, #tpu.memory_space<vmem>> -> memref<1x80x128xf32, #tpu.memory_space<vmem>>
      %dma_start3A_241 = tpu.memref_squeeze %dma_start3A_240 : memref<1x80x128xf32, #tpu.memory_space<vmem>> -> memref<80x128xf32, #tpu.memory_space<vmem>>
      %dma_start3A_242 = arith.constant 0 : i32
      %dma_start3A_243 = tpu.memref_slice %arg6[%dma_start3A_235, %dma_start3A_242] : memref<4x80xi32, #tpu.memory_space<vmem>> -> memref<1x80xi32, #tpu.memory_space<vmem>>
      %dma_start3A_244 = tpu.memref_squeeze %dma_start3A_243 : memref<1x80xi32, #tpu.memory_space<vmem>> -> memref<80xi32, #tpu.memory_space<vmem>>
      %dma_start3A_245 = arith.constant 0 : i32
      %dma_start3A_246 = arith.constant 0 : i32
      %dma_start3A_247 = tpu.memref_slice %arg2[%dma_start3A_245, %dma_start3A_246] : memref<10000x128xf32, #tpu.memory_space<hbm>> -> memref<10000x128xf32, #tpu.memory_space<hbm>>
      %dma_start3A_248 = tpu.memref_slice %arg14[%dma_start3A_237] : memref<4x!tpu.dma_semaphore, #tpu.memory_space<semaphore_mem>> -> memref<1x!tpu.dma_semaphore, #tpu.memory_space<semaphore_mem>>
      %dma_start3A_249 = tpu.memref_squeeze %dma_start3A_248 : memref<1x!tpu.dma_semaphore, #tpu.memory_space<semaphore_mem>> -> memref<!tpu.dma_semaphore, #tpu.memory_space<semaphore_mem>>
      tpu.enqueue_indirect_dma source(%dma_start3A_247 : memref<10000x128xf32, #tpu.memory_space<hbm>>) target(%dma_start3A_241 : memref<80x128xf32, #tpu.memory_space<vmem>>) offsets(%dma_start3A_244 : memref<80xi32, #tpu.memory_space<vmem>>) semaphore(%dma_start3A_249 : memref<!tpu.dma_semaphore, #tpu.memory_space<semaphore_mem>>)
      %dma_wait3A_250 = arith.constant 2 : i32
      %dma_wait3A_251 = arith.constant 2 : i32
      %dma_wait3A_252 = arith.constant 0 : i32
      %dma_wait3A_253 = tpu.memref_slice %arg6[%dma_wait3A_250, %dma_wait3A_252] : memref<4x80xi32, #tpu.memory_space<vmem>> -> memref<1x80xi32, #tpu.memory_space<vmem>>
      %dma_wait3A_254 = tpu.memref_squeeze %dma_wait3A_253 : memref<1x80xi32, #tpu.memory_space<vmem>> -> memref<80xi32, #tpu.memory_space<vmem>>
      %dma_wait3A_255 = arith.constant 0 : i32
      %dma_wait3A_256 = tpu.memref_slice %arg3[%dma_wait3A_255] : memref<320000xi32, #tpu.memory_space<hbm>> -> memref<80xi32, #tpu.memory_space<hbm>>
      %dma_wait3A_257 = tpu.memref_slice %arg12[%dma_wait3A_251] : memref<4x!tpu.dma_semaphore, #tpu.memory_space<semaphore_mem>> -> memref<1x!tpu.dma_semaphore, #tpu.memory_space<semaphore_mem>>
      %dma_wait3A_258 = tpu.memref_squeeze %dma_wait3A_257 : memref<1x!tpu.dma_semaphore, #tpu.memory_space<semaphore_mem>> -> memref<!tpu.dma_semaphore, #tpu.memory_space<semaphore_mem>>
      %dma_wait3A_259 = arith.constant 0 : i32
      %dma_wait3A_260 = tpu.memref_slice %arg6[%dma_wait3A_250, %dma_wait3A_259] : memref<4x80xi32, #tpu.memory_space<vmem>> -> memref<1x80xi32, #tpu.memory_space<vmem>>
      %dma_wait3A_261 = tpu.memref_squeeze %dma_wait3A_260 : memref<1x80xi32, #tpu.memory_space<vmem>> -> memref<80xi32, #tpu.memory_space<vmem>>
      %dma_wait3A_262 = arith.constant 0 : i32
      %dma_wait3A_263 = tpu.memref_slice %arg3[%dma_wait3A_262] : memref<320000xi32, #tpu.memory_space<hbm>> -> memref<80xi32, #tpu.memory_space<hbm>>
      tpu.wait_dma2 semaphore(%dma_wait3A_258 : memref<!tpu.dma_semaphore, #tpu.memory_space<semaphore_mem>>) src(%dma_wait3A_263 : memref<80xi32, #tpu.memory_space<hbm>>) dst(%dma_wait3A_261 : memref<80xi32, #tpu.memory_space<vmem>>)
      %dma_start3A_264 = arith.constant 2 : i32
      %dma_start3A_265 = arith.constant 2 : i32
      %dma_start3A_266 = arith.constant 2 : i32
      %dma_start3A_267 = arith.constant 0 : i32
      %dma_start3A_268 = arith.constant 0 : i32
      %dma_start3A_269 = tpu.memref_slice %arg10[%dma_start3A_265, %dma_start3A_267, %dma_start3A_268] : memref<4x80x128xf32, #tpu.memory_space<vmem>> -> memref<1x80x128xf32, #tpu.memory_space<vmem>>
      %dma_start3A_270 = tpu.memref_squeeze %dma_start3A_269 : memref<1x80x128xf32, #tpu.memory_space<vmem>> -> memref<80x128xf32, #tpu.memory_space<vmem>>
      %dma_start3A_271 = arith.constant 0 : i32
      %dma_start3A_272 = tpu.memref_slice %arg6[%dma_start3A_264, %dma_start3A_271] : memref<4x80xi32, #tpu.memory_space<vmem>> -> memref<1x80xi32, #tpu.memory_space<vmem>>
      %dma_start3A_273 = tpu.memref_squeeze %dma_start3A_272 : memref<1x80xi32, #tpu.memory_space<vmem>> -> memref<80xi32, #tpu.memory_space<vmem>>
      %dma_start3A_274 = arith.constant 0 : i32
      %dma_start3A_275 = arith.constant 0 : i32
      %dma_start3A_276 = tpu.memref_slice %arg2[%dma_start3A_274, %dma_start3A_275] : memref<10000x128xf32, #tpu.memory_space<hbm>> -> memref<10000x128xf32, #tpu.memory_space<hbm>>
      %dma_start3A_277 = tpu.memref_slice %arg14[%dma_start3A_266] : memref<4x!tpu.dma_semaphore, #tpu.memory_space<semaphore_mem>> -> memref<1x!tpu.dma_semaphore, #tpu.memory_space<semaphore_mem>>
      %dma_start3A_278 = tpu.memref_squeeze %dma_start3A_277 : memref<1x!tpu.dma_semaphore, #tpu.memory_space<semaphore_mem>> -> memref<!tpu.dma_semaphore, #tpu.memory_space<semaphore_mem>>
      tpu.enqueue_indirect_dma source(%dma_start3A_276 : memref<10000x128xf32, #tpu.memory_space<hbm>>) target(%dma_start3A_270 : memref<80x128xf32, #tpu.memory_space<vmem>>) offsets(%dma_start3A_273 : memref<80xi32, #tpu.memory_space<vmem>>) semaphore(%dma_start3A_278 : memref<!tpu.dma_semaphore, #tpu.memory_space<semaphore_mem>>)
      %dma_wait3A_279 = arith.constant 3 : i32
      %dma_wait3A_280 = arith.constant 3 : i32
      %dma_wait3A_281 = arith.constant 0 : i32
      %dma_wait3A_282 = tpu.memref_slice %arg6[%dma_wait3A_279, %dma_wait3A_281] : memref<4x80xi32, #tpu.memory_space<vmem>> -> memref<1x80xi32, #tpu.memory_space<vmem>>
      %dma_wait3A_283 = tpu.memref_squeeze %dma_wait3A_282 : memref<1x80xi32, #tpu.memory_space<vmem>> -> memref<80xi32, #tpu.memory_space<vmem>>
      %dma_wait3A_284 = arith.constant 0 : i32
      %dma_wait3A_285 = tpu.memref_slice %arg3[%dma_wait3A_284] : memref<320000xi32, #tpu.memory_space<hbm>> -> memref<80xi32, #tpu.memory_space<hbm>>
      %dma_wait3A_286 = tpu.memref_slice %arg12[%dma_wait3A_280] : memref<4x!tpu.dma_semaphore, #tpu.memory_space<semaphore_mem>> -> memref<1x!tpu.dma_semaphore, #tpu.memory_space<semaphore_mem>>
      %dma_wait3A_287 = tpu.memref_squeeze %dma_wait3A_286 : memref<1x!tpu.dma_semaphore, #tpu.memory_space<semaphore_mem>> -> memref<!tpu.dma_semaphore, #tpu.memory_space<semaphore_mem>>
      %dma_wait3A_288 = arith.constant 0 : i32
      %dma_wait3A_289 = tpu.memref_slice %arg6[%dma_wait3A_279, %dma_wait3A_288] : memref<4x80xi32, #tpu.memory_space<vmem>> -> memref<1x80xi32, #tpu.memory_space<vmem>>
      %dma_wait3A_290 = tpu.memref_squeeze %dma_wait3A_289 : memref<1x80xi32, #tpu.memory_space<vmem>> -> memref<80xi32, #tpu.memory_space<vmem>>
      %dma_wait3A_291 = arith.constant 0 : i32
      %dma_wait3A_292 = tpu.memref_slice %arg3[%dma_wait3A_291] : memref<320000xi32, #tpu.memory_space<hbm>> -> memref<80xi32, #tpu.memory_space<hbm>>
      tpu.wait_dma2 semaphore(%dma_wait3A_287 : memref<!tpu.dma_semaphore, #tpu.memory_space<semaphore_mem>>) src(%dma_wait3A_292 : memref<80xi32, #tpu.memory_space<hbm>>) dst(%dma_wait3A_290 : memref<80xi32, #tpu.memory_space<vmem>>)
      %dma_start3A_293 = arith.constant 3 : i32
      %dma_start3A_294 = arith.constant 3 : i32
      %dma_start3A_295 = arith.constant 3 : i32
      %dma_start3A_296 = arith.constant 0 : i32
      %dma_start3A_297 = arith.constant 0 : i32
      %dma_start3A_298 = tpu.memref_slice %arg10[%dma_start3A_294, %dma_start3A_296, %dma_start3A_297] : memref<4x80x128xf32, #tpu.memory_space<vmem>> -> memref<1x80x128xf32, #tpu.memory_space<vmem>>
      %dma_start3A_299 = tpu.memref_squeeze %dma_start3A_298 : memref<1x80x128xf32, #tpu.memory_space<vmem>> -> memref<80x128xf32, #tpu.memory_space<vmem>>
      %dma_start3A_300 = arith.constant 0 : i32
      %dma_start3A_301 = tpu.memref_slice %arg6[%dma_start3A_293, %dma_start3A_300] : memref<4x80xi32, #tpu.memory_space<vmem>> -> memref<1x80xi32, #tpu.memory_space<vmem>>
      %dma_start3A_302 = tpu.memref_squeeze %dma_start3A_301 : memref<1x80xi32, #tpu.memory_space<vmem>> -> memref<80xi32, #tpu.memory_space<vmem>>
      %dma_start3A_303 = arith.constant 0 : i32
      %dma_start3A_304 = arith.constant 0 : i32
      %dma_start3A_305 = tpu.memref_slice %arg2[%dma_start3A_303, %dma_start3A_304] : memref<10000x128xf32, #tpu.memory_space<hbm>> -> memref<10000x128xf32, #tpu.memory_space<hbm>>
      %dma_start3A_306 = tpu.memref_slice %arg14[%dma_start3A_295] : memref<4x!tpu.dma_semaphore, #tpu.memory_space<semaphore_mem>> -> memref<1x!tpu.dma_semaphore, #tpu.memory_space<semaphore_mem>>
      %dma_start3A_307 = tpu.memref_squeeze %dma_start3A_306 : memref<1x!tpu.dma_semaphore, #tpu.memory_space<semaphore_mem>> -> memref<!tpu.dma_semaphore, #tpu.memory_space<semaphore_mem>>
      tpu.enqueue_indirect_dma source(%dma_start3A_305 : memref<10000x128xf32, #tpu.memory_space<hbm>>) target(%dma_start3A_299 : memref<80x128xf32, #tpu.memory_space<vmem>>) offsets(%dma_start3A_302 : memref<80xi32, #tpu.memory_space<vmem>>) semaphore(%dma_start3A_307 : memref<!tpu.dma_semaphore, #tpu.memory_space<semaphore_mem>>)
      %dma_wait3A_308 = arith.constant 0 : i32
      %dma_wait3A_309 = arith.constant 0 : i32
      %dma_wait3A_310 = arith.constant 0 : i32
      %dma_wait3A_311 = arith.constant 0 : i32
      %dma_wait3A_312 = arith.constant 0 : i32
      %dma_wait3A_313 = tpu.memref_slice %arg10[%dma_wait3A_309, %dma_wait3A_311, %dma_wait3A_312] : memref<4x80x128xf32, #tpu.memory_space<vmem>> -> memref<1x80x128xf32, #tpu.memory_space<vmem>>
      %dma_wait3A_314 = tpu.memref_squeeze %dma_wait3A_313 : memref<1x80x128xf32, #tpu.memory_space<vmem>> -> memref<80x128xf32, #tpu.memory_space<vmem>>
      %dma_wait3A_315 = arith.constant 0 : i32
      %dma_wait3A_316 = tpu.memref_slice %arg6[%dma_wait3A_308, %dma_wait3A_315] : memref<4x80xi32, #tpu.memory_space<vmem>> -> memref<1x80xi32, #tpu.memory_space<vmem>>
      %dma_wait3A_317 = tpu.memref_squeeze %dma_wait3A_316 : memref<1x80xi32, #tpu.memory_space<vmem>> -> memref<80xi32, #tpu.memory_space<vmem>>
      %dma_wait3A_318 = arith.constant 0 : i32
      %dma_wait3A_319 = arith.constant 0 : i32
      %dma_wait3A_320 = tpu.memref_slice %arg2[%dma_wait3A_318, %dma_wait3A_319] : memref<10000x128xf32, #tpu.memory_space<hbm>> -> memref<10000x128xf32, #tpu.memory_space<hbm>>
      %dma_wait3A_321 = tpu.memref_slice %arg14[%dma_wait3A_310] : memref<4x!tpu.dma_semaphore, #tpu.memory_space<semaphore_mem>> -> memref<1x!tpu.dma_semaphore, #tpu.memory_space<semaphore_mem>>
      %dma_wait3A_322 = tpu.memref_squeeze %dma_wait3A_321 : memref<1x!tpu.dma_semaphore, #tpu.memory_space<semaphore_mem>> -> memref<!tpu.dma_semaphore, #tpu.memory_space<semaphore_mem>>
      tpu.wait_indirect_dma semaphore(%dma_wait3A_322 : memref<!tpu.dma_semaphore, #tpu.memory_space<semaphore_mem>>) src(%dma_wait3A_320 : memref<10000x128xf32, #tpu.memory_space<hbm>>) dst(%dma_wait3A_314 : memref<80x128xf32, #tpu.memory_space<vmem>>)
      %dma_wait3A_323 = arith.constant 0 : i32
      %dma_wait3A_324 = arith.constant 0 : i32
      %dma_wait3A_325 = arith.constant 0 : i32
      %dma_wait3A_326 = tpu.memref_slice %arg7[%dma_wait3A_323, %dma_wait3A_325] : memref<4x80xi32, #tpu.memory_space<vmem>> -> memref<1x80xi32, #tpu.memory_space<vmem>>
      %dma_wait3A_327 = tpu.memref_squeeze %dma_wait3A_326 : memref<1x80xi32, #tpu.memory_space<vmem>> -> memref<80xi32, #tpu.memory_space<vmem>>
      %dma_wait3A_328 = arith.constant 0 : i32
      %dma_wait3A_329 = tpu.memref_slice %arg3[%dma_wait3A_328] : memref<320000xi32, #tpu.memory_space<hbm>> -> memref<80xi32, #tpu.memory_space<hbm>>
      %dma_wait3A_330 = tpu.memref_slice %arg13[%dma_wait3A_324] : memref<4x!tpu.dma_semaphore, #tpu.memory_space<semaphore_mem>> -> memref<1x!tpu.dma_semaphore, #tpu.memory_space<semaphore_mem>>
      %dma_wait3A_331 = tpu.memref_squeeze %dma_wait3A_330 : memref<1x!tpu.dma_semaphore, #tpu.memory_space<semaphore_mem>> -> memref<!tpu.dma_semaphore, #tpu.memory_space<semaphore_mem>>
      %dma_wait3A_332 = arith.constant 0 : i32
      %dma_wait3A_333 = tpu.memref_slice %arg7[%dma_wait3A_323, %dma_wait3A_332] : memref<4x80xi32, #tpu.memory_space<vmem>> -> memref<1x80xi32, #tpu.memory_space<vmem>>
      %dma_wait3A_334 = tpu.memref_squeeze %dma_wait3A_333 : memref<1x80xi32, #tpu.memory_space<vmem>> -> memref<80xi32, #tpu.memory_space<vmem>>
      %dma_wait3A_335 = arith.constant 0 : i32
      %dma_wait3A_336 = tpu.memref_slice %arg3[%dma_wait3A_335] : memref<320000xi32, #tpu.memory_space<hbm>> -> memref<80xi32, #tpu.memory_space<hbm>>
      tpu.wait_dma2 semaphore(%dma_wait3A_331 : memref<!tpu.dma_semaphore, #tpu.memory_space<semaphore_mem>>) src(%dma_wait3A_336 : memref<80xi32, #tpu.memory_space<hbm>>) dst(%dma_wait3A_334 : memref<80xi32, #tpu.memory_space<vmem>>)
      %dma_start3A_337 = arith.constant 0 : i32
      %dma_start3A_338 = arith.constant 0 : i32
      %dma_start3A_339 = arith.constant 0 : i32
      %dma_start3A_340 = arith.constant 0 : i32
      %dma_start3A_341 = arith.constant 0 : i32
      %dma_start3A_342 = tpu.memref_slice %arg10[%dma_start3A_337, %dma_start3A_340, %dma_start3A_341] : memref<4x80x128xf32, #tpu.memory_space<vmem>> -> memref<1x80x128xf32, #tpu.memory_space<vmem>>
      %dma_start3A_343 = tpu.memref_squeeze %dma_start3A_342 : memref<1x80x128xf32, #tpu.memory_space<vmem>> -> memref<80x128xf32, #tpu.memory_space<vmem>>
      %dma_start3A_344 = arith.constant 0 : i32
      %dma_start3A_345 = tpu.memref_slice %arg7[%dma_start3A_338, %dma_start3A_344] : memref<4x80xi32, #tpu.memory_space<vmem>> -> memref<1x80xi32, #tpu.memory_space<vmem>>
      %dma_start3A_346 = tpu.memref_squeeze %dma_start3A_345 : memref<1x80xi32, #tpu.memory_space<vmem>> -> memref<80xi32, #tpu.memory_space<vmem>>
      %dma_start3A_347 = arith.constant 0 : i32
      %dma_start3A_348 = arith.constant 0 : i32
      %dma_start3A_349 = tpu.memref_slice %arg11[%dma_start3A_347, %dma_start3A_348] : memref<10000x128xf32, #tpu.memory_space<vmem_shared>> -> memref<10000x128xf32, #tpu.memory_space<vmem_shared>>
      %dma_start3A_350 = tpu.memref_slice %arg15[%dma_start3A_339] : memref<4x!tpu.dma_semaphore, #tpu.memory_space<semaphore_mem>> -> memref<1x!tpu.dma_semaphore, #tpu.memory_space<semaphore_mem>>
      %dma_start3A_351 = tpu.memref_squeeze %dma_start3A_350 : memref<1x!tpu.dma_semaphore, #tpu.memory_space<semaphore_mem>> -> memref<!tpu.dma_semaphore, #tpu.memory_space<semaphore_mem>>
      tpu.enqueue_indirect_dma source(%dma_start3A_343 : memref<80x128xf32, #tpu.memory_space<vmem>>) target(%dma_start3A_349 : memref<10000x128xf32, #tpu.memory_space<vmem_shared>>) offsets(%dma_start3A_346 : memref<80xi32, #tpu.memory_space<vmem>>) semaphore(%dma_start3A_351 : memref<!tpu.dma_semaphore, #tpu.memory_space<semaphore_mem>>) {add = true}
      %dma_wait3A_352 = arith.constant 1 : i32
      %dma_wait3A_353 = arith.constant 1 : i32
      %dma_wait3A_354 = arith.constant 1 : i32
      %dma_wait3A_355 = arith.constant 0 : i32
      %dma_wait3A_356 = arith.constant 0 : i32
      %dma_wait3A_357 = tpu.memref_slice %arg10[%dma_wait3A_353, %dma_wait3A_355, %dma_wait3A_356] : memref<4x80x128xf32, #tpu.memory_space<vmem>> -> memref<1x80x128xf32, #tpu.memory_space<vmem>>
      %dma_wait3A_358 = tpu.memref_squeeze %dma_wait3A_357 : memref<1x80x128xf32, #tpu.memory_space<vmem>> -> memref<80x128xf32, #tpu.memory_space<vmem>>
      %dma_wait3A_359 = arith.constant 0 : i32
      %dma_wait3A_360 = tpu.memref_slice %arg6[%dma_wait3A_352, %dma_wait3A_359] : memref<4x80xi32, #tpu.memory_space<vmem>> -> memref<1x80xi32, #tpu.memory_space<vmem>>
      %dma_wait3A_361 = tpu.memref_squeeze %dma_wait3A_360 : memref<1x80xi32, #tpu.memory_space<vmem>> -> memref<80xi32, #tpu.memory_space<vmem>>
      %dma_wait3A_362 = arith.constant 0 : i32
      %dma_wait3A_363 = arith.constant 0 : i32
      %dma_wait3A_364 = tpu.memref_slice %arg2[%dma_wait3A_362, %dma_wait3A_363] : memref<10000x128xf32, #tpu.memory_space<hbm>> -> memref<10000x128xf32, #tpu.memory_space<hbm>>
      %dma_wait3A_365 = tpu.memref_slice %arg14[%dma_wait3A_354] : memref<4x!tpu.dma_semaphore, #tpu.memory_space<semaphore_mem>> -> memref<1x!tpu.dma_semaphore, #tpu.memory_space<semaphore_mem>>
      %dma_wait3A_366 = tpu.memref_squeeze %dma_wait3A_365 : memref<1x!tpu.dma_semaphore, #tpu.memory_space<semaphore_mem>> -> memref<!tpu.dma_semaphore, #tpu.memory_space<semaphore_mem>>
      tpu.wait_indirect_dma semaphore(%dma_wait3A_366 : memref<!tpu.dma_semaphore, #tpu.memory_space<semaphore_mem>>) src(%dma_wait3A_364 : memref<10000x128xf32, #tpu.memory_space<hbm>>) dst(%dma_wait3A_358 : memref<80x128xf32, #tpu.memory_space<vmem>>)
      %dma_wait3A_367 = arith.constant 1 : i32
      %dma_wait3A_368 = arith.constant 1 : i32
      %dma_wait3A_369 = arith.constant 0 : i32
      %dma_wait3A_370 = tpu.memref_slice %arg7[%dma_wait3A_367, %dma_wait3A_369] : memref<4x80xi32, #tpu.memory_space<vmem>> -> memref<1x80xi32, #tpu.memory_space<vmem>>
      %dma_wait3A_371 = tpu.memref_squeeze %dma_wait3A_370 : memref<1x80xi32, #tpu.memory_space<vmem>> -> memref<80xi32, #tpu.memory_space<vmem>>
      %dma_wait3A_372 = arith.constant 0 : i32
      %dma_wait3A_373 = tpu.memref_slice %arg3[%dma_wait3A_372] : memref<320000xi32, #tpu.memory_space<hbm>> -> memref<80xi32, #tpu.memory_space<hbm>>
      %dma_wait3A_374 = tpu.memref_slice %arg13[%dma_wait3A_368] : memref<4x!tpu.dma_semaphore, #tpu.memory_space<semaphore_mem>> -> memref<1x!tpu.dma_semaphore, #tpu.memory_space<semaphore_mem>>
      %dma_wait3A_375 = tpu.memref_squeeze %dma_wait3A_374 : memref<1x!tpu.dma_semaphore, #tpu.memory_space<semaphore_mem>> -> memref<!tpu.dma_semaphore, #tpu.memory_space<semaphore_mem>>
      %dma_wait3A_376 = arith.constant 0 : i32
      %dma_wait3A_377 = tpu.memref_slice %arg7[%dma_wait3A_367, %dma_wait3A_376] : memref<4x80xi32, #tpu.memory_space<vmem>> -> memref<1x80xi32, #tpu.memory_space<vmem>>
      %dma_wait3A_378 = tpu.memref_squeeze %dma_wait3A_377 : memref<1x80xi32, #tpu.memory_space<vmem>> -> memref<80xi32, #tpu.memory_space<vmem>>
      %dma_wait3A_379 = arith.constant 0 : i32
      %dma_wait3A_380 = tpu.memref_slice %arg3[%dma_wait3A_379] : memref<320000xi32, #tpu.memory_space<hbm>> -> memref<80xi32, #tpu.memory_space<hbm>>
      tpu.wait_dma2 semaphore(%dma_wait3A_375 : memref<!tpu.dma_semaphore, #tpu.memory_space<semaphore_mem>>) src(%dma_wait3A_380 : memref<80xi32, #tpu.memory_space<hbm>>) dst(%dma_wait3A_378 : memref<80xi32, #tpu.memory_space<vmem>>)
      %dma_start3A_381 = arith.constant 1 : i32
      %dma_start3A_382 = arith.constant 1 : i32
      %dma_start3A_383 = arith.constant 1 : i32
      %dma_start3A_384 = arith.constant 0 : i32
      %dma_start3A_385 = arith.constant 0 : i32
      %dma_start3A_386 = tpu.memref_slice %arg10[%dma_start3A_381, %dma_start3A_384, %dma_start3A_385] : memref<4x80x128xf32, #tpu.memory_space<vmem>> -> memref<1x80x128xf32, #tpu.memory_space<vmem>>
      %dma_start3A_387 = tpu.memref_squeeze %dma_start3A_386 : memref<1x80x128xf32, #tpu.memory_space<vmem>> -> memref<80x128xf32, #tpu.memory_space<vmem>>
      %dma_start3A_388 = arith.constant 0 : i32
      %dma_start3A_389 = tpu.memref_slice %arg7[%dma_start3A_382, %dma_start3A_388] : memref<4x80xi32, #tpu.memory_space<vmem>> -> memref<1x80xi32, #tpu.memory_space<vmem>>
      %dma_start3A_390 = tpu.memref_squeeze %dma_start3A_389 : memref<1x80xi32, #tpu.memory_space<vmem>> -> memref<80xi32, #tpu.memory_space<vmem>>
      %dma_start3A_391 = arith.constant 0 : i32
      %dma_start3A_392 = arith.constant 0 : i32
      %dma_start3A_393 = tpu.memref_slice %arg11[%dma_start3A_391, %dma_start3A_392] : memref<10000x128xf32, #tpu.memory_space<vmem_shared>> -> memref<10000x128xf32, #tpu.memory_space<vmem_shared>>
      %dma_start3A_394 = tpu.memref_slice %arg15[%dma_start3A_383] : memref<4x!tpu.dma_semaphore, #tpu.memory_space<semaphore_mem>> -> memref<1x!tpu.dma_semaphore, #tpu.memory_space<semaphore_mem>>
      %dma_start3A_395 = tpu.memref_squeeze %dma_start3A_394 : memref<1x!tpu.dma_semaphore, #tpu.memory_space<semaphore_mem>> -> memref<!tpu.dma_semaphore, #tpu.memory_space<semaphore_mem>>
      tpu.enqueue_indirect_dma source(%dma_start3A_387 : memref<80x128xf32, #tpu.memory_space<vmem>>) target(%dma_start3A_393 : memref<10000x128xf32, #tpu.memory_space<vmem_shared>>) offsets(%dma_start3A_390 : memref<80xi32, #tpu.memory_space<vmem>>) semaphore(%dma_start3A_395 : memref<!tpu.dma_semaphore, #tpu.memory_space<semaphore_mem>>) {add = true}
      %dma_wait3A_396 = arith.constant 2 : i32
      %dma_wait3A_397 = arith.constant 2 : i32
      %dma_wait3A_398 = arith.constant 2 : i32
      %dma_wait3A_399 = arith.constant 0 : i32
      %dma_wait3A_400 = arith.constant 0 : i32
      %dma_wait3A_401 = tpu.memref_slice %arg10[%dma_wait3A_397, %dma_wait3A_399, %dma_wait3A_400] : memref<4x80x128xf32, #tpu.memory_space<vmem>> -> memref<1x80x128xf32, #tpu.memory_space<vmem>>
      %dma_wait3A_402 = tpu.memref_squeeze %dma_wait3A_401 : memref<1x80x128xf32, #tpu.memory_space<vmem>> -> memref<80x128xf32, #tpu.memory_space<vmem>>
      %dma_wait3A_403 = arith.constant 0 : i32
      %dma_wait3A_404 = tpu.memref_slice %arg6[%dma_wait3A_396, %dma_wait3A_403] : memref<4x80xi32, #tpu.memory_space<vmem>> -> memref<1x80xi32, #tpu.memory_space<vmem>>
      %dma_wait3A_405 = tpu.memref_squeeze %dma_wait3A_404 : memref<1x80xi32, #tpu.memory_space<vmem>> -> memref<80xi32, #tpu.memory_space<vmem>>
      %dma_wait3A_406 = arith.constant 0 : i32
      %dma_wait3A_407 = arith.constant 0 : i32
      %dma_wait3A_408 = tpu.memref_slice %arg2[%dma_wait3A_406, %dma_wait3A_407] : memref<10000x128xf32, #tpu.memory_space<hbm>> -> memref<10000x128xf32, #tpu.memory_space<hbm>>
      %dma_wait3A_409 = tpu.memref_slice %arg14[%dma_wait3A_398] : memref<4x!tpu.dma_semaphore, #tpu.memory_space<semaphore_mem>> -> memref<1x!tpu.dma_semaphore, #tpu.memory_space<semaphore_mem>>
      %dma_wait3A_410 = tpu.memref_squeeze %dma_wait3A_409 : memref<1x!tpu.dma_semaphore, #tpu.memory_space<semaphore_mem>> -> memref<!tpu.dma_semaphore, #tpu.memory_space<semaphore_mem>>
      tpu.wait_indirect_dma semaphore(%dma_wait3A_410 : memref<!tpu.dma_semaphore, #tpu.memory_space<semaphore_mem>>) src(%dma_wait3A_408 : memref<10000x128xf32, #tpu.memory_space<hbm>>) dst(%dma_wait3A_402 : memref<80x128xf32, #tpu.memory_space<vmem>>)
      %dma_wait3A_411 = arith.constant 2 : i32
      %dma_wait3A_412 = arith.constant 2 : i32
      %dma_wait3A_413 = arith.constant 0 : i32
      %dma_wait3A_414 = tpu.memref_slice %arg7[%dma_wait3A_411, %dma_wait3A_413] : memref<4x80xi32, #tpu.memory_space<vmem>> -> memref<1x80xi32, #tpu.memory_space<vmem>>
      %dma_wait3A_415 = tpu.memref_squeeze %dma_wait3A_414 : memref<1x80xi32, #tpu.memory_space<vmem>> -> memref<80xi32, #tpu.memory_space<vmem>>
      %dma_wait3A_416 = arith.constant 0 : i32
      %dma_wait3A_417 = tpu.memref_slice %arg3[%dma_wait3A_416] : memref<320000xi32, #tpu.memory_space<hbm>> -> memref<80xi32, #tpu.memory_space<hbm>>
      %dma_wait3A_418 = tpu.memref_slice %arg13[%dma_wait3A_412] : memref<4x!tpu.dma_semaphore, #tpu.memory_space<semaphore_mem>> -> memref<1x!tpu.dma_semaphore, #tpu.memory_space<semaphore_mem>>
      %dma_wait3A_419 = tpu.memref_squeeze %dma_wait3A_418 : memref<1x!tpu.dma_semaphore, #tpu.memory_space<semaphore_mem>> -> memref<!tpu.dma_semaphore, #tpu.memory_space<semaphore_mem>>
      %dma_wait3A_420 = arith.constant 0 : i32
      %dma_wait3A_421 = tpu.memref_slice %arg7[%dma_wait3A_411, %dma_wait3A_420] : memref<4x80xi32, #tpu.memory_space<vmem>> -> memref<1x80xi32, #tpu.memory_space<vmem>>
      %dma_wait3A_422 = tpu.memref_squeeze %dma_wait3A_421 : memref<1x80xi32, #tpu.memory_space<vmem>> -> memref<80xi32, #tpu.memory_space<vmem>>
      %dma_wait3A_423 = arith.constant 0 : i32
      %dma_wait3A_424 = tpu.memref_slice %arg3[%dma_wait3A_423] : memref<320000xi32, #tpu.memory_space<hbm>> -> memref<80xi32, #tpu.memory_space<hbm>>
      tpu.wait_dma2 semaphore(%dma_wait3A_419 : memref<!tpu.dma_semaphore, #tpu.memory_space<semaphore_mem>>) src(%dma_wait3A_424 : memref<80xi32, #tpu.memory_space<hbm>>) dst(%dma_wait3A_422 : memref<80xi32, #tpu.memory_space<vmem>>)
      %dma_start3A_425 = arith.constant 2 : i32
      %dma_start3A_426 = arith.constant 2 : i32
      %dma_start3A_427 = arith.constant 2 : i32
      %dma_start3A_428 = arith.constant 0 : i32
      %dma_start3A_429 = arith.constant 0 : i32
      %dma_start3A_430 = tpu.memref_slice %arg10[%dma_start3A_425, %dma_start3A_428, %dma_start3A_429] : memref<4x80x128xf32, #tpu.memory_space<vmem>> -> memref<1x80x128xf32, #tpu.memory_space<vmem>>
      %dma_start3A_431 = tpu.memref_squeeze %dma_start3A_430 : memref<1x80x128xf32, #tpu.memory_space<vmem>> -> memref<80x128xf32, #tpu.memory_space<vmem>>
      %dma_start3A_432 = arith.constant 0 : i32
      %dma_start3A_433 = tpu.memref_slice %arg7[%dma_start3A_426, %dma_start3A_432] : memref<4x80xi32, #tpu.memory_space<vmem>> -> memref<1x80xi32, #tpu.memory_space<vmem>>
      %dma_start3A_434 = tpu.memref_squeeze %dma_start3A_433 : memref<1x80xi32, #tpu.memory_space<vmem>> -> memref<80xi32, #tpu.memory_space<vmem>>
      %dma_start3A_435 = arith.constant 0 : i32
      %dma_start3A_436 = arith.constant 0 : i32
      %dma_start3A_437 = tpu.memref_slice %arg11[%dma_start3A_435, %dma_start3A_436] : memref<10000x128xf32, #tpu.memory_space<vmem_shared>> -> memref<10000x128xf32, #tpu.memory_space<vmem_shared>>
      %dma_start3A_438 = tpu.memref_slice %arg15[%dma_start3A_427] : memref<4x!tpu.dma_semaphore, #tpu.memory_space<semaphore_mem>> -> memref<1x!tpu.dma_semaphore, #tpu.memory_space<semaphore_mem>>
      %dma_start3A_439 = tpu.memref_squeeze %dma_start3A_438 : memref<1x!tpu.dma_semaphore, #tpu.memory_space<semaphore_mem>> -> memref<!tpu.dma_semaphore, #tpu.memory_space<semaphore_mem>>
      tpu.enqueue_indirect_dma source(%dma_start3A_431 : memref<80x128xf32, #tpu.memory_space<vmem>>) target(%dma_start3A_437 : memref<10000x128xf32, #tpu.memory_space<vmem_shared>>) offsets(%dma_start3A_434 : memref<80xi32, #tpu.memory_space<vmem>>) semaphore(%dma_start3A_439 : memref<!tpu.dma_semaphore, #tpu.memory_space<semaphore_mem>>) {add = true}
      %dma_wait3A_440 = arith.constant 3 : i32
      %dma_wait3A_441 = arith.constant 3 : i32
      %dma_wait3A_442 = arith.constant 3 : i32
      %dma_wait3A_443 = arith.constant 0 : i32
      %dma_wait3A_444 = arith.constant 0 : i32
      %dma_wait3A_445 = tpu.memref_slice %arg10[%dma_wait3A_441, %dma_wait3A_443, %dma_wait3A_444] : memref<4x80x128xf32, #tpu.memory_space<vmem>> -> memref<1x80x128xf32, #tpu.memory_space<vmem>>
      %dma_wait3A_446 = tpu.memref_squeeze %dma_wait3A_445 : memref<1x80x128xf32, #tpu.memory_space<vmem>> -> memref<80x128xf32, #tpu.memory_space<vmem>>
      %dma_wait3A_447 = arith.constant 0 : i32
      %dma_wait3A_448 = tpu.memref_slice %arg6[%dma_wait3A_440, %dma_wait3A_447] : memref<4x80xi32, #tpu.memory_space<vmem>> -> memref<1x80xi32, #tpu.memory_space<vmem>>
      %dma_wait3A_449 = tpu.memref_squeeze %dma_wait3A_448 : memref<1x80xi32, #tpu.memory_space<vmem>> -> memref<80xi32, #tpu.memory_space<vmem>>
      %dma_wait3A_450 = arith.constant 0 : i32
      %dma_wait3A_451 = arith.constant 0 : i32
      %dma_wait3A_452 = tpu.memref_slice %arg2[%dma_wait3A_450, %dma_wait3A_451] : memref<10000x128xf32, #tpu.memory_space<hbm>> -> memref<10000x128xf32, #tpu.memory_space<hbm>>
      %dma_wait3A_453 = tpu.memref_slice %arg14[%dma_wait3A_442] : memref<4x!tpu.dma_semaphore, #tpu.memory_space<semaphore_mem>> -> memref<1x!tpu.dma_semaphore, #tpu.memory_space<semaphore_mem>>
      %dma_wait3A_454 = tpu.memref_squeeze %dma_wait3A_453 : memref<1x!tpu.dma_semaphore, #tpu.memory_space<semaphore_mem>> -> memref<!tpu.dma_semaphore, #tpu.memory_space<semaphore_mem>>
      tpu.wait_indirect_dma semaphore(%dma_wait3A_454 : memref<!tpu.dma_semaphore, #tpu.memory_space<semaphore_mem>>) src(%dma_wait3A_452 : memref<10000x128xf32, #tpu.memory_space<hbm>>) dst(%dma_wait3A_446 : memref<80x128xf32, #tpu.memory_space<vmem>>)
      %dma_wait3A_455 = arith.constant 3 : i32
      %dma_wait3A_456 = arith.constant 3 : i32
      %dma_wait3A_457 = arith.constant 0 : i32
      %dma_wait3A_458 = tpu.memref_slice %arg7[%dma_wait3A_455, %dma_wait3A_457] : memref<4x80xi32, #tpu.memory_space<vmem>> -> memref<1x80xi32, #tpu.memory_space<vmem>>
      %dma_wait3A_459 = tpu.memref_squeeze %dma_wait3A_458 : memref<1x80xi32, #tpu.memory_space<vmem>> -> memref<80xi32, #tpu.memory_space<vmem>>
      %dma_wait3A_460 = arith.constant 0 : i32
      %dma_wait3A_461 = tpu.memref_slice %arg3[%dma_wait3A_460] : memref<320000xi32, #tpu.memory_space<hbm>> -> memref<80xi32, #tpu.memory_space<hbm>>
      %dma_wait3A_462 = tpu.memref_slice %arg13[%dma_wait3A_456] : memref<4x!tpu.dma_semaphore, #tpu.memory_space<semaphore_mem>> -> memref<1x!tpu.dma_semaphore, #tpu.memory_space<semaphore_mem>>
      %dma_wait3A_463 = tpu.memref_squeeze %dma_wait3A_462 : memref<1x!tpu.dma_semaphore, #tpu.memory_space<semaphore_mem>> -> memref<!tpu.dma_semaphore, #tpu.memory_space<semaphore_mem>>
      %dma_wait3A_464 = arith.constant 0 : i32
      %dma_wait3A_465 = tpu.memref_slice %arg7[%dma_wait3A_455, %dma_wait3A_464] : memref<4x80xi32, #tpu.memory_space<vmem>> -> memref<1x80xi32, #tpu.memory_space<vmem>>
      %dma_wait3A_466 = tpu.memref_squeeze %dma_wait3A_465 : memref<1x80xi32, #tpu.memory_space<vmem>> -> memref<80xi32, #tpu.memory_space<vmem>>
      %dma_wait3A_467 = arith.constant 0 : i32
      %dma_wait3A_468 = tpu.memref_slice %arg3[%dma_wait3A_467] : memref<320000xi32, #tpu.memory_space<hbm>> -> memref<80xi32, #tpu.memory_space<hbm>>
      tpu.wait_dma2 semaphore(%dma_wait3A_463 : memref<!tpu.dma_semaphore, #tpu.memory_space<semaphore_mem>>) src(%dma_wait3A_468 : memref<80xi32, #tpu.memory_space<hbm>>) dst(%dma_wait3A_466 : memref<80xi32, #tpu.memory_space<vmem>>)
      %dma_start3A_469 = arith.constant 3 : i32
      %dma_start3A_470 = arith.constant 3 : i32
      %dma_start3A_471 = arith.constant 3 : i32
      %dma_start3A_472 = arith.constant 0 : i32
      %dma_start3A_473 = arith.constant 0 : i32
      %dma_start3A_474 = tpu.memref_slice %arg10[%dma_start3A_469, %dma_start3A_472, %dma_start3A_473] : memref<4x80x128xf32, #tpu.memory_space<vmem>> -> memref<1x80x128xf32, #tpu.memory_space<vmem>>
      %dma_start3A_475 = tpu.memref_squeeze %dma_start3A_474 : memref<1x80x128xf32, #tpu.memory_space<vmem>> -> memref<80x128xf32, #tpu.memory_space<vmem>>
      %dma_start3A_476 = arith.constant 0 : i32
      %dma_start3A_477 = tpu.memref_slice %arg7[%dma_start3A_470, %dma_start3A_476] : memref<4x80xi32, #tpu.memory_space<vmem>> -> memref<1x80xi32, #tpu.memory_space<vmem>>
      %dma_start3A_478 = tpu.memref_squeeze %dma_start3A_477 : memref<1x80xi32, #tpu.memory_space<vmem>> -> memref<80xi32, #tpu.memory_space<vmem>>
      %dma_start3A_479 = arith.constant 0 : i32
      %dma_start3A_480 = arith.constant 0 : i32
      %dma_start3A_481 = tpu.memref_slice %arg11[%dma_start3A_479, %dma_start3A_480] : memref<10000x128xf32, #tpu.memory_space<vmem_shared>> -> memref<10000x128xf32, #tpu.memory_space<vmem_shared>>
      %dma_start3A_482 = tpu.memref_slice %arg15[%dma_start3A_471] : memref<4x!tpu.dma_semaphore, #tpu.memory_space<semaphore_mem>> -> memref<1x!tpu.dma_semaphore, #tpu.memory_space<semaphore_mem>>
      %dma_start3A_483 = tpu.memref_squeeze %dma_start3A_482 : memref<1x!tpu.dma_semaphore, #tpu.memory_space<semaphore_mem>> -> memref<!tpu.dma_semaphore, #tpu.memory_space<semaphore_mem>>
      tpu.enqueue_indirect_dma source(%dma_start3A_475 : memref<80x128xf32, #tpu.memory_space<vmem>>) target(%dma_start3A_481 : memref<10000x128xf32, #tpu.memory_space<vmem_shared>>) offsets(%dma_start3A_478 : memref<80xi32, #tpu.memory_space<vmem>>) semaphore(%dma_start3A_483 : memref<!tpu.dma_semaphore, #tpu.memory_space<semaphore_mem>>) {add = true}
      %dma_wait3A_484 = arith.constant 0 : i32
      %dma_wait3A_485 = arith.constant 0 : i32
      %dma_wait3A_486 = arith.constant 0 : i32
      %dma_wait3A_487 = arith.constant 0 : i32
      %dma_wait3A_488 = tpu.memref_slice %arg10[%dma_wait3A_484, %dma_wait3A_486, %dma_wait3A_487] : memref<4x80x128xf32, #tpu.memory_space<vmem>> -> memref<1x80x128xf32, #tpu.memory_space<vmem>>
      %dma_wait3A_489 = tpu.memref_squeeze %dma_wait3A_488 : memref<1x80x128xf32, #tpu.memory_space<vmem>> -> memref<80x128xf32, #tpu.memory_space<vmem>>
      %dma_wait3A_490 = arith.constant 0 : i32
      %dma_wait3A_491 = arith.constant 0 : i32
      %dma_wait3A_492 = tpu.memref_slice %arg11[%dma_wait3A_490, %dma_wait3A_491] : memref<10000x128xf32, #tpu.memory_space<vmem_shared>> -> memref<80x128xf32, #tpu.memory_space<vmem_shared>>
      %dma_wait3A_493 = tpu.memref_slice %arg15[%dma_wait3A_485] : memref<4x!tpu.dma_semaphore, #tpu.memory_space<semaphore_mem>> -> memref<1x!tpu.dma_semaphore, #tpu.memory_space<semaphore_mem>>
      %dma_wait3A_494 = tpu.memref_squeeze %dma_wait3A_493 : memref<1x!tpu.dma_semaphore, #tpu.memory_space<semaphore_mem>> -> memref<!tpu.dma_semaphore, #tpu.memory_space<semaphore_mem>>
      %dma_wait3A_495 = arith.constant 0 : i32
      %dma_wait3A_496 = arith.constant 0 : i32
      %dma_wait3A_497 = tpu.memref_slice %arg11[%dma_wait3A_495, %dma_wait3A_496] : memref<10000x128xf32, #tpu.memory_space<vmem_shared>> -> memref<80x128xf32, #tpu.memory_space<vmem_shared>>
      %dma_wait3A_498 = arith.constant 0 : i32
      %dma_wait3A_499 = arith.constant 0 : i32
      %dma_wait3A_500 = tpu.memref_slice %arg10[%dma_wait3A_484, %dma_wait3A_498, %dma_wait3A_499] : memref<4x80x128xf32, #tpu.memory_space<vmem>> -> memref<1x80x128xf32, #tpu.memory_space<vmem>>
      %dma_wait3A_501 = tpu.memref_squeeze %dma_wait3A_500 : memref<1x80x128xf32, #tpu.memory_space<vmem>> -> memref<80x128xf32, #tpu.memory_space<vmem>>
      tpu.wait_dma2 semaphore(%dma_wait3A_494 : memref<!tpu.dma_semaphore, #tpu.memory_space<semaphore_mem>>) src(%dma_wait3A_501 : memref<80x128xf32, #tpu.memory_space<vmem>>) dst(%dma_wait3A_497 : memref<80x128xf32, #tpu.memory_space<vmem_shared>>)
      %lt3A = arith.constant 30 : i32
      %lt3A_502 = arith.cmpi slt, %add3A_191, %lt3A : i32
      %convert_element_type3A_503 = arith.extui %lt3A_502 : i1 to i32
      %cond3A_504 = arith.constant 0 : i32
      %cond3A_505 = arith.cmpi ne, %convert_element_type3A_503, %cond3A_504 : i32
      scf.if %cond3A_505 {
        %add3A_575 = arith.constant 1 : i32
        %add3A_576 = arith.addi %add3A_191, %add3A_575 : i32
        %mul3A_577 = arith.constant 4 : i32
        %mul3A_578 = arith.muli %add3A_576, %mul3A_577 : i32
        %mul3A_579 = arith.constant 80 : i32
        %mul3A_580 = arith.muli %mul3A_578, %mul3A_579 : i32
        %add3A_581 = arith.addi %mul3A_2, %mul3A_580 : i32
        %add3A_582 = arith.constant 0 : i32
        %add3A_583 = arith.addi %add3A_581, %add3A_582 : i32
        %dma_start3A_584 = arith.constant 0 : i32
        %dma_start3A_585 = arith.constant 0 : i32
        %dma_start3A_586 = arith.constant 0 : i32
        %dma_start3A_587 = tpu.memref_slice %arg6[%dma_start3A_584, %dma_start3A_586] : memref<4x80xi32, #tpu.memory_space<vmem>> -> memref<1x80xi32, #tpu.memory_space<vmem>>
        %dma_start3A_588 = tpu.memref_squeeze %dma_start3A_587 : memref<1x80xi32, #tpu.memory_space<vmem>> -> memref<80xi32, #tpu.memory_space<vmem>>
        %dma_start3A_589 = tpu.memref_slice %arg3[%add3A_583] : memref<320000xi32, #tpu.memory_space<hbm>> -> memref<80xi32, #tpu.memory_space<hbm>>
        %dma_start3A_590 = tpu.memref_slice %arg12[%dma_start3A_585] : memref<4x!tpu.dma_semaphore, #tpu.memory_space<semaphore_mem>> -> memref<1x!tpu.dma_semaphore, #tpu.memory_space<semaphore_mem>>
        %dma_start3A_591 = tpu.memref_squeeze %dma_start3A_590 : memref<1x!tpu.dma_semaphore, #tpu.memory_space<semaphore_mem>> -> memref<!tpu.dma_semaphore, #tpu.memory_space<semaphore_mem>>
        %dma_start3A_592 = arith.constant 0 : i32
        %dma_start3A_593 = tpu.memref_slice %arg6[%dma_start3A_584, %dma_start3A_592] : memref<4x80xi32, #tpu.memory_space<vmem>> -> memref<1x80xi32, #tpu.memory_space<vmem>>
        %dma_start3A_594 = tpu.memref_squeeze %dma_start3A_593 : memref<1x80xi32, #tpu.memory_space<vmem>> -> memref<80xi32, #tpu.memory_space<vmem>>
        %dma_start3A_595 = tpu.memref_slice %arg3[%add3A_583] : memref<320000xi32, #tpu.memory_space<hbm>> -> memref<80xi32, #tpu.memory_space<hbm>>
        tpu.enqueue_dma source(%dma_start3A_595 : memref<80xi32, #tpu.memory_space<hbm>>) target(%dma_start3A_594 : memref<80xi32, #tpu.memory_space<vmem>>) target_semaphore(%dma_start3A_591 : memref<!tpu.dma_semaphore, #tpu.memory_space<semaphore_mem>>)
        %dma_start3A_596 = arith.constant 0 : i32
        %dma_start3A_597 = arith.constant 0 : i32
        %dma_start3A_598 = arith.constant 0 : i32
        %dma_start3A_599 = tpu.memref_slice %arg7[%dma_start3A_596, %dma_start3A_598] : memref<4x80xi32, #tpu.memory_space<vmem>> -> memref<1x80xi32, #tpu.memory_space<vmem>>
        %dma_start3A_600 = tpu.memref_squeeze %dma_start3A_599 : memref<1x80xi32, #tpu.memory_space<vmem>> -> memref<80xi32, #tpu.memory_space<vmem>>
        %dma_start3A_601 = tpu.memref_slice %arg4[%add3A_583] : memref<320000xi32, #tpu.memory_space<hbm>> -> memref<80xi32, #tpu.memory_space<hbm>>
        %dma_start3A_602 = tpu.memref_slice %arg13[%dma_start3A_597] : memref<4x!tpu.dma_semaphore, #tpu.memory_space<semaphore_mem>> -> memref<1x!tpu.dma_semaphore, #tpu.memory_space<semaphore_mem>>
        %dma_start3A_603 = tpu.memref_squeeze %dma_start3A_602 : memref<1x!tpu.dma_semaphore, #tpu.memory_space<semaphore_mem>> -> memref<!tpu.dma_semaphore, #tpu.memory_space<semaphore_mem>>
        %dma_start3A_604 = arith.constant 0 : i32
        %dma_start3A_605 = tpu.memref_slice %arg7[%dma_start3A_596, %dma_start3A_604] : memref<4x80xi32, #tpu.memory_space<vmem>> -> memref<1x80xi32, #tpu.memory_space<vmem>>
        %dma_start3A_606 = tpu.memref_squeeze %dma_start3A_605 : memref<1x80xi32, #tpu.memory_space<vmem>> -> memref<80xi32, #tpu.memory_space<vmem>>
        %dma_start3A_607 = tpu.memref_slice %arg4[%add3A_583] : memref<320000xi32, #tpu.memory_space<hbm>> -> memref<80xi32, #tpu.memory_space<hbm>>
        tpu.enqueue_dma source(%dma_start3A_607 : memref<80xi32, #tpu.memory_space<hbm>>) target(%dma_start3A_606 : memref<80xi32, #tpu.memory_space<vmem>>) target_semaphore(%dma_start3A_603 : memref<!tpu.dma_semaphore, #tpu.memory_space<semaphore_mem>>)
      } else {
      }
      %dma_wait3A_506 = arith.constant 1 : i32
      %dma_wait3A_507 = arith.constant 1 : i32
      %dma_wait3A_508 = arith.constant 0 : i32
      %dma_wait3A_509 = arith.constant 0 : i32
      %dma_wait3A_510 = tpu.memref_slice %arg10[%dma_wait3A_506, %dma_wait3A_508, %dma_wait3A_509] : memref<4x80x128xf32, #tpu.memory_space<vmem>> -> memref<1x80x128xf32, #tpu.memory_space<vmem>>
      %dma_wait3A_511 = tpu.memref_squeeze %dma_wait3A_510 : memref<1x80x128xf32, #tpu.memory_space<vmem>> -> memref<80x128xf32, #tpu.memory_space<vmem>>
      %dma_wait3A_512 = arith.constant 0 : i32
      %dma_wait3A_513 = arith.constant 0 : i32
      %dma_wait3A_514 = tpu.memref_slice %arg11[%dma_wait3A_512, %dma_wait3A_513] : memref<10000x128xf32, #tpu.memory_space<vmem_shared>> -> memref<80x128xf32, #tpu.memory_space<vmem_shared>>
      %dma_wait3A_515 = tpu.memref_slice %arg15[%dma_wait3A_507] : memref<4x!tpu.dma_semaphore, #tpu.memory_space<semaphore_mem>> -> memref<1x!tpu.dma_semaphore, #tpu.memory_space<semaphore_mem>>
      %dma_wait3A_516 = tpu.memref_squeeze %dma_wait3A_515 : memref<1x!tpu.dma_semaphore, #tpu.memory_space<semaphore_mem>> -> memref<!tpu.dma_semaphore, #tpu.memory_space<semaphore_mem>>
      %dma_wait3A_517 = arith.constant 0 : i32
      %dma_wait3A_518 = arith.constant 0 : i32
      %dma_wait3A_519 = tpu.memref_slice %arg11[%dma_wait3A_517, %dma_wait3A_518] : memref<10000x128xf32, #tpu.memory_space<vmem_shared>> -> memref<80x128xf32, #tpu.memory_space<vmem_shared>>
      %dma_wait3A_520 = arith.constant 0 : i32
      %dma_wait3A_521 = arith.constant 0 : i32
      %dma_wait3A_522 = tpu.memref_slice %arg10[%dma_wait3A_506, %dma_wait3A_520, %dma_wait3A_521] : memref<4x80x128xf32, #tpu.memory_space<vmem>> -> memref<1x80x128xf32, #tpu.memory_space<vmem>>
      %dma_wait3A_523 = tpu.memref_squeeze %dma_wait3A_522 : memref<1x80x128xf32, #tpu.memory_space<vmem>> -> memref<80x128xf32, #tpu.memory_space<vmem>>
      tpu.wait_dma2 semaphore(%dma_wait3A_516 : memref<!tpu.dma_semaphore, #tpu.memory_space<semaphore_mem>>) src(%dma_wait3A_523 : memref<80x128xf32, #tpu.memory_space<vmem>>) dst(%dma_wait3A_519 : memref<80x128xf32, #tpu.memory_space<vmem_shared>>)
      %lt3A_524 = arith.constant 30 : i32
      %lt3A_525 = arith.cmpi slt, %add3A_191, %lt3A_524 : i32
      %convert_element_type3A_526 = arith.extui %lt3A_525 : i1 to i32
      %cond3A_527 = arith.constant 0 : i32
      %cond3A_528 = arith.cmpi ne, %convert_element_type3A_526, %cond3A_527 : i32
      scf.if %cond3A_528 {
        %add3A_575 = arith.constant 1 : i32
        %add3A_576 = arith.addi %add3A_191, %add3A_575 : i32
        %mul3A_577 = arith.constant 4 : i32
        %mul3A_578 = arith.muli %add3A_576, %mul3A_577 : i32
        %mul3A_579 = arith.constant 80 : i32
        %mul3A_580 = arith.muli %mul3A_578, %mul3A_579 : i32
        %add3A_581 = arith.addi %mul3A_2, %mul3A_580 : i32
        %add3A_582 = arith.constant 80 : i32
        %add3A_583 = arith.addi %add3A_581, %add3A_582 : i32
        %dma_start3A_584 = arith.constant 1 : i32
        %dma_start3A_585 = arith.constant 1 : i32
        %dma_start3A_586 = arith.constant 0 : i32
        %dma_start3A_587 = tpu.memref_slice %arg6[%dma_start3A_584, %dma_start3A_586] : memref<4x80xi32, #tpu.memory_space<vmem>> -> memref<1x80xi32, #tpu.memory_space<vmem>>
        %dma_start3A_588 = tpu.memref_squeeze %dma_start3A_587 : memref<1x80xi32, #tpu.memory_space<vmem>> -> memref<80xi32, #tpu.memory_space<vmem>>
        %dma_start3A_589 = tpu.memref_slice %arg3[%add3A_583] : memref<320000xi32, #tpu.memory_space<hbm>> -> memref<80xi32, #tpu.memory_space<hbm>>
        %dma_start3A_590 = tpu.memref_slice %arg12[%dma_start3A_585] : memref<4x!tpu.dma_semaphore, #tpu.memory_space<semaphore_mem>> -> memref<1x!tpu.dma_semaphore, #tpu.memory_space<semaphore_mem>>
        %dma_start3A_591 = tpu.memref_squeeze %dma_start3A_590 : memref<1x!tpu.dma_semaphore, #tpu.memory_space<semaphore_mem>> -> memref<!tpu.dma_semaphore, #tpu.memory_space<semaphore_mem>>
        %dma_start3A_592 = arith.constant 0 : i32
        %dma_start3A_593 = tpu.memref_slice %arg6[%dma_start3A_584, %dma_start3A_592] : memref<4x80xi32, #tpu.memory_space<vmem>> -> memref<1x80xi32, #tpu.memory_space<vmem>>
        %dma_start3A_594 = tpu.memref_squeeze %dma_start3A_593 : memref<1x80xi32, #tpu.memory_space<vmem>> -> memref<80xi32, #tpu.memory_space<vmem>>
        %dma_start3A_595 = tpu.memref_slice %arg3[%add3A_583] : memref<320000xi32, #tpu.memory_space<hbm>> -> memref<80xi32, #tpu.memory_space<hbm>>
        tpu.enqueue_dma source(%dma_start3A_595 : memref<80xi32, #tpu.memory_space<hbm>>) target(%dma_start3A_594 : memref<80xi32, #tpu.memory_space<vmem>>) target_semaphore(%dma_start3A_591 : memref<!tpu.dma_semaphore, #tpu.memory_space<semaphore_mem>>)
        %dma_start3A_596 = arith.constant 1 : i32
        %dma_start3A_597 = arith.constant 1 : i32
        %dma_start3A_598 = arith.constant 0 : i32
        %dma_start3A_599 = tpu.memref_slice %arg7[%dma_start3A_596, %dma_start3A_598] : memref<4x80xi32, #tpu.memory_space<vmem>> -> memref<1x80xi32, #tpu.memory_space<vmem>>
        %dma_start3A_600 = tpu.memref_squeeze %dma_start3A_599 : memref<1x80xi32, #tpu.memory_space<vmem>> -> memref<80xi32, #tpu.memory_space<vmem>>
        %dma_start3A_601 = tpu.memref_slice %arg4[%add3A_583] : memref<320000xi32, #tpu.memory_space<hbm>> -> memref<80xi32, #tpu.memory_space<hbm>>
        %dma_start3A_602 = tpu.memref_slice %arg13[%dma_start3A_597] : memref<4x!tpu.dma_semaphore, #tpu.memory_space<semaphore_mem>> -> memref<1x!tpu.dma_semaphore, #tpu.memory_space<semaphore_mem>>
        %dma_start3A_603 = tpu.memref_squeeze %dma_start3A_602 : memref<1x!tpu.dma_semaphore, #tpu.memory_space<semaphore_mem>> -> memref<!tpu.dma_semaphore, #tpu.memory_space<semaphore_mem>>
        %dma_start3A_604 = arith.constant 0 : i32
        %dma_start3A_605 = tpu.memref_slice %arg7[%dma_start3A_596, %dma_start3A_604] : memref<4x80xi32, #tpu.memory_space<vmem>> -> memref<1x80xi32, #tpu.memory_space<vmem>>
        %dma_start3A_606 = tpu.memref_squeeze %dma_start3A_605 : memref<1x80xi32, #tpu.memory_space<vmem>> -> memref<80xi32, #tpu.memory_space<vmem>>
        %dma_start3A_607 = tpu.memref_slice %arg4[%add3A_583] : memref<320000xi32, #tpu.memory_space<hbm>> -> memref<80xi32, #tpu.memory_space<hbm>>
        tpu.enqueue_dma source(%dma_start3A_607 : memref<80xi32, #tpu.memory_space<hbm>>) target(%dma_start3A_606 : memref<80xi32, #tpu.memory_space<vmem>>) target_semaphore(%dma_start3A_603 : memref<!tpu.dma_semaphore, #tpu.memory_space<semaphore_mem>>)
      } else {
      }
      %dma_wait3A_529 = arith.constant 2 : i32
      %dma_wait3A_530 = arith.constant 2 : i32
      %dma_wait3A_531 = arith.constant 0 : i32
      %dma_wait3A_532 = arith.constant 0 : i32
      %dma_wait3A_533 = tpu.memref_slice %arg10[%dma_wait3A_529, %dma_wait3A_531, %dma_wait3A_532] : memref<4x80x128xf32, #tpu.memory_space<vmem>> -> memref<1x80x128xf32, #tpu.memory_space<vmem>>
      %dma_wait3A_534 = tpu.memref_squeeze %dma_wait3A_533 : memref<1x80x128xf32, #tpu.memory_space<vmem>> -> memref<80x128xf32, #tpu.memory_space<vmem>>
      %dma_wait3A_535 = arith.constant 0 : i32
      %dma_wait3A_536 = arith.constant 0 : i32
      %dma_wait3A_537 = tpu.memref_slice %arg11[%dma_wait3A_535, %dma_wait3A_536] : memref<10000x128xf32, #tpu.memory_space<vmem_shared>> -> memref<80x128xf32, #tpu.memory_space<vmem_shared>>
      %dma_wait3A_538 = tpu.memref_slice %arg15[%dma_wait3A_530] : memref<4x!tpu.dma_semaphore, #tpu.memory_space<semaphore_mem>> -> memref<1x!tpu.dma_semaphore, #tpu.memory_space<semaphore_mem>>
      %dma_wait3A_539 = tpu.memref_squeeze %dma_wait3A_538 : memref<1x!tpu.dma_semaphore, #tpu.memory_space<semaphore_mem>> -> memref<!tpu.dma_semaphore, #tpu.memory_space<semaphore_mem>>
      %dma_wait3A_540 = arith.constant 0 : i32
      %dma_wait3A_541 = arith.constant 0 : i32
      %dma_wait3A_542 = tpu.memref_slice %arg11[%dma_wait3A_540, %dma_wait3A_541] : memref<10000x128xf32, #tpu.memory_space<vmem_shared>> -> memref<80x128xf32, #tpu.memory_space<vmem_shared>>
      %dma_wait3A_543 = arith.constant 0 : i32
      %dma_wait3A_544 = arith.constant 0 : i32
      %dma_wait3A_545 = tpu.memref_slice %arg10[%dma_wait3A_529, %dma_wait3A_543, %dma_wait3A_544] : memref<4x80x128xf32, #tpu.memory_space<vmem>> -> memref<1x80x128xf32, #tpu.memory_space<vmem>>
      %dma_wait3A_546 = tpu.memref_squeeze %dma_wait3A_545 : memref<1x80x128xf32, #tpu.memory_space<vmem>> -> memref<80x128xf32, #tpu.memory_space<vmem>>
      tpu.wait_dma2 semaphore(%dma_wait3A_539 : memref<!tpu.dma_semaphore, #tpu.memory_space<semaphore_mem>>) src(%dma_wait3A_546 : memref<80x128xf32, #tpu.memory_space<vmem>>) dst(%dma_wait3A_542 : memref<80x128xf32, #tpu.memory_space<vmem_shared>>)
      %lt3A_547 = arith.constant 30 : i32
      %lt3A_548 = arith.cmpi slt, %add3A_191, %lt3A_547 : i32
      %convert_element_type3A_549 = arith.extui %lt3A_548 : i1 to i32
      %cond3A_550 = arith.constant 0 : i32
      %cond3A_551 = arith.cmpi ne, %convert_element_type3A_549, %cond3A_550 : i32
      scf.if %cond3A_551 {
        %add3A_575 = arith.constant 1 : i32
        %add3A_576 = arith.addi %add3A_191, %add3A_575 : i32
        %mul3A_577 = arith.constant 4 : i32
        %mul3A_578 = arith.muli %add3A_576, %mul3A_577 : i32
        %mul3A_579 = arith.constant 80 : i32
        %mul3A_580 = arith.muli %mul3A_578, %mul3A_579 : i32
        %add3A_581 = arith.addi %mul3A_2, %mul3A_580 : i32
        %add3A_582 = arith.constant 160 : i32
        %add3A_583 = arith.addi %add3A_581, %add3A_582 : i32
        %dma_start3A_584 = arith.constant 2 : i32
        %dma_start3A_585 = arith.constant 2 : i32
        %dma_start3A_586 = arith.constant 0 : i32
        %dma_start3A_587 = tpu.memref_slice %arg6[%dma_start3A_584, %dma_start3A_586] : memref<4x80xi32, #tpu.memory_space<vmem>> -> memref<1x80xi32, #tpu.memory_space<vmem>>
        %dma_start3A_588 = tpu.memref_squeeze %dma_start3A_587 : memref<1x80xi32, #tpu.memory_space<vmem>> -> memref<80xi32, #tpu.memory_space<vmem>>
        %dma_start3A_589 = tpu.memref_slice %arg3[%add3A_583] : memref<320000xi32, #tpu.memory_space<hbm>> -> memref<80xi32, #tpu.memory_space<hbm>>
        %dma_start3A_590 = tpu.memref_slice %arg12[%dma_start3A_585] : memref<4x!tpu.dma_semaphore, #tpu.memory_space<semaphore_mem>> -> memref<1x!tpu.dma_semaphore, #tpu.memory_space<semaphore_mem>>
        %dma_start3A_591 = tpu.memref_squeeze %dma_start3A_590 : memref<1x!tpu.dma_semaphore, #tpu.memory_space<semaphore_mem>> -> memref<!tpu.dma_semaphore, #tpu.memory_space<semaphore_mem>>
        %dma_start3A_592 = arith.constant 0 : i32
        %dma_start3A_593 = tpu.memref_slice %arg6[%dma_start3A_584, %dma_start3A_592] : memref<4x80xi32, #tpu.memory_space<vmem>> -> memref<1x80xi32, #tpu.memory_space<vmem>>
        %dma_start3A_594 = tpu.memref_squeeze %dma_start3A_593 : memref<1x80xi32, #tpu.memory_space<vmem>> -> memref<80xi32, #tpu.memory_space<vmem>>
        %dma_start3A_595 = tpu.memref_slice %arg3[%add3A_583] : memref<320000xi32, #tpu.memory_space<hbm>> -> memref<80xi32, #tpu.memory_space<hbm>>
        tpu.enqueue_dma source(%dma_start3A_595 : memref<80xi32, #tpu.memory_space<hbm>>) target(%dma_start3A_594 : memref<80xi32, #tpu.memory_space<vmem>>) target_semaphore(%dma_start3A_591 : memref<!tpu.dma_semaphore, #tpu.memory_space<semaphore_mem>>)
        %dma_start3A_596 = arith.constant 2 : i32
        %dma_start3A_597 = arith.constant 2 : i32
        %dma_start3A_598 = arith.constant 0 : i32
        %dma_start3A_599 = tpu.memref_slice %arg7[%dma_start3A_596, %dma_start3A_598] : memref<4x80xi32, #tpu.memory_space<vmem>> -> memref<1x80xi32, #tpu.memory_space<vmem>>
        %dma_start3A_600 = tpu.memref_squeeze %dma_start3A_599 : memref<1x80xi32, #tpu.memory_space<vmem>> -> memref<80xi32, #tpu.memory_space<vmem>>
        %dma_start3A_601 = tpu.memref_slice %arg4[%add3A_583] : memref<320000xi32, #tpu.memory_space<hbm>> -> memref<80xi32, #tpu.memory_space<hbm>>
        %dma_start3A_602 = tpu.memref_slice %arg13[%dma_start3A_597] : memref<4x!tpu.dma_semaphore, #tpu.memory_space<semaphore_mem>> -> memref<1x!tpu.dma_semaphore, #tpu.memory_space<semaphore_mem>>
        %dma_start3A_603 = tpu.memref_squeeze %dma_start3A_602 : memref<1x!tpu.dma_semaphore, #tpu.memory_space<semaphore_mem>> -> memref<!tpu.dma_semaphore, #tpu.memory_space<semaphore_mem>>
        %dma_start3A_604 = arith.constant 0 : i32
        %dma_start3A_605 = tpu.memref_slice %arg7[%dma_start3A_596, %dma_start3A_604] : memref<4x80xi32, #tpu.memory_space<vmem>> -> memref<1x80xi32, #tpu.memory_space<vmem>>
        %dma_start3A_606 = tpu.memref_squeeze %dma_start3A_605 : memref<1x80xi32, #tpu.memory_space<vmem>> -> memref<80xi32, #tpu.memory_space<vmem>>
        %dma_start3A_607 = tpu.memref_slice %arg4[%add3A_583] : memref<320000xi32, #tpu.memory_space<hbm>> -> memref<80xi32, #tpu.memory_space<hbm>>
        tpu.enqueue_dma source(%dma_start3A_607 : memref<80xi32, #tpu.memory_space<hbm>>) target(%dma_start3A_606 : memref<80xi32, #tpu.memory_space<vmem>>) target_semaphore(%dma_start3A_603 : memref<!tpu.dma_semaphore, #tpu.memory_space<semaphore_mem>>)
      } else {
      }
      %dma_wait3A_552 = arith.constant 3 : i32
      %dma_wait3A_553 = arith.constant 3 : i32
      %dma_wait3A_554 = arith.constant 0 : i32
      %dma_wait3A_555 = arith.constant 0 : i32
      %dma_wait3A_556 = tpu.memref_slice %arg10[%dma_wait3A_552, %dma_wait3A_554, %dma_wait3A_555] : memref<4x80x128xf32, #tpu.memory_space<vmem>> -> memref<1x80x128xf32, #tpu.memory_space<vmem>>
      %dma_wait3A_557 = tpu.memref_squeeze %dma_wait3A_556 : memref<1x80x128xf32, #tpu.memory_space<vmem>> -> memref<80x128xf32, #tpu.memory_space<vmem>>
      %dma_wait3A_558 = arith.constant 0 : i32
      %dma_wait3A_559 = arith.constant 0 : i32
      %dma_wait3A_560 = tpu.memref_slice %arg11[%dma_wait3A_558, %dma_wait3A_559] : memref<10000x128xf32, #tpu.memory_space<vmem_shared>> -> memref<80x128xf32, #tpu.memory_space<vmem_shared>>
      %dma_wait3A_561 = tpu.memref_slice %arg15[%dma_wait3A_553] : memref<4x!tpu.dma_semaphore, #tpu.memory_space<semaphore_mem>> -> memref<1x!tpu.dma_semaphore, #tpu.memory_space<semaphore_mem>>
      %dma_wait3A_562 = tpu.memref_squeeze %dma_wait3A_561 : memref<1x!tpu.dma_semaphore, #tpu.memory_space<semaphore_mem>> -> memref<!tpu.dma_semaphore, #tpu.memory_space<semaphore_mem>>
      %dma_wait3A_563 = arith.constant 0 : i32
      %dma_wait3A_564 = arith.constant 0 : i32
      %dma_wait3A_565 = tpu.memref_slice %arg11[%dma_wait3A_563, %dma_wait3A_564] : memref<10000x128xf32, #tpu.memory_space<vmem_shared>> -> memref<80x128xf32, #tpu.memory_space<vmem_shared>>
      %dma_wait3A_566 = arith.constant 0 : i32
      %dma_wait3A_567 = arith.constant 0 : i32
      %dma_wait3A_568 = tpu.memref_slice %arg10[%dma_wait3A_552, %dma_wait3A_566, %dma_wait3A_567] : memref<4x80x128xf32, #tpu.memory_space<vmem>> -> memref<1x80x128xf32, #tpu.memory_space<vmem>>
      %dma_wait3A_569 = tpu.memref_squeeze %dma_wait3A_568 : memref<1x80x128xf32, #tpu.memory_space<vmem>> -> memref<80x128xf32, #tpu.memory_space<vmem>>
      tpu.wait_dma2 semaphore(%dma_wait3A_562 : memref<!tpu.dma_semaphore, #tpu.memory_space<semaphore_mem>>) src(%dma_wait3A_569 : memref<80x128xf32, #tpu.memory_space<vmem>>) dst(%dma_wait3A_565 : memref<80x128xf32, #tpu.memory_space<vmem_shared>>)
      %lt3A_570 = arith.constant 30 : i32
      %lt3A_571 = arith.cmpi slt, %add3A_191, %lt3A_570 : i32
      %convert_element_type3A_572 = arith.extui %lt3A_571 : i1 to i32
      %cond3A_573 = arith.constant 0 : i32
      %cond3A_574 = arith.cmpi ne, %convert_element_type3A_572, %cond3A_573 : i32
      scf.if %cond3A_574 {
        %add3A_575 = arith.constant 1 : i32
        %add3A_576 = arith.addi %add3A_191, %add3A_575 : i32
        %mul3A_577 = arith.constant 4 : i32
        %mul3A_578 = arith.muli %add3A_576, %mul3A_577 : i32
        %mul3A_579 = arith.constant 80 : i32
        %mul3A_580 = arith.muli %mul3A_578, %mul3A_579 : i32
        %add3A_581 = arith.addi %mul3A_2, %mul3A_580 : i32
        %add3A_582 = arith.constant 240 : i32
        %add3A_583 = arith.addi %add3A_581, %add3A_582 : i32
        %dma_start3A_584 = arith.constant 3 : i32
        %dma_start3A_585 = arith.constant 3 : i32
        %dma_start3A_586 = arith.constant 0 : i32
        %dma_start3A_587 = tpu.memref_slice %arg6[%dma_start3A_584, %dma_start3A_586] : memref<4x80xi32, #tpu.memory_space<vmem>> -> memref<1x80xi32, #tpu.memory_space<vmem>>
        %dma_start3A_588 = tpu.memref_squeeze %dma_start3A_587 : memref<1x80xi32, #tpu.memory_space<vmem>> -> memref<80xi32, #tpu.memory_space<vmem>>
        %dma_start3A_589 = tpu.memref_slice %arg3[%add3A_583] : memref<320000xi32, #tpu.memory_space<hbm>> -> memref<80xi32, #tpu.memory_space<hbm>>
        %dma_start3A_590 = tpu.memref_slice %arg12[%dma_start3A_585] : memref<4x!tpu.dma_semaphore, #tpu.memory_space<semaphore_mem>> -> memref<1x!tpu.dma_semaphore, #tpu.memory_space<semaphore_mem>>
        %dma_start3A_591 = tpu.memref_squeeze %dma_start3A_590 : memref<1x!tpu.dma_semaphore, #tpu.memory_space<semaphore_mem>> -> memref<!tpu.dma_semaphore, #tpu.memory_space<semaphore_mem>>
        %dma_start3A_592 = arith.constant 0 : i32
        %dma_start3A_593 = tpu.memref_slice %arg6[%dma_start3A_584, %dma_start3A_592] : memref<4x80xi32, #tpu.memory_space<vmem>> -> memref<1x80xi32, #tpu.memory_space<vmem>>
        %dma_start3A_594 = tpu.memref_squeeze %dma_start3A_593 : memref<1x80xi32, #tpu.memory_space<vmem>> -> memref<80xi32, #tpu.memory_space<vmem>>
        %dma_start3A_595 = tpu.memref_slice %arg3[%add3A_583] : memref<320000xi32, #tpu.memory_space<hbm>> -> memref<80xi32, #tpu.memory_space<hbm>>
        tpu.enqueue_dma source(%dma_start3A_595 : memref<80xi32, #tpu.memory_space<hbm>>) target(%dma_start3A_594 : memref<80xi32, #tpu.memory_space<vmem>>) target_semaphore(%dma_start3A_591 : memref<!tpu.dma_semaphore, #tpu.memory_space<semaphore_mem>>)
        %dma_start3A_596 = arith.constant 3 : i32
        %dma_start3A_597 = arith.constant 3 : i32
        %dma_start3A_598 = arith.constant 0 : i32
        %dma_start3A_599 = tpu.memref_slice %arg7[%dma_start3A_596, %dma_start3A_598] : memref<4x80xi32, #tpu.memory_space<vmem>> -> memref<1x80xi32, #tpu.memory_space<vmem>>
        %dma_start3A_600 = tpu.memref_squeeze %dma_start3A_599 : memref<1x80xi32, #tpu.memory_space<vmem>> -> memref<80xi32, #tpu.memory_space<vmem>>
        %dma_start3A_601 = tpu.memref_slice %arg4[%add3A_583] : memref<320000xi32, #tpu.memory_space<hbm>> -> memref<80xi32, #tpu.memory_space<hbm>>
        %dma_start3A_602 = tpu.memref_slice %arg13[%dma_start3A_597] : memref<4x!tpu.dma_semaphore, #tpu.memory_space<semaphore_mem>> -> memref<1x!tpu.dma_semaphore, #tpu.memory_space<semaphore_mem>>
        %dma_start3A_603 = tpu.memref_squeeze %dma_start3A_602 : memref<1x!tpu.dma_semaphore, #tpu.memory_space<semaphore_mem>> -> memref<!tpu.dma_semaphore, #tpu.memory_space<semaphore_mem>>
        %dma_start3A_604 = arith.constant 0 : i32
        %dma_start3A_605 = tpu.memref_slice %arg7[%dma_start3A_596, %dma_start3A_604] : memref<4x80xi32, #tpu.memory_space<vmem>> -> memref<1x80xi32, #tpu.memory_space<vmem>>
        %dma_start3A_606 = tpu.memref_squeeze %dma_start3A_605 : memref<1x80xi32, #tpu.memory_space<vmem>> -> memref<80xi32, #tpu.memory_space<vmem>>
        %dma_start3A_607 = tpu.memref_slice %arg4[%add3A_583] : memref<320000xi32, #tpu.memory_space<hbm>> -> memref<80xi32, #tpu.memory_space<hbm>>
        tpu.enqueue_dma source(%dma_start3A_607 : memref<80xi32, #tpu.memory_space<hbm>>) target(%dma_start3A_606 : memref<80xi32, #tpu.memory_space<vmem>>) target_semaphore(%dma_start3A_603 : memref<!tpu.dma_semaphore, #tpu.memory_space<semaphore_mem>>)
      } else {
      }
    }
    %scan3A_123 = arith.constant 31 : i32
    %add3A_124 = arith.constant 9920 : i32
    %add3A_125 = arith.addi %mul3A_2, %add3A_124 : i32
    %dma_start3A_126 = arith.constant 0 : i32
    %dma_start3A_127 = tpu.memref_slice %arg3[%add3A_125] : memref<320000xi32, #tpu.memory_space<hbm>> -> memref<80xi32, #tpu.memory_space<hbm>>
    %dma_start3A_128 = tpu.memref_slice %arg12[%dma_start3A_126] : memref<4x!tpu.dma_semaphore, #tpu.memory_space<semaphore_mem>> -> memref<1x!tpu.dma_semaphore, #tpu.memory_space<semaphore_mem>>
    %dma_start3A_129 = tpu.memref_squeeze %dma_start3A_128 : memref<1x!tpu.dma_semaphore, #tpu.memory_space<semaphore_mem>> -> memref<!tpu.dma_semaphore, #tpu.memory_space<semaphore_mem>>
    %dma_start3A_130 = tpu.memref_slice %arg3[%add3A_125] : memref<320000xi32, #tpu.memory_space<hbm>> -> memref<80xi32, #tpu.memory_space<hbm>>
    tpu.enqueue_dma source(%dma_start3A_130 : memref<80xi32, #tpu.memory_space<hbm>>) target(%arg8 : memref<80xi32, #tpu.memory_space<vmem>>) target_semaphore(%dma_start3A_129 : memref<!tpu.dma_semaphore, #tpu.memory_space<semaphore_mem>>)
    %dma_start3A_131 = arith.constant 0 : i32
    %dma_start3A_132 = tpu.memref_slice %arg4[%add3A_125] : memref<320000xi32, #tpu.memory_space<hbm>> -> memref<80xi32, #tpu.memory_space<hbm>>
    %dma_start3A_133 = tpu.memref_slice %arg13[%dma_start3A_131] : memref<4x!tpu.dma_semaphore, #tpu.memory_space<semaphore_mem>> -> memref<1x!tpu.dma_semaphore, #tpu.memory_space<semaphore_mem>>
    %dma_start3A_134 = tpu.memref_squeeze %dma_start3A_133 : memref<1x!tpu.dma_semaphore, #tpu.memory_space<semaphore_mem>> -> memref<!tpu.dma_semaphore, #tpu.memory_space<semaphore_mem>>
    %dma_start3A_135 = tpu.memref_slice %arg4[%add3A_125] : memref<320000xi32, #tpu.memory_space<hbm>> -> memref<80xi32, #tpu.memory_space<hbm>>
    tpu.enqueue_dma source(%dma_start3A_135 : memref<80xi32, #tpu.memory_space<hbm>>) target(%arg9 : memref<80xi32, #tpu.memory_space<vmem>>) target_semaphore(%dma_start3A_134 : memref<!tpu.dma_semaphore, #tpu.memory_space<semaphore_mem>>)
    %dma_wait3A = arith.constant 0 : i32
    %dma_wait3A_136 = arith.constant 0 : i32
    %dma_wait3A_137 = tpu.memref_slice %arg3[%dma_wait3A_136] : memref<320000xi32, #tpu.memory_space<hbm>> -> memref<80xi32, #tpu.memory_space<hbm>>
    %dma_wait3A_138 = tpu.memref_slice %arg12[%dma_wait3A] : memref<4x!tpu.dma_semaphore, #tpu.memory_space<semaphore_mem>> -> memref<1x!tpu.dma_semaphore, #tpu.memory_space<semaphore_mem>>
    %dma_wait3A_139 = tpu.memref_squeeze %dma_wait3A_138 : memref<1x!tpu.dma_semaphore, #tpu.memory_space<semaphore_mem>> -> memref<!tpu.dma_semaphore, #tpu.memory_space<semaphore_mem>>
    %dma_wait3A_140 = arith.constant 0 : i32
    %dma_wait3A_141 = tpu.memref_slice %arg3[%dma_wait3A_140] : memref<320000xi32, #tpu.memory_space<hbm>> -> memref<80xi32, #tpu.memory_space<hbm>>
    tpu.wait_dma2 semaphore(%dma_wait3A_139 : memref<!tpu.dma_semaphore, #tpu.memory_space<semaphore_mem>>) src(%dma_wait3A_141 : memref<80xi32, #tpu.memory_space<hbm>>) dst(%arg8 : memref<80xi32, #tpu.memory_space<vmem>>)
    %dma_start3A_142 = arith.constant 0 : i32
    %dma_start3A_143 = arith.constant 0 : i32
    %dma_start3A_144 = arith.constant 0 : i32
    %dma_start3A_145 = arith.constant 0 : i32
    %dma_start3A_146 = tpu.memref_slice %arg10[%dma_start3A_142, %dma_start3A_144, %dma_start3A_145] : memref<4x80x128xf32, #tpu.memory_space<vmem>> -> memref<1x80x128xf32, #tpu.memory_space<vmem>>
    %dma_start3A_147 = tpu.memref_squeeze %dma_start3A_146 : memref<1x80x128xf32, #tpu.memory_space<vmem>> -> memref<80x128xf32, #tpu.memory_space<vmem>>
    %dma_start3A_148 = arith.constant 0 : i32
    %dma_start3A_149 = arith.constant 0 : i32
    %dma_start3A_150 = tpu.memref_slice %dma_start3A_147[%dma_start3A_148, %dma_start3A_149] : memref<80x128xf32, #tpu.memory_space<vmem>> -> memref<80x128xf32, #tpu.memory_space<vmem>>
    %dma_start3A_151 = arith.constant 0 : i32
    %dma_start3A_152 = arith.constant 0 : i32
    %dma_start3A_153 = tpu.memref_slice %arg2[%dma_start3A_151, %dma_start3A_152] : memref<10000x128xf32, #tpu.memory_space<hbm>> -> memref<10000x128xf32, #tpu.memory_space<hbm>>
    %dma_start3A_154 = tpu.memref_slice %arg14[%dma_start3A_143] : memref<4x!tpu.dma_semaphore, #tpu.memory_space<semaphore_mem>> -> memref<1x!tpu.dma_semaphore, #tpu.memory_space<semaphore_mem>>
    %dma_start3A_155 = tpu.memref_squeeze %dma_start3A_154 : memref<1x!tpu.dma_semaphore, #tpu.memory_space<semaphore_mem>> -> memref<!tpu.dma_semaphore, #tpu.memory_space<semaphore_mem>>
    tpu.enqueue_indirect_dma source(%dma_start3A_153 : memref<10000x128xf32, #tpu.memory_space<hbm>>) target(%dma_start3A_150 : memref<80x128xf32, #tpu.memory_space<vmem>>) offsets(%arg8 : memref<80xi32, #tpu.memory_space<vmem>>) semaphore(%dma_start3A_155 : memref<!tpu.dma_semaphore, #tpu.memory_space<semaphore_mem>>)
    %dma_wait3A_156 = arith.constant 0 : i32
    %dma_wait3A_157 = arith.constant 0 : i32
    %dma_wait3A_158 = arith.constant 0 : i32
    %dma_wait3A_159 = arith.constant 0 : i32
    %dma_wait3A_160 = tpu.memref_slice %arg10[%dma_wait3A_156, %dma_wait3A_158, %dma_wait3A_159] : memref<4x80x128xf32, #tpu.memory_space<vmem>> -> memref<1x80x128xf32, #tpu.memory_space<vmem>>
    %dma_wait3A_161 = tpu.memref_squeeze %dma_wait3A_160 : memref<1x80x128xf32, #tpu.memory_space<vmem>> -> memref<80x128xf32, #tpu.memory_space<vmem>>
    %dma_wait3A_162 = arith.constant 0 : i32
    %dma_wait3A_163 = arith.constant 0 : i32
    %dma_wait3A_164 = tpu.memref_slice %dma_wait3A_161[%dma_wait3A_162, %dma_wait3A_163] : memref<80x128xf32, #tpu.memory_space<vmem>> -> memref<80x128xf32, #tpu.memory_space<vmem>>
    %dma_wait3A_165 = arith.constant 0 : i32
    %dma_wait3A_166 = arith.constant 0 : i32
    %dma_wait3A_167 = tpu.memref_slice %arg2[%dma_wait3A_165, %dma_wait3A_166] : memref<10000x128xf32, #tpu.memory_space<hbm>> -> memref<10000x128xf32, #tpu.memory_space<hbm>>
    %dma_wait3A_168 = tpu.memref_slice %arg14[%dma_wait3A_157] : memref<4x!tpu.dma_semaphore, #tpu.memory_space<semaphore_mem>> -> memref<1x!tpu.dma_semaphore, #tpu.memory_space<semaphore_mem>>
    %dma_wait3A_169 = tpu.memref_squeeze %dma_wait3A_168 : memref<1x!tpu.dma_semaphore, #tpu.memory_space<semaphore_mem>> -> memref<!tpu.dma_semaphore, #tpu.memory_space<semaphore_mem>>
    tpu.wait_indirect_dma semaphore(%dma_wait3A_169 : memref<!tpu.dma_semaphore, #tpu.memory_space<semaphore_mem>>) src(%dma_wait3A_167 : memref<10000x128xf32, #tpu.memory_space<hbm>>) dst(%dma_wait3A_164 : memref<80x128xf32, #tpu.memory_space<vmem>>)
    %dma_wait3A_170 = arith.constant 0 : i32
    %dma_wait3A_171 = arith.constant 0 : i32
    %dma_wait3A_172 = tpu.memref_slice %arg3[%dma_wait3A_171] : memref<320000xi32, #tpu.memory_space<hbm>> -> memref<80xi32, #tpu.memory_space<hbm>>
    %dma_wait3A_173 = tpu.memref_slice %arg13[%dma_wait3A_170] : memref<4x!tpu.dma_semaphore, #tpu.memory_space<semaphore_mem>> -> memref<1x!tpu.dma_semaphore, #tpu.memory_space<semaphore_mem>>
    %dma_wait3A_174 = tpu.memref_squeeze %dma_wait3A_173 : memref<1x!tpu.dma_semaphore, #tpu.memory_space<semaphore_mem>> -> memref<!tpu.dma_semaphore, #tpu.memory_space<semaphore_mem>>
    %dma_wait3A_175 = arith.constant 0 : i32
    %dma_wait3A_176 = tpu.memref_slice %arg3[%dma_wait3A_175] : memref<320000xi32, #tpu.memory_space<hbm>> -> memref<80xi32, #tpu.memory_space<hbm>>
    tpu.wait_dma2 semaphore(%dma_wait3A_174 : memref<!tpu.dma_semaphore, #tpu.memory_space<semaphore_mem>>) src(%dma_wait3A_176 : memref<80xi32, #tpu.memory_space<hbm>>) dst(%arg9 : memref<80xi32, #tpu.memory_space<vmem>>)
    %run_scoped3A = arith.constant 0 : i32
    "tpu.region"() ({
      %run_scoped3A_187 = tpu.sem_alloc : memref<!tpu.dma_semaphore, #tpu.memory_space<semaphore_mem>>
      %dma_start3A_188 = arith.constant 0 : i32
      %dma_start3A_189 = arith.constant 0 : i32
      %dma_start3A_190 = tpu.memref_slice %arg10[%run_scoped3A, %dma_start3A_188, %dma_start3A_189] : memref<4x80x128xf32, #tpu.memory_space<vmem>> -> memref<1x80x128xf32, #tpu.memory_space<vmem>>
      %dma_start3A_191 = tpu.memref_squeeze %dma_start3A_190 : memref<1x80x128xf32, #tpu.memory_space<vmem>> -> memref<80x128xf32, #tpu.memory_space<vmem>>
      %dma_start3A_192 = arith.constant 0 : i32
      %dma_start3A_193 = arith.constant 0 : i32
      %dma_start3A_194 = tpu.memref_slice %dma_start3A_191[%dma_start3A_192, %dma_start3A_193] : memref<80x128xf32, #tpu.memory_space<vmem>> -> memref<80x128xf32, #tpu.memory_space<vmem>>
      %dma_start3A_195 = arith.constant 0 : i32
      %dma_start3A_196 = arith.constant 0 : i32
      %dma_start3A_197 = tpu.memref_slice %arg11[%dma_start3A_195, %dma_start3A_196] : memref<10000x128xf32, #tpu.memory_space<vmem_shared>> -> memref<10000x128xf32, #tpu.memory_space<vmem_shared>>
      tpu.enqueue_indirect_dma source(%dma_start3A_194 : memref<80x128xf32, #tpu.memory_space<vmem>>) target(%dma_start3A_197 : memref<10000x128xf32, #tpu.memory_space<vmem_shared>>) offsets(%arg9 : memref<80xi32, #tpu.memory_space<vmem>>) semaphore(%run_scoped3A_187 : memref<!tpu.dma_semaphore, #tpu.memory_space<semaphore_mem>>) {add = true}
      %dma_wait3A_198 = arith.constant 0 : i32
      %dma_wait3A_199 = arith.constant 0 : i32
      %dma_wait3A_200 = tpu.memref_slice %arg10[%run_scoped3A, %dma_wait3A_198, %dma_wait3A_199] : memref<4x80x128xf32, #tpu.memory_space<vmem>> -> memref<1x80x128xf32, #tpu.memory_space<vmem>>
      %dma_wait3A_201 = tpu.memref_squeeze %dma_wait3A_200 : memref<1x80x128xf32, #tpu.memory_space<vmem>> -> memref<80x128xf32, #tpu.memory_space<vmem>>
      %dma_wait3A_202 = arith.constant 0 : i32
      %dma_wait3A_203 = arith.constant 0 : i32
      %dma_wait3A_204 = tpu.memref_slice %dma_wait3A_201[%dma_wait3A_202, %dma_wait3A_203] : memref<80x128xf32, #tpu.memory_space<vmem>> -> memref<80x128xf32, #tpu.memory_space<vmem>>
      %dma_wait3A_205 = arith.constant 0 : i32
      %dma_wait3A_206 = arith.constant 0 : i32
      %dma_wait3A_207 = tpu.memref_slice %arg11[%dma_wait3A_205, %dma_wait3A_206] : memref<10000x128xf32, #tpu.memory_space<vmem_shared>> -> memref<10000x128xf32, #tpu.memory_space<vmem_shared>>
      tpu.wait_indirect_dma semaphore(%run_scoped3A_187 : memref<!tpu.dma_semaphore, #tpu.memory_space<semaphore_mem>>) src(%dma_wait3A_204 : memref<80x128xf32, #tpu.memory_space<vmem>>) dst(%dma_wait3A_207 : memref<10000x128xf32, #tpu.memory_space<vmem_shared>>)
      tpu.yield
    }) : () -> ()
    %barrier3A_177 = arith.constant 0 : index
    tpu.barrier barrier_id(%barrier3A_177)
    %mul3A_178 = arith.constant 624 : i32
    %mul3A_179 = arith.muli %arg1, %mul3A_178 : i32
    %mul3A_180 = arith.constant 624 : i32
    %mul3A_181 = arith.muli %arg1, %mul3A_180 : i32
    "tpu.region"() ({
      %run_scoped3A_187 = tpu.sem_alloc : memref<!tpu.dma_semaphore, #tpu.memory_space<semaphore_mem>>
      %dma_start3A_188 = arith.constant 0 : i32
      %dma_start3A_189 = tpu.memref_slice %arg5[%arg0, %mul3A_181, %dma_start3A_188] : memref<2x10000x128xf32, #tpu.memory_space<hbm>> -> memref<1x624x128xf32, #tpu.memory_space<hbm>>
      %dma_start3A_190 = tpu.memref_squeeze %dma_start3A_189 : memref<1x624x128xf32, #tpu.memory_space<hbm>> -> memref<624x128xf32, #tpu.memory_space<hbm>>
      %dma_start3A_191 = arith.constant 0 : i32
      %dma_start3A_192 = tpu.memref_slice %arg11[%mul3A_179, %dma_start3A_191] : memref<10000x128xf32, #tpu.memory_space<vmem_shared>> -> memref<624x128xf32, #tpu.memory_space<vmem_shared>>
      tpu.enqueue_dma source(%dma_start3A_192 : memref<624x128xf32, #tpu.memory_space<vmem_shared>>) target(%dma_start3A_190 : memref<624x128xf32, #tpu.memory_space<hbm>>) target_semaphore(%run_scoped3A_187 : memref<!tpu.dma_semaphore, #tpu.memory_space<semaphore_mem>>)
      %dma_wait3A_193 = arith.constant 0 : i32
      %dma_wait3A_194 = tpu.memref_slice %arg5[%arg0, %mul3A_181, %dma_wait3A_193] : memref<2x10000x128xf32, #tpu.memory_space<hbm>> -> memref<1x624x128xf32, #tpu.memory_space<hbm>>
      %dma_wait3A_195 = tpu.memref_squeeze %dma_wait3A_194 : memref<1x624x128xf32, #tpu.memory_space<hbm>> -> memref<624x128xf32, #tpu.memory_space<hbm>>
      %dma_wait3A_196 = arith.constant 0 : i32
      %dma_wait3A_197 = tpu.memref_slice %arg11[%mul3A_179, %dma_wait3A_196] : memref<10000x128xf32, #tpu.memory_space<vmem_shared>> -> memref<624x128xf32, #tpu.memory_space<vmem_shared>>
      tpu.wait_dma2 semaphore(%run_scoped3A_187 : memref<!tpu.dma_semaphore, #tpu.memory_space<semaphore_mem>>) src(%dma_wait3A_197 : memref<624x128xf32, #tpu.memory_space<vmem_shared>>) dst(%dma_wait3A_195 : memref<624x128xf32, #tpu.memory_space<hbm>>)
      tpu.yield
    }) : () -> ()
    %eq3A_182 = arith.constant 15 : i32
    %eq3A_183 = arith.cmpi eq, %arg1, %eq3A_182 : i32
    %convert_element_type3A_184 = arith.extui %eq3A_183 : i1 to i32
    %cond3A_185 = arith.constant 0 : i32
    %cond3A_186 = arith.cmpi ne, %convert_element_type3A_184, %cond3A_185 : i32
    scf.if %cond3A_186 {
      "tpu.region"() ({
        %run_scoped3A_187 = tpu.sem_alloc : memref<!tpu.dma_semaphore, #tpu.memory_space<semaphore_mem>>
        %dma_start3A_188 = arith.constant 9984 : i32
        %dma_start3A_189 = arith.constant 0 : i32
        %dma_start3A_190 = tpu.memref_slice %arg5[%arg0, %dma_start3A_188, %dma_start3A_189] : memref<2x10000x128xf32, #tpu.memory_space<hbm>> -> memref<1x16x128xf32, #tpu.memory_space<hbm>>
        %dma_start3A_191 = tpu.memref_squeeze %dma_start3A_190 : memref<1x16x128xf32, #tpu.memory_space<hbm>> -> memref<16x128xf32, #tpu.memory_space<hbm>>
        %dma_start3A_192 = arith.constant 9984 : i32
        %dma_start3A_193 = arith.constant 0 : i32
        %dma_start3A_194 = tpu.memref_slice %arg11[%dma_start3A_192, %dma_start3A_193] : memref<10000x128xf32, #tpu.memory_space<vmem_shared>> -> memref<16x128xf32, #tpu.memory_space<vmem_shared>>
        tpu.enqueue_dma source(%dma_start3A_194 : memref<16x128xf32, #tpu.memory_space<vmem_shared>>) target(%dma_start3A_191 : memref<16x128xf32, #tpu.memory_space<hbm>>) target_semaphore(%run_scoped3A_187 : memref<!tpu.dma_semaphore, #tpu.memory_space<semaphore_mem>>)
        %dma_wait3A_195 = arith.constant 9984 : i32
        %dma_wait3A_196 = arith.constant 0 : i32
        %dma_wait3A_197 = tpu.memref_slice %arg5[%arg0, %dma_wait3A_195, %dma_wait3A_196] : memref<2x10000x128xf32, #tpu.memory_space<hbm>> -> memref<1x16x128xf32, #tpu.memory_space<hbm>>
        %dma_wait3A_198 = tpu.memref_squeeze %dma_wait3A_197 : memref<1x16x128xf32, #tpu.memory_space<hbm>> -> memref<16x128xf32, #tpu.memory_space<hbm>>
        %dma_wait3A_199 = arith.constant 9984 : i32
        %dma_wait3A_200 = arith.constant 0 : i32
        %dma_wait3A_201 = tpu.memref_slice %arg11[%dma_wait3A_199, %dma_wait3A_200] : memref<10000x128xf32, #tpu.memory_space<vmem_shared>> -> memref<16x128xf32, #tpu.memory_space<vmem_shared>>
        tpu.wait_dma2 semaphore(%run_scoped3A_187 : memref<!tpu.dma_semaphore, #tpu.memory_space<semaphore_mem>>) src(%dma_wait3A_201 : memref<16x128xf32, #tpu.memory_space<vmem_shared>>) dst(%dma_wait3A_198 : memref<16x128xf32, #tpu.memory_space<hbm>>)
        tpu.yield
      }) : () -> ()
    } else {
    }
    return
  }
}

module attributes {stable_mosaic.version = 14 : i64} {
  func.func @_prep_body(%arg0: memref<10000x32xf32, #tpu.memory_space<vmem>>, %arg1: memref<10000x128xf32, #tpu.memory_space<vmem>>, %arg2: memref<128x128xf32, #tpu.memory_space<vmem>>, %arg3: memref<10000x1xf32, #tpu.memory_space<vmem>>, %arg4: memref<10000x128xf32, #tpu.memory_space<vmem>>) attributes {dimension_semantics = [], scalar_prefetch = 0 : i64, scratch_operands = 0 : i64, tpu.core_type = #tpu.core_type<tc>} {
    %get3A = arith.constant 0 : index
    %get3A_0 = arith.constant 0 : index
    %get3A_1 = vector.load %arg0[%get3A, %get3A_0] : memref<10000x32xf32, #tpu.memory_space<vmem>>, vector<10000x32xf32>
    %reduce_sum3A = arith.constant dense<0.000000e+00> : vector<10000xf32>
    %reduce_sum3A_2 = vector.multi_reduction <add>, %get3A_1, %reduce_sum3A [1] : vector<10000x32xf32> to vector<10000xf32>
    %broadcast_in_dim3A = vector.shape_cast %reduce_sum3A_2 : vector<10000xf32> to vector<10000x1xf32>
    %add3A = arith.constant 1.000000e+00 : f32
    %add3A_3 = vector.broadcast %add3A : f32 to vector<10000x1xf32>
    %add3A_4 = arith.addf %broadcast_in_dim3A, %add3A_3 : vector<10000x1xf32>
    %rsqrt3A = math.rsqrt %add3A_4 : vector<10000x1xf32>
    %swap3A = arith.constant 0 : index
    %swap3A_5 = arith.constant 0 : index
    %swap3A_6 = vector.load %arg3[%swap3A, %swap3A_5] : memref<10000x1xf32, #tpu.memory_space<vmem>>, vector<10000x1xf32>
    tpu.vector_store %arg3[%swap3A, %swap3A_5], %rsqrt3A {strides = array<i32>} : memref<10000x1xf32, #tpu.memory_space<vmem>>, vector<10000x1xf32>,
    %get3A_7 = arith.constant 0 : index
    %get3A_8 = arith.constant 0 : index
    %get3A_9 = vector.load %arg1[%get3A_7, %get3A_8] : memref<10000x128xf32, #tpu.memory_space<vmem>>, vector<10000x128xf32>
    %get3A_10 = arith.constant 0 : index
    %get3A_11 = arith.constant 0 : index
    %get3A_12 = vector.load %arg2[%get3A_10, %get3A_11] : memref<128x128xf32, #tpu.memory_space<vmem>>, vector<128x128xf32>
    %dot_general3A = arith.constant dense<0.000000e+00> : vector<10000x128xf32>
    %dot_general3A_13 = tpu.matmul %get3A_9, %get3A_12, %dot_general3A {dimension_numbers = #tpu.dot_dimension_numbers<[1], [0], [0], [1], [0, 0, 1, 1], [], []>, transpose_lhs_hint = false} : vector<10000x128xf32>, vector<128x128xf32>, vector<10000x128xf32> -> vector<10000x128xf32>
    %mul3A = vector.broadcast %rsqrt3A : vector<10000x1xf32> to vector<10000x128xf32>
    %mul3A_14 = arith.mulf %dot_general3A_13, %mul3A : vector<10000x128xf32>
    %swap3A_15 = arith.constant 0 : index
    %swap3A_16 = arith.constant 0 : index
    %swap3A_17 = vector.load %arg4[%swap3A_15, %swap3A_16] : memref<10000x128xf32, #tpu.memory_space<vmem>>, vector<10000x128xf32>
    tpu.vector_store %arg4[%swap3A_15, %swap3A_16], %mul3A_14 {strides = array<i32>} : memref<10000x128xf32, #tpu.memory_space<vmem>>, vector<10000x128xf32>,
    return
  }
}

module attributes {stable_mosaic.version = 14 : i64} {
  func.func @_mid_body(%arg0: memref<2x10000x128xf32, #tpu.memory_space<vmem>>, %arg1: memref<10000x128xf32, #tpu.memory_space<vmem>>, %arg2: memref<10000x1xf32, #tpu.memory_space<vmem>>, %arg3: memref<128xf32, #tpu.memory_space<vmem>>, %arg4: memref<128x128xf32, #tpu.memory_space<vmem>>, %arg5: memref<10000x128xf32, #tpu.memory_space<vmem>>) attributes {dimension_semantics = [], scalar_prefetch = 0 : i64, scratch_operands = 0 : i64, tpu.core_type = #tpu.core_type<tc>} {
    %get3A = arith.constant 0 : index
    %get3A_0 = arith.constant 0 : index
    %get3A_1 = vector.load %arg2[%get3A, %get3A_0] : memref<10000x1xf32, #tpu.memory_space<vmem>>, vector<10000x1xf32>
    %get3A_2 = arith.constant 0 : index
    %get3A_3 = arith.constant 0 : index
    %get3A_4 = arith.constant 0 : index
    %get3A_5 = vector.load %arg0[%get3A_2, %get3A_3, %get3A_4] : memref<2x10000x128xf32, #tpu.memory_space<vmem>>, vector<1x10000x128xf32>
    %get3A_6 = vector.shape_cast %get3A_5 : vector<1x10000x128xf32> to vector<10000x128xf32>
    %get3A_7 = arith.constant 1 : index
    %get3A_8 = arith.constant 0 : index
    %get3A_9 = arith.constant 0 : index
    %get3A_10 = vector.load %arg0[%get3A_7, %get3A_8, %get3A_9] : memref<2x10000x128xf32, #tpu.memory_space<vmem>>, vector<1x10000x128xf32>
    %get3A_11 = vector.shape_cast %get3A_10 : vector<1x10000x128xf32> to vector<10000x128xf32>
    %add3A = arith.addf %get3A_6, %get3A_11 : vector<10000x128xf32>
    %get3A_12 = arith.constant 0 : index
    %get3A_13 = arith.constant 0 : index
    %get3A_14 = vector.load %arg1[%get3A_12, %get3A_13] : memref<10000x128xf32, #tpu.memory_space<vmem>>, vector<10000x128xf32>
    %sub3A = arith.subf %add3A, %get3A_14 : vector<10000x128xf32>
    %mul3A = vector.broadcast %get3A_1 : vector<10000x1xf32> to vector<10000x128xf32>
    %mul3A_15 = arith.mulf %sub3A, %mul3A : vector<10000x128xf32>
    %get3A_16 = arith.constant 0 : index
    %get3A_17 = vector.load %arg3[%get3A_16] : memref<128xf32, #tpu.memory_space<vmem>>, vector<128xf32>
    %broadcast_in_dim3A = vector.shape_cast %get3A_17 : vector<128xf32> to vector<1x128xf32>
    %add3A_18 = vector.broadcast %broadcast_in_dim3A : vector<1x128xf32> to vector<10000x128xf32>
    %add3A_19 = arith.addf %mul3A_15, %add3A_18 : vector<10000x128xf32>
    %max3A = arith.constant 0.000000e+00 : f32
    %max3A_20 = vector.broadcast %max3A : f32 to vector<10000x128xf32>
    %max3A_21 = arith.maximumf %add3A_19, %max3A_20 : vector<10000x128xf32>
    %get3A_22 = arith.constant 0 : index
    %get3A_23 = arith.constant 0 : index
    %get3A_24 = vector.load %arg4[%get3A_22, %get3A_23] : memref<128x128xf32, #tpu.memory_space<vmem>>, vector<128x128xf32>
    %dot_general3A = arith.constant dense<0.000000e+00> : vector<10000x128xf32>
    %dot_general3A_25 = tpu.matmul %max3A_21, %get3A_24, %dot_general3A {dimension_numbers = #tpu.dot_dimension_numbers<[1], [0], [0], [1], [0, 0, 1, 1], [], []>, transpose_lhs_hint = false} : vector<10000x128xf32>, vector<128x128xf32>, vector<10000x128xf32> -> vector<10000x128xf32>
    %mul3A_26 = vector.broadcast %get3A_1 : vector<10000x1xf32> to vector<10000x128xf32>
    %mul3A_27 = arith.mulf %dot_general3A_25, %mul3A_26 : vector<10000x128xf32>
    %swap3A = arith.constant 0 : index
    %swap3A_28 = arith.constant 0 : index
    %swap3A_29 = vector.load %arg5[%swap3A, %swap3A_28] : memref<10000x128xf32, #tpu.memory_space<vmem>>, vector<10000x128xf32>
    tpu.vector_store %arg5[%swap3A, %swap3A_28], %mul3A_27 {strides = array<i32>} : memref<10000x128xf32, #tpu.memory_space<vmem>>, vector<10000x128xf32>,
    return
  }
}

module attributes {stable_mosaic.version = 14 : i64} {
  func.func @_final_body(%arg0: memref<2x10000x128xf32, #tpu.memory_space<vmem>>, %arg1: memref<10000x128xf32, #tpu.memory_space<vmem>>, %arg2: memref<10000x1xf32, #tpu.memory_space<vmem>>, %arg3: memref<128xf32, #tpu.memory_space<vmem>>, %arg4: memref<10000x128xf32, #tpu.memory_space<vmem>>) attributes {dimension_semantics = [], scalar_prefetch = 0 : i64, scratch_operands = 0 : i64, tpu.core_type = #tpu.core_type<tc>} {
    %get3A = arith.constant 0 : index
    %get3A_0 = arith.constant 0 : index
    %get3A_1 = arith.constant 0 : index
    %get3A_2 = vector.load %arg0[%get3A, %get3A_0, %get3A_1] : memref<2x10000x128xf32, #tpu.memory_space<vmem>>, vector<1x10000x128xf32>
    %get3A_3 = vector.shape_cast %get3A_2 : vector<1x10000x128xf32> to vector<10000x128xf32>
    %get3A_4 = arith.constant 1 : index
    %get3A_5 = arith.constant 0 : index
    %get3A_6 = arith.constant 0 : index
    %get3A_7 = vector.load %arg0[%get3A_4, %get3A_5, %get3A_6] : memref<2x10000x128xf32, #tpu.memory_space<vmem>>, vector<1x10000x128xf32>
    %get3A_8 = vector.shape_cast %get3A_7 : vector<1x10000x128xf32> to vector<10000x128xf32>
    %add3A = arith.addf %get3A_3, %get3A_8 : vector<10000x128xf32>
    %get3A_9 = arith.constant 0 : index
    %get3A_10 = arith.constant 0 : index
    %get3A_11 = vector.load %arg1[%get3A_9, %get3A_10] : memref<10000x128xf32, #tpu.memory_space<vmem>>, vector<10000x128xf32>
    %sub3A = arith.subf %add3A, %get3A_11 : vector<10000x128xf32>
    %get3A_12 = arith.constant 0 : index
    %get3A_13 = arith.constant 0 : index
    %get3A_14 = vector.load %arg2[%get3A_12, %get3A_13] : memref<10000x1xf32, #tpu.memory_space<vmem>>, vector<10000x1xf32>
    %mul3A = vector.broadcast %get3A_14 : vector<10000x1xf32> to vector<10000x128xf32>
    %mul3A_15 = arith.mulf %sub3A, %mul3A : vector<10000x128xf32>
    %get3A_16 = arith.constant 0 : index
    %get3A_17 = vector.load %arg3[%get3A_16] : memref<128xf32, #tpu.memory_space<vmem>>, vector<128xf32>
    %broadcast_in_dim3A = vector.shape_cast %get3A_17 : vector<128xf32> to vector<1x128xf32>
    %add3A_18 = vector.broadcast %broadcast_in_dim3A : vector<1x128xf32> to vector<10000x128xf32>
    %add3A_19 = arith.addf %mul3A_15, %add3A_18 : vector<10000x128xf32>
    %swap3A = arith.constant 0 : index
    %swap3A_20 = arith.constant 0 : index
    %swap3A_21 = vector.load %arg4[%swap3A, %swap3A_20] : memref<10000x128xf32, #tpu.memory_space<vmem>>, vector<10000x128xf32>
    tpu.vector_store %arg4[%swap3A, %swap3A_20], %add3A_19 {strides = array<i32>} : memref<10000x128xf32, #tpu.memory_space<vmem>>, vector<10000x128xf32>,
    return
  }
}

</mosaic_0001>

<sc_bundles>
// kernel: kernel.11.cloned.1.call-start
scs
__scs_entry_jumppad:
0x0: {  	(pc) =	sbr.rel $0x88, $3  }
0x1: {  	(tag) =	ssettag $0x0;
	lr =	simm.s32 $0x1  }
0x2: {  	[smem:$0x3F9B] =	sst lr;
	_ =	strace $0xD0000000  }
0x3: {  	_ = 	snop  }
0x4: {  	_ = 	snop  }
0x5: {  	_ = 	snop  }
0x6: {  	_ = 	snop  }
0x7: {  	_ = 	snop  }
__scs_overlays_trampoline_lowered:
0x8: {  	[smem:$0x3FAA] =	sst s0  }
0x9: {  	[smem:$0x3FAB] =	sst s1  }
0xa: {  	[smem:$0x3FAC] =	sst s2  }
0xb: {  	[smem:$0x3FAD] =	sst s3  }
0xc: {  	[smem:$0x3FAE] =	sst s4  }
0xd: {  	[smem:$0x3FAF] =	sst s5  }
0xe: {  	[smem:$0x3FB0] =	sst s6  }
0xf: {  	[smem:$0x3FB1] =	sst s7  }
0x10: {  	[smem:$0x3FB2] =	sst s8  }
0x11: {  	[smem:$0x3FB3] =	sst s9;
	s0 =	simm.s32 @!p0 $0x0  }
0x12: {  	s1 =	sld [smem:$0x3F99];
	s0 =	simm.s32 @p0 $0x1  }
0x13: {  	[smem:$0x3FB4] =	sst s0;
	s0 =	simm.s32 @!p1 $0x0  }
0x14: {  	s2 =	sld [smem:$0x3F98];
	s0 =	simm.s32 @p1 $0x1  }
0x15: {  	[smem:$0x3FB5] =	sst s0;
	s0 =	simm.s32 @!p2 $0x0  }
0x16: {  	s3 =	sld [smem:$0x3FDB];
	s0 =	simm.s32 @p2 $0x1  }
0x17: {  	s4 =	simm.s32 $0x1BF5;
	[smem:$0x3FB7] =	sst s0  }
0x18: {  	s0 =	sld [smem:$0x3F9A];
	_ =	swait.ge [sflag:s4], $0x0  }
0x19: {  	s7 =	sld [smem:$0x3F9B]  }
0x1a: {  	s8 =	sadd.s32 $0xFFFFE003, lr  }
0x1b: {  	s9 =	sadd.s32 $0xFFFFFEF7, lr;
	s5 =	simm.s32 $0xFFFFFFFF;
	p2 =	slt.u32 s8, $0xFFFFF086  }
0x1c: {  	p1 =	slt.u32 s9, $0xF7A;
	s5 =	simm.s32 @!p2 $0x0  }
0x1d: {  	s5 =	simm.s32 @p1 $0x1;
	p0 =	seq.s32 s7, s2  }
0x1e: {  	s7 =	smul.u32 @!p0 $0xF7A, s2;
	p2 =	seq.s32 @!p0 s5, $0x0  }
0x1f: {  	s9 =	smul.u32 $0xF7A, s1;
	s8 =	simm.s32 @!p0 $0x1BF5;
	p2 =	por !p2, p0  }
0x20: {  	[sflag:s8] =	ssyncset.s32 @!p0 $0xFFFFF086;
	s6 =	sadd.s32 @!p0 s3, s7;
	s7 =	simm.s32 @!p0 $0x108  }
0x21: {  	s3 =	sadd.s32 s3, s9;
	s6 =	sadd.s32 @!p0 $0x88, s6;
	s7 =	simm.s32 @p2 $0x1082  }
0x22: {  	[simem:s7], [sflag:s8] =	dma.local @!p0 [hbm:s6], $0xF7A  }
0x23: {  	s9 =	sor.u32 $0xD0000000, s2;
	s6 =	simm.s32 $0x108;
	_ =	swait.ge @!p0 [sflag:s8], $0x0  }
0x24: {  	s3 =	sadd.s32 $0x88, s3;
	s6 =	simm.s32 @!p1 $0x1082;
	[sflag:s4] =	ssyncset.s32 $0xFFFFF086  }
0x25: {  	[simem:s6], [sflag:s4] =	dma.local [hbm:s3], $0xF7A  }
0x26: {  	[smem:$0x3F9B] =	sst s1;
	(tag) =	ssettag s2;
	_ =	strace s9  }
0x27: {  	s1 =	sld [smem:$0x3FAB]  }
0x28: {  	s2 =	sld [smem:$0x3FAC]  }
0x29: {  	s4 =	sld [smem:$0x3FAE]  }
0x2a: {  	p0 =	seq.s32 s5, $0x0;
	s5 =	sld [smem:$0x3FAF]  }
0x2b: {  	s6 =	sld [smem:$0x3FB0]  }
0x2c: {  	s7 =	sld [smem:$0x3FB1]  }
0x2d: {  	s3 =	simm.s32 $0x108;
	s8 =	sld [smem:$0x3FB2]  }
0x2e: {  	s3 =	simm.s32 @!p0 $0x1082;
	s9 =	sld [smem:$0x3FB3]  }
0x2f: {  	lr =	sadd.s32 s0, s3;
	s0 =	sld [smem:$0x3FAA]  }
0x30: {  	s3 =	sld [smem:$0x3FAD]  }
0x31: {  	[smem:$0x3FB6] =	sst s10  }
0x32: {  	s10 =	sld [smem:$0x3FB4];
	_ =	sdelay $0x3  }
0x33: {  	p0 =	seq.s32 s10, $0x1;
	s10 =	sld [smem:$0x3FB6];
	_ =	sdelay $0x3  }
0x34: {  	[smem:$0x3FB6] =	sst s10  }
0x35: {  	s10 =	sld [smem:$0x3FB5];
	_ =	sdelay $0x3  }
0x36: {  	p1 =	seq.s32 s10, $0x1;
	s10 =	sld [smem:$0x3FB6];
	_ =	sdelay $0x3  }
0x37: {  	[smem:$0x3FB6] =	sst s10  }
0x38: {  	s10 =	sld [smem:$0x3FB7]  }
0x39: {  	_ = 	snop;
	(pc) =	sbr.ind lr, $3  }
0x3a: {  	_ = 	snop  }
0x3b: {  	_ = 	snop  }
0x3c: {  	p2 =	seq.s32 s10, $0x1;
	s10 =	sld [smem:$0x3FB6]  }
0x3d: {  	_ =	shalt  }
0x3e: {  	_ =	shalt  }
0x3f: {  	_ =	shalt  }
0x40: {  	_ =	shalt  }
0x41: {  	_ =	shalt  }
0x42: {  	_ =	shalt  }
0x43: {  	_ =	shalt  }
0x44: {  	_ =	shalt  }
0x45: {  	_ =	shalt  }
0x46: {  	_ =	shalt  }
0x47: {  	_ =	shalt  }
0x48: {  	_ =	shalt  }
0x49: {  	_ =	shalt  }
0x4a: {  	_ =	shalt  }
0x4b: {  	_ =	shalt  }
0x4c: {  	_ =	shalt  }
0x4d: {  	_ =	shalt  }
0x4e: {  	_ =	shalt  }
0x4f: {  	_ =	shalt  }
0x50: {  	_ =	shalt  }
0x51: {  	_ =	shalt  }
0x52: {  	_ =	shalt  }
0x53: {  	_ =	shalt  }
0x54: {  	_ =	shalt  }
0x55: {  	_ =	shalt  }
0x56: {  	_ =	shalt  }
0x57: {  	_ =	shalt  }
0x58: {  	_ =	shalt  }
0x59: {  	_ =	shalt  }
0x5a: {  	_ =	shalt  }
0x5b: {  	_ =	shalt  }
0x5c: {  	_ =	shalt  }
0x5d: {  	_ =	shalt  }
0x5e: {  	_ =	shalt  }
0x5f: {  	_ =	shalt  }
0x60: {  	_ =	shalt  }
0x61: {  	_ =	shalt  }
0x62: {  	_ =	shalt  }
0x63: {  	_ =	shalt  }
0x64: {  	_ =	shalt  }
0x65: {  	_ =	shalt  }
0x66: {  	_ =	shalt  }
0x67: {  	_ =	shalt  }
0x68: {  	_ =	shalt  }
0x69: {  	_ =	shalt  }
0x6a: {  	_ =	shalt  }
0x6b: {  	_ =	shalt  }
0x6c: {  	_ =	shalt  }
0x6d: {  	_ =	shalt  }
0x6e: {  	_ =	shalt  }
0x6f: {  	_ =	shalt  }
0x70: {  	_ =	shalt  }
0x71: {  	_ =	shalt  }
0x72: {  	_ =	shalt  }
0x73: {  	_ =	shalt  }
0x74: {  	_ =	shalt  }
0x75: {  	_ =	shalt  }
0x76: {  	_ =	shalt  }
0x77: {  	_ =	shalt  }
0x78: {  	_ =	shalt  }
0x79: {  	_ =	shalt  }
0x7a: {  	_ =	shalt  }
0x7b: {  	_ =	shalt  }
0x7c: {  	_ =	shalt  }
0x7d: {  	_ =	shalt  }
0x7e: {  	_ =	shalt  }
0x7f: {  	_ =	shalt  }
0x80: {  	_ =	shalt  }
0x81: {  	_ =	shalt  }
0x82: {  	_ =	shalt  }
0x83: {  	_ =	shalt  }
0x84: {  	_ =	shalt  }
0x85: {  	_ =	shalt  }
0x86: {  	_ =	shalt  }
0x87: {  	_ =	shalt  }
.Lfunc_end0:
.L_simem_size_0:
called_computation.1_lowered:
.L_overlay_start_0:
0x88: {  	s2 =	sld [smem:$0x3FD9]  }
0x89: {  	s3 =	sld [smem:$0x3FFE];
	_ =	sdelay $0x1  }
0x8a: {  	s1 =	srdreg.scid  }
0x8b: {  	s0 =	sand.u32 $0x1, s1  }
0x8c: {  	s17 =	sshll.u32 s0, $0xA;
	s2 =	sadd.s32 s3, s2  }
0x8d: {  	s2 =	sadd.s32 s2, s17  }
0x8e: {  	[smem:$0x3FC2] =	sst s2  }
0x8f: {  	_ = 	snop  }
0x90: {  	s2 =	sld [smem:$0x3FD0];
	(tm) =	ssettm $0x1  }
0x91: {  	s18 =	sld [smem:$0x3FFB];
	_ =	sdelay $0x3  }
0x92: {  	_ =	strace s18  }
0x93: {  	s3 =	sld [smem:$0x3FFC];
	_ =	sdelay $0x3  }
0x94: {  	_ =	strace s3  }
0x95: {  	s3 =	sld [smem:$0x3FFD];
	_ =	sdelay $0x3  }
0x96: {  	_ =	strace s3  }
0x97: {  	_ =	strace $0x8FFFFFFF  }
0x98: {  	s19 =	sld [smem:$0x3FDB];
	_ =	sdelay $0x1  }
0x99: {  	s4 =	simm.s32 $_scs_section_size  }
0x9a: {  	s5 =	simm.s32 $_size__tile_overlayer_lowered;
	s6 =	simm.s32 $_tile_overlayer_lowered  }
0x9b: {  	s22 =	simm.s32 $0x1BFF;
	s21 =	sshll.u32 s6, $0x1;
	s3 =	sadd.s32 s4, s19  }
0x9c: {  	s7 =	simm.s32 $0x0;
	s20 =	sshll.u32 s5, $0x1;
	s5 =	sadd.s32 s21, s3  }
0x9d: {  	[timem:s7], [sflag:s22] =	dma.local [hbm:s5], s20  }
0x9e: {  	_ =	swait.ge [sflag:s22], s20  }
0x9f: {  	s4 =	ssub.s32 $0x0, s20;
	[sflag:s22] =	ssyncset.done $0x0  }
0xa0: {  	[sflag:s22] =	ssyncadd.s32 s4;
	_ =	sdelay $0x1  }
0xa1: {  	s23 =	simm.s32 $0x1B8B  }
0xa2: {  	_ =	swait.ge [sflag:s23], $0x1  }
0xa3: {  	[sflag:s23] =	ssyncset.done $0x0  }
0xa4: {  	s25 =	simm.s32 $0x1B8E;
	s24 =	sld [smem:$0x3FFE];
	[sflag:s23] =	ssyncadd.s32 $0xFFFFFFFF  }
0xa5: {  	s26 =	simm.s32 $execute0_lowered;
	[smem:$0x3FD2] =	sst s25  }
0xa6: {  	s5 =	sshll.u32 s26, $0x1;
	_ =	strace $0x80000049;
	[dreg:$0x1] =	wrdreg $0xFFFFFFFF  }
0xa7: {  	s28 =	simm.s32 $_size_execute0_lowered;
	s3 =	sadd.s32 s3, s5;
	[dreg:$0x0] =	wrdreg $0x0  }
0xa8: {  	s5 =	sshll.u32 s28, $0x1;
	[dreg:$0x2] =	wrdreg s3  }
0xa9: {  	[dreg:$0x3] =	wrdreg s5  }
0xaa: {  	[dreg:$0x4] =	wrdreg $0xC0  }
0xab: {  	_ =	task [dreg:s7], $0x5FFFF  }
0xac: {  	[dreg:$0x1] =	wrdreg $0xFFFFFFFF  }
0xad: {  	[dreg:$0x0] =	wrdreg $0x60  }
0xae: {  	[dreg:$0x2] =	wrdreg s2  }
0xaf: {  	[dreg:$0x3] =	wrdreg s24  }
0xb0: {  	[dreg:$0x4] =	wrdreg $0xA5000  }
0xb1: {  	[dreg:$0x5] =	wrdreg $0x9  }
0xb2: {  	_ =	task.clear_ibuf [dreg:s7], $0x6FFFF;
	_ =	strace $0x90000049  }
0xb3: {  	s29 =	simm.s32 $0x9;
	_ =	strace $0x8000004B  }
0xb4: {  	_ =	swait.ge [sflag:s29], $0x1  }
0xb5: {  	[sflag:s29] =	ssyncadd.s32 $0xFFFFFFFF  }
0xb6: {  	_ =	strace $0x9000004B  }
0xb7: {  	_ =	sfence  }
0xb8: {  	s30 =	sld [smem:$0x0];
	_ =	sdelay $0x2  }
0xb9: {  	s31 =	sshll.u32 s1, $0xD;
	s1 =	sshrl.u32 s1, $0x2  }
0xba: {  	s3 =	sand.u32 $0x4000, s31;
	s1 =	sadd.s32 s1, s30  }
0xbb: {  	s0 =	sor.u32 s3, s0;
	s1 =	sshll.u32 s1, $0x11  }
0xbc: {  	s0 =	sor.u32 s1, s0  }
0xbd: {  	s0 =	sadd.s32 $0x8F2B, s0  }
0xbe: {  	[sflag:s0] =	ssyncadd.remote.s32 $0x1  }
0xbf: {  	_ =	sfence.sel $0xFFFF  }
0xc0: {  	[dreg:$0x0] =	wrdreg $0xFFFFFFFF;
	(pc) =	sbr.abs _section_cstart, $3  }
0xc1: {  	[dreg:$0x1] =	wrdreg $0xFFFFFFFF  }
0xc2: {  	_ =	task.clear_ibuf [dreg:s7], $0x2FFFF;
	_ =	strace $0x9FFFFFFF  }
0xc3: {  	(tm) =	ssettm $0x7FFFFFFF  }
tec
execute0_lowered:
.L_overlay_start_1:
0x0: {  	(tag) =	ssettag $0x1  }
0x1: {  	s1 =	rddreg [dreg:$0x0]  }
0x2: {  	s0 =	rddreg [dreg:$0x1]  }
0x3: {  	s2 =	rddreg [dreg:$0x2];
	s4 =	simm.s32 $0x0;
	s3 =	srdreg.scid  }
0x4: {  	s11 =	stileid.u32;
	s30 =	simm.s32 $0x9;
	s28 =	simm.s32 $0xF  }
0x5: {  	s29 =	simm.s32 $0x10;
	[smem:$0x7FF] =	sst s4;
	s3 =	sand.u32 $0x1, s3  }
0x6: {  	s5 =	sshll.u32 s11, $0x1;
	s12 =	sadd.s32 $0x2600, s0;
	s6 =	smul.u32 $0x4E000, s11  }
0x7: {  	s13 =	sadd.s32 $0xC400, s0;
	s9 =	smul.u32 $0x13800, s11;
	s0 =	sadd.s32 $0x16200, s0  }
0x8: {  	s16 =	sshll.u32 s11, $0x6;
	s26 =	smul.u32 $0x4E20, s11;
	p0 =	sne.s32 s11, $0xF  }
0x9: {  	s11 =	simm.s32 $0x0;
	_ =	strace $0x8000004A;
	s5 =	sor.u32 s3, s5  }
0xa: {  	s7 =	ssub.s32 $0x2, s3;
	s24 =	smul.u32 $0x138800, s3;
	[dreg:$0x5] =	wrdreg s13  }
0xb: {  	s14 =	sor.u32 $0x1C11, s16;
	s3 =	smul.u32 $0x2710, s3;
	[dreg:$0x4] =	wrdreg s12  }
0xc: {  	s5 =	smul.u32 $0x2710, s5;
	s8 =	sshrl.u32 s7, $0x1;
	s6 =	sshrl.u32 s6, $0x2  }
0xd: {  	s15 =	sshrl.u32 s9, $0x3;
	s7 =	ssub.s32 s7, s8;
	s6 =	sadd.s32 s6, s2  }
0xe: {  	s3 =	sadd.s32 s3, s26;
	s26 =	sadd.s32 $0x138000, s2;
	[dreg:$0x6] =	wrdreg s6  }
0xf: {  	s9 =	sadd.s32 s9, s24;
	s8 =	smov.u32 s14;
	[dreg:$0x1d] =	wrdreg s26  }
0x10: {  	s5 =	sshrl.u32 s5, $0x3;
	s6 =	sadd.s32 s1, s15;
	[dreg:$0x8] =	wrdreg s8  }
0x11: {  	s14 =	simm.s32 $0x100;
	[dreg:$0x7] =	wrdreg s6;
	s17 =	sadd.s32 s12, s5  }
0x12: {  	s18 =	sadd.s32 s13, s5;
	s19 =	sadd.s32 $0xA, s5;
	[dreg:$0x9] =	wrdreg s17  }
0x13: {  	s15 =	sshrl.u32 s24, $0x3;
	[dreg:$0xa] =	wrdreg s18;
	s10 =	sadd.s32 s12, s19  }
0x14: {  	s20 =	sadd.s32 $0x14, s5;
	s6 =	sadd.s32 s13, s19;
	[dreg:$0xb] =	wrdreg s10  }
0x15: {  	s26 =	simm.s32 $0xE;
	s21 =	sadd.s32 s12, s20;
	[dreg:$0xc] =	wrdreg s6  }
0x16: {  	s23 =	sadd.s32 $0x1E, s5;
	s22 =	sadd.s32 s13, s20;
	[dreg:$0xd] =	wrdreg s21  }
0x17: {  	s5 =	sadd.s32 $0x4D8, s5;
	s25 =	sadd.s32 s12, s23;
	[dreg:$0xe] =	wrdreg s22  }
0x18: {  	s31 =	sadd.s32 s12, s5;
	s5 =	sadd.s32 s13, s5;
	[dreg:$0xf] =	wrdreg s25  }
0x19: {  	s17 =	sadd.s32 $0x1E0, s3;
	s18 =	smax.u32 s7, $0x1;
	[dreg:$0x11] =	wrdreg s31  }
0x1a: {  	s19 =	sadd.s32 $0x230, s3;
	s6 =	sadd.s32 s13, s23;
	[dreg:$0x12] =	wrdreg s5  }
0x1b: {  	s5 =	sshrl.u32 s9, $0x3;
	[dreg:$0x15] =	wrdreg s18;
	s21 =	sadd.s32 $0x190, s3  }
0x1c: {  	s25 =	sadd.s32 $0x140, s3;
	s31 =	sadd.s32 $0x27000, s1;
	s10 =	simm.s32 $0x200  }
0x1d: {  	s18 =	simm.s32 $0x2;
	s9 =	simm.s32 $0xA;
	s3 =	simm.s32 $0x6  }
0x1e: {  	[dreg:$0x10] =	wrdreg s6;
	s6 =	sadd.s32 s0, s15;
	s0 =	sadd.s32 s0, s5  }
0x1f: {  	s5 =	sshrl.u32 s19, $0x3;
	s22 =	sshrl.u32 s21, $0x3;
	[dreg:$0x1c] =	wrdreg s25  }
0x20: {  	[dreg:$0x1e] =	wrdreg s31;
	s19 =	simm.s32 $0x300;
	s21 =	simm.s32 $0x180  }
0x21: {  	s15 =	simm.s32 $0x1;
	s25 =	simm.s32 $0xD;
	[dreg:$0x13] =	wrdreg s0  }
0x22: {  	s16 =	sadd.s32 $0x27000, s6;
	s0 =	sshrl.u32 s17, $0x3;
	s23 =	sadd.s32 s5, s13  }
0x23: {  	s5 =	sadd.s32 s5, s12;
	s24 =	sadd.s32 s22, s13;
	[dreg:$0x14] =	wrdreg s16  }
0x24: {  	s17 =	simm.s32 $0x380;
	s6 =	simm.s32 $0x7;
	[dreg:$0x18] =	wrdreg s23  }
0x25: {  	s20 =	sadd.s32 s0, s13;
	s0 =	sadd.s32 s0, s12;
	[dreg:$0x19] =	wrdreg s5  }
.Ltmp0:
0x26: {  	[dreg:$0x1a] =	wrdreg s24;
	s13 =	simm.s32 $0x280;
	(pc) =	sbr.rel .LBB2_1-.Ltmp0, $4  }
0x27: {  	s16 =	simm.s32 $0x50;
	s5 =	simm.s32 $0xB;
	[dreg:$0x16] =	wrdreg s20  }
0x28: {  	s23 =	simm.s32 $0xC;
	s24 =	simm.s32 $0x8;
	[dreg:$0x17] =	wrdreg s0  }
0x29: {  	s0 =	sadd.s32 s22, s12;
	s12 =	simm.s32 $0x80;
	s20 =	simm.s32 $0x3  }
0x2a: {  	s22 =	simm.s32 $0x4;
	[dreg:$0x1b] =	wrdreg s0;
	s0 =	simm.s32 $0x5  }
.LBB2_4:
0x2b: {  	_ =	swait.ge [sflag:s26], $0x2800  }
0x2c: {  	[sflag:s26] =	ssyncset.done $0x0  }
0x2d: {  	[sflag:s26] =	ssyncadd.s32 $0xFFFFD800  }
0x2e: {  	_ =	swait.ge [sflag:s28], $0x2800  }
0x2f: {  	[sflag:s28] =	ssyncset.done $0x0  }
0x30: {  	[sflag:s28] =	ssyncadd.s32 $0xFFFFD800  }
0x31: {  	_ =	swait.ge [sflag:s29], $0x2800  }
0x32: {  	[sflag:s29] =	ssyncset.done $0x0  }
0x33: {  	s8 =	simm.s32 $0x400;
	s7 =	rddreg [dreg:$0x11];
	[sflag:s29] =	ssyncadd.s32 $0xFFFFD800  }
0x34: {  	[tilespmem:s8], [sflag:$0x1] =	stream.linear.gather [hbm4b:s7+s4], $0x50, $0x38;
	[tilespmem:$0x1DD80] =	vst v63  }
0x35: {  	s10 =	simm.s32 $0x480;
	s13 =	rddreg [dreg:$0x12]  }
0x36: {  	[tilespmem:s10], [sflag:$0x5] =	stream.linear.gather [hbm4b:s13+s4], $0x50, $0x38;
	[tilespmem:$0x1DD80] =	vst v63  }
0x37: {  	_ =	swait.ge [sflag:s15], $0x50  }
0x38: {  	[sflag:s15] =	ssyncset.done $0x0  }
0x39: {  	s14 =	simm.s32 $0x500;
	[sflag:s15] =	ssyncadd.s32 $0xFFFFFFB0  }
0x3a: {  	[tilespmem:s14], [sflag:$0x9] =	stream.indirect.gather [hbm4b:s1+s16], $0x80, s8, s16, $0xb8;
	[tilespmem:$0x1DD80] =	vst v63  }
0x3b: {  	_ =	swait.ge [sflag:s30], $0x2800  }
0x3c: {  	[sflag:s30] =	ssyncset.done $0x0  }
0x3d: {  	[sflag:s30] =	ssyncadd.s32 $0xFFFFD800  }
0x3e: {  	_ =	swait.ge [sflag:s0], $0x50  }
0x3f: {  	[sflag:s0] =	ssyncset.done $0x0  }
0x40: {  	s17 =	simm.s32 $0x11;
	[sflag:s0] =	ssyncadd.s32 $0xFFFFFFB0  }
0x41: {  	[spmem:s2] =	stream.indirect.scatter.add.f32 [tilespmem:s14], [sflag:$0x11], $0x80, s10, s16, $0xb8;
	[tilespmem:$0x1DD80] =	vst v63  }
0x42: {  	_ =	swait.ge [sflag:s17], $0x2800  }
0x43: {  	[sflag:s17] =	ssyncset.done $0x0  }
0x44: {  	[sflag:s17] =	ssyncadd.s32 $0xFFFFD800  }
0x45: {  	[bflag:$0x0] =	sbarrier.arrive $0xFFFF  }
0x46: {  	s11 =	sld [smem:$0x7FC]  }
0x47: {  	s8 =	rddreg [dreg:$0x8]  }
0x48: {  	s19 =	rddreg [dreg:$0x13]  }
0x49: {  	[hbm:s19], [sflag:s8] =	dma.local [spmem:s11], $0x2700  }
0x4a: {  	_ =	swait.ge [sflag:s17], $0x2700  }
0x4b: {  	s10 =	sld [smem:$0x7FD]  }
0x4c: {  	[sflag:s17] =	ssyncset.done $0x0  }
0x4d: {  	s7 =	rddreg [dreg:$0x14];
	[sflag:s17] =	ssyncadd.s32 $0xFFFFD900  }
0x4e: {  	[hbm:s7], [sflag:s8] =	dma.local @!p0 [spmem:s10], $0x100  }
0x4f: {  	s7 =	simm.s32 @!p0 $0x11  }
0x50: {  	_ =	swait.ge @!p0 [sflag:s7], $0x100  }
0x51: {  	s21 =	rddreg [dreg:$0x1f]  }
0x52: {  	s31 =	rddreg [dreg:$0x15];
	s11 =	sadd.s32 $0x1, s21  }
0x53: {  	p1 =	sne.s32 s11, s31  }
.Ltmp1:
0x54: {  	_ = 	snop;
	(pc) =	sbr.rel @!p1 .LBB2_5-.Ltmp1, $4  }
0x55: {  	_ = 	snop  }
0x56: {  	s12 =	simm.s32 $0x80;
	s13 =	simm.s32 $0x280;
	s14 =	simm.s32 $0x100  }
0x57: {  	s19 =	simm.s32 $0x300;
	s17 =	simm.s32 $0x380;
	[sflag:s7] =	ssyncset.done @!p0 $0x0  }
0x58: {  	s10 =	simm.s32 $0x200;
	[sflag:s7] =	ssyncadd.s32 @!p0 $0xFFFFFF00;
	s21 =	simm.s32 $0x180  }
.LBB2_1:
0x59: {  	[dreg:$0x1f] =	wrdreg s11  }
0x5a: {  	s7 =	rddreg [dreg:$0x6]  }
0x5b: {  	s31 =	rddreg [dreg:$0x7];
	s7 =	sshrl.u32 s7, $0x3  }
0x5c: {  	[smem:$0x7FC] =	sst s7  }
0x5d: {  	[spmem:s7], [sflag:s8] =	dma.local [hbm:s31], $0x2700  }
0x5e: {  	s31 =	simm.s32 $0x11  }
0x5f: {  	_ =	swait.ge [sflag:s31], $0x2700  }
0x60: {  	s7 =	rddreg [dreg:$0x1d]  }
0x61: {  	[sflag:s31] =	ssyncset.done $0x0;
	s11 =	sshrl.u32 @!p0 s7, $0x3;
	s7 =	rddreg [dreg:$0x1e]  }
0x62: {  	[sflag:s31] =	ssyncadd.s32 $0xFFFFD900;
	[smem:$0x7FD] =	sst s11  }
0x63: {  	[spmem:s11], [sflag:s8] =	dma.local @!p0 [hbm:s7], $0x100  }
0x64: {  	s7 =	simm.s32 @!p0 $0x11  }
0x65: {  	_ =	swait.ge @!p0 [sflag:s7], $0x100  }
0x66: {  	[sflag:s7] =	ssyncset.done @!p0 $0x0  }
0x67: {  	[sflag:s7] =	ssyncadd.s32 @!p0 $0xFFFFFF00  }
0x68: {  	[bflag:$0x0] =	sbarrier.arrive $0xFFFF  }
0x69: {  	s11 =	rddreg [dreg:$0x9]  }
0x6a: {  	s31 =	rddreg [dreg:$0xa]  }
0x6b: {  	[tilespmem:s4], [sflag:$0x1] =	stream.linear.gather [hbm4b:s11+s4], $0x50, $0x38;
	[tilespmem:$0x1DD80] =	vst v63  }
0x6c: {  	s8 =	rddreg [dreg:$0xb]  }
0x6d: {  	[tilespmem:s10], [sflag:$0x5] =	stream.linear.gather [hbm4b:s31+s4], $0x50, $0x38;
	[tilespmem:$0x1DD80] =	vst v63  }
0x6e: {  	s7 =	rddreg [dreg:$0x1c]  }
0x6f: {  	[tilespmem:s12], [sflag:$0x2] =	stream.linear.gather [hbm4b:s8+s4], $0x50, $0x38;
	[tilespmem:$0x1DD80] =	vst v63  }
0x70: {  	s11 =	rddreg [dreg:$0xc]  }
0x71: {  	[tilespmem:s13], [sflag:$0x6] =	stream.linear.gather [hbm4b:s11+s4], $0x50, $0x38;
	[tilespmem:$0x1DD80] =	vst v63  }
0x72: {  	s31 =	rddreg [dreg:$0xd]  }
0x73: {  	[tilespmem:s14], [sflag:$0x3] =	stream.linear.gather [hbm4b:s31+s4], $0x50, $0x38;
	[tilespmem:$0x1DD80] =	vst v63  }
0x74: {  	s8 =	rddreg [dreg:$0xe]  }
0x75: {  	[tilespmem:s19], [sflag:$0x7] =	stream.linear.gather [hbm4b:s8+s4], $0x50, $0x38;
	[tilespmem:$0x1DD80] =	vst v63  }
0x76: {  	s11 =	rddreg [dreg:$0xf]  }
0x77: {  	[tilespmem:s21], [sflag:$0x4] =	stream.linear.gather [hbm4b:s11+s4], $0x50, $0x38;
	[tilespmem:$0x1DD80] =	vst v63  }
0x78: {  	s31 =	rddreg [dreg:$0x10];
	s8 =	simm.s32 $0x0  }
0x79: {  	[tilespmem:s17], [sflag:$0x8] =	stream.linear.gather [hbm4b:s31+s4], $0x50, $0x38;
	[tilespmem:$0x1DD80] =	vst v63  }
.LBB2_2:
0x7a: {  	_ =	swait.ge [sflag:s15], $0x50  }
0x7b: {  	[sflag:s15] =	ssyncset.done $0x0  }
0x7c: {  	s31 =	simm.s32 $0x500;
	[sflag:s15] =	ssyncadd.s32 $0xFFFFFFB0  }
0x7d: {  	[tilespmem:s31], [sflag:$0x9] =	stream.indirect.gather [hbm4b:s1+s16], $0x80, s4, s16, $0xb8;
	[tilespmem:$0x1DD80] =	vst v63  }
0x7e: {  	_ =	swait.ge [sflag:s18], $0x50  }
0x7f: {  	[sflag:s18] =	ssyncset.done $0x0  }
0x80: {  	s11 =	simm.s32 $0x2D00;
	[sflag:s18] =	ssyncadd.s32 $0xFFFFFFB0  }
0x81: {  	[tilespmem:s11], [sflag:$0xA] =	stream.indirect.gather [hbm4b:s1+s16], $0x80, s12, s16, $0xb8;
	[tilespmem:$0x1DD80] =	vst v63  }
0x82: {  	_ =	swait.ge [sflag:s20], $0x50  }
0x83: {  	[sflag:s20] =	ssyncset.done $0x0  }
0x84: {  	s12 =	simm.s32 $0x5500;
	[sflag:s20] =	ssyncadd.s32 $0xFFFFFFB0  }
0x85: {  	[tilespmem:s12], [sflag:$0xB] =	stream.indirect.gather [hbm4b:s1+s16], $0x80, s14, s16, $0xb8;
	[tilespmem:$0x1DD80] =	vst v63  }
0x86: {  	_ =	swait.ge [sflag:s22], $0x50  }
0x87: {  	[sflag:s22] =	ssyncset.done $0x0  }
0x88: {  	s14 =	simm.s32 $0x7D00;
	[sflag:s22] =	ssyncadd.s32 $0xFFFFFFB0  }
0x89: {  	[tilespmem:s14], [sflag:$0xC] =	stream.indirect.gather [hbm4b:s1+s16], $0x80, s21, s16, $0xb8;
	[tilespmem:$0x1DD80] =	vst v63  }
0x8a: {  	_ =	swait.ge [sflag:s30], $0x2800  }
0x8b: {  	[sflag:s30] =	ssyncset.done $0x0  }
0x8c: {  	[sflag:s30] =	ssyncadd.s32 $0xFFFFD800  }
0x8d: {  	_ =	swait.ge [sflag:s0], $0x50  }
0x8e: {  	[sflag:s0] =	ssyncset.done $0x0  }
0x8f: {  	[sflag:s0] =	ssyncadd.s32 $0xFFFFFFB0  }
0x90: {  	[spmem:s2] =	stream.indirect.scatter.add.f32 [tilespmem:s31], [sflag:$0xD], $0x80, s10, s16, $0xb8;
	[tilespmem:$0x1DD80] =	vst v63  }
0x91: {  	_ =	swait.ge [sflag:s9], $0x2800  }
0x92: {  	[sflag:s9] =	ssyncset.done $0x0  }
0x93: {  	[sflag:s9] =	ssyncadd.s32 $0xFFFFD800  }
0x94: {  	_ =	swait.ge [sflag:s3], $0x50  }
0x95: {  	[sflag:s3] =	ssyncset.done $0x0  }
0x96: {  	[sflag:s3] =	ssyncadd.s32 $0xFFFFFFB0  }
0x97: {  	[spmem:s2] =	stream.indirect.scatter.add.f32 [tilespmem:s11], [sflag:$0xE], $0x80, s13, s16, $0xb8;
	[tilespmem:$0x1DD80] =	vst v63  }
0x98: {  	_ =	swait.ge [sflag:s5], $0x2800  }
0x99: {  	[sflag:s5] =	ssyncset.done $0x0  }
0x9a: {  	[sflag:s5] =	ssyncadd.s32 $0xFFFFD800  }
0x9b: {  	_ =	swait.ge [sflag:s6], $0x50  }
0x9c: {  	[sflag:s6] =	ssyncset.done $0x0  }
0x9d: {  	[sflag:s6] =	ssyncadd.s32 $0xFFFFFFB0  }
0x9e: {  	[spmem:s2] =	stream.indirect.scatter.add.f32 [tilespmem:s12], [sflag:$0xF], $0x80, s19, s16, $0xb8;
	[tilespmem:$0x1DD80] =	vst v63  }
0x9f: {  	_ =	swait.ge [sflag:s23], $0x2800  }
0xa0: {  	[sflag:s23] =	ssyncset.done $0x0  }
0xa1: {  	[sflag:s23] =	ssyncadd.s32 $0xFFFFD800  }
0xa2: {  	_ =	swait.ge [sflag:s24], $0x50  }
0xa3: {  	p1 =	seq.s32 s8, $0x4B0;
	[sflag:s24] =	ssyncset.done $0x0  }
.Ltmp2:
0xa4: {  	s21 =	simm.s32 $0x300;
	[sflag:s24] =	ssyncadd.s32 $0xFFFFFFB0;
	(pc) =	sbr.rel @p1 .LBB2_4-.Ltmp2, $4  }
0xa5: {  	[spmem:s2] =	stream.indirect.scatter.add.f32 [tilespmem:s14], [sflag:$0x10], $0x80, s17, s16, $0xb8;
	[tilespmem:$0x1DD80] =	vst v63  }
0xa6: {  	s31 =	simm.s32 $0x380;
	s13 =	simm.s32 $0x80;
	_ =	swait.ge [sflag:s25], $0x2800  }
0xa7: {  	s19 =	simm.s32 $0x100;
	s12 =	simm.s32 $0x200;
	[sflag:s25] =	ssyncset.done $0x0  }
0xa8: {  	s17 =	simm.s32 $0x180;
	s14 =	simm.s32 $0x280;
	[sflag:s25] =	ssyncadd.s32 $0xFFFFD800  }
0xa9: {  	s10 =	sshrl.u32 s7, $0x3;
	s11 =	rddreg [dreg:$0x4]  }
0xaa: {  	s11 =	sadd.s32 s11, s10  }
0xab: {  	[tilespmem:s4], [sflag:$0x1] =	stream.linear.gather [hbm4b:s11+s4], $0x50, $0x38;
	[tilespmem:$0x1DD80] =	vst v63  }
0xac: {  	s11 =	rddreg [dreg:$0x5]  }
0xad: {  	s10 =	sadd.s32 s11, s10  }
0xae: {  	[tilespmem:s12], [sflag:$0x5] =	stream.linear.gather [hbm4b:s10+s4], $0x50, $0x38;
	[tilespmem:$0x1DD80] =	vst v63  }
0xaf: {  	_ =	swait.ge [sflag:s26], $0x2800  }
0xb0: {  	[sflag:s26] =	ssyncset.done $0x0;
	s11 =	rddreg [dreg:$0x1b]  }
0xb1: {  	s12 =	rddreg [dreg:$0x1a];
	[sflag:s26] =	ssyncadd.s32 $0xFFFFD800;
	s10 =	sadd.s32 s8, s11  }
0xb2: {  	[tilespmem:s13], [sflag:$0x2] =	stream.linear.gather [hbm4b:s10+s4], $0x50, $0x38;
	[tilespmem:$0x1DD80] =	vst v63  }
0xb3: {  	s10 =	sadd.s32 s8, s12  }
0xb4: {  	[tilespmem:s14], [sflag:$0x6] =	stream.linear.gather [hbm4b:s10+s4], $0x50, $0x38;
	[tilespmem:$0x1DD80] =	vst v63  }
0xb5: {  	_ =	swait.ge [sflag:s28], $0x2800  }
0xb6: {  	[sflag:s28] =	ssyncset.done $0x0;
	s13 =	rddreg [dreg:$0x17]  }
0xb7: {  	s14 =	rddreg [dreg:$0x16];
	[sflag:s28] =	ssyncadd.s32 $0xFFFFD800;
	s10 =	sadd.s32 s8, s13  }
0xb8: {  	[tilespmem:s19], [sflag:$0x3] =	stream.linear.gather [hbm4b:s10+s4], $0x50, $0x38;
	[tilespmem:$0x1DD80] =	vst v63  }
0xb9: {  	s10 =	sadd.s32 s8, s14  }
0xba: {  	[tilespmem:s21], [sflag:$0x7] =	stream.linear.gather [hbm4b:s10+s4], $0x50, $0x38;
	[tilespmem:$0x1DD80] =	vst v63  }
0xbb: {  	s7 =	sadd.s32 $0x140, s7;
	_ =	swait.ge [sflag:s29], $0x2800  }
0xbc: {  	s12 =	simm.s32 $0x80;
	s13 =	simm.s32 $0x280;
	s19 =	rddreg [dreg:$0x19]  }
0xbd: {  	s14 =	simm.s32 $0x100;
	[sflag:s29] =	ssyncset.done $0x0;
	s21 =	rddreg [dreg:$0x18]  }
.Ltmp3:
0xbe: {  	[sflag:s29] =	ssyncadd.s32 $0xFFFFD800;
	s10 =	sadd.s32 s8, s19;
	(pc) =	sbr.rel .LBB2_2-.Ltmp3, $4  }
0xbf: {  	[tilespmem:s17], [sflag:$0x4] =	stream.linear.gather [hbm4b:s10+s4], $0x50, $0x38;
	[tilespmem:$0x1DD80] =	vst v63  }
0xc0: {  	s19 =	simm.s32 $0x300;
	s10 =	sadd.s32 s8, s21;
	s8 =	sadd.s32 $0x28, s8  }
0xc1: {  	[tilespmem:s31], [sflag:$0x8] =	stream.linear.gather [hbm4b:s10+s4], $0x50, $0x38;
	[tilespmem:$0x1DD80] =	vst v63  }
0xc2: {  	s21 =	simm.s32 $0x180;
	s17 =	simm.s32 $0x380;
	s10 =	simm.s32 $0x200  }
.LBB2_5:
0xc3: {  	_ =	sfence.sel $0x180000  }
0xc4: {  	[bflag:$0x0] =	sbarrier.arrive $0xFFFF  }
0xc5: {  	_ =	strace $0x9000004A  }
0xc6: {  	s0 =	stileid.u32;
	[bflag:$0x2] =	sbarrier.arrive $0xFFFF  }
0xc7: {  	p0 =	sne.s32 s0, $0x0;
	s0 =	rddreg [dreg:$0x3]  }
0xc8: {  	s0 =	sadd.s32 @!p0 $0x100000, s0  }
0xc9: {  	[sflag:s0] =	ssyncadd.tile.s32 @!p0 $0x1;
	_ =	shalt  }
.Lfunc_end2:
_tile_overlayer_lowered:
.L_overlay_start_2:
0xca: {  	(tag) =	ssettag $0x2  }
0xcb: {  	s0 =	rddreg [dreg:$0x0];
	s2 =	stileid.u32  }
0xcc: {  	s1 =	rddreg [dreg:$0x1];
	p0 =	sne.s32 s2, $0x0  }
0xcd: {  	s3 =	rddreg [dreg:$0x2];
	[bflag:$0x3] =	sbarrier.arrive $0xFFFF;
	s2 =	simm.s32 @!p0 $0x1C11  }
0xce: {  	[timem:s3], [sflag:s2] =	dma.local @!p0 [hbm:s0], s1  }
0xcf: {  	s0 =	simm.s32 @!p0 $0x11  }
0xd0: {  	_ =	swait.ge @!p0 [sflag:s0], s1  }
0xd1: {  	s1 =	ssub.s32 @!p0 $0x0, s1;
	[sflag:s0] =	ssyncset.done @!p0 $0x0  }
0xd2: {  	[sflag:s0] =	ssyncadd.s32 @!p0 s1  }
0xd3: {  	[bflag:$0x3] =	sbarrier.arrive $0xFFFF  }
0xd4: {  	_ =	shalt  }

// kernel: kernel.14.cloned.1.call-start
scs
__scs_entry_jumppad:
0x0: {  	(pc) =	sbr.rel $0x88, $3  }
0x1: {  	(tag) =	ssettag $0x0;
	lr =	simm.s32 $0x1  }
0x2: {  	[smem:$0x3F9B] =	sst lr;
	_ =	strace $0xD0000000  }
0x3: {  	_ = 	snop  }
0x4: {  	_ = 	snop  }
0x5: {  	_ = 	snop  }
0x6: {  	_ = 	snop  }
0x7: {  	_ = 	snop  }
__scs_overlays_trampoline_lowered:
0x8: {  	[smem:$0x3FAA] =	sst s0  }
0x9: {  	[smem:$0x3FAB] =	sst s1  }
0xa: {  	[smem:$0x3FAC] =	sst s2  }
0xb: {  	[smem:$0x3FAD] =	sst s3  }
0xc: {  	[smem:$0x3FAE] =	sst s4  }
0xd: {  	[smem:$0x3FAF] =	sst s5  }
0xe: {  	[smem:$0x3FB0] =	sst s6  }
0xf: {  	[smem:$0x3FB1] =	sst s7  }
0x10: {  	[smem:$0x3FB2] =	sst s8  }
0x11: {  	[smem:$0x3FB3] =	sst s9;
	s0 =	simm.s32 @!p0 $0x0  }
0x12: {  	s1 =	sld [smem:$0x3F99];
	s0 =	simm.s32 @p0 $0x1  }
0x13: {  	[smem:$0x3FB4] =	sst s0;
	s0 =	simm.s32 @!p1 $0x0  }
0x14: {  	s2 =	sld [smem:$0x3F98];
	s0 =	simm.s32 @p1 $0x1  }
0x15: {  	[smem:$0x3FB5] =	sst s0;
	s0 =	simm.s32 @!p2 $0x0  }
0x16: {  	s3 =	sld [smem:$0x3FDB];
	s0 =	simm.s32 @p2 $0x1  }
0x17: {  	s4 =	simm.s32 $0x1BF5;
	[smem:$0x3FB7] =	sst s0  }
0x18: {  	s0 =	sld [smem:$0x3F9A];
	_ =	swait.ge [sflag:s4], $0x0  }
0x19: {  	s7 =	sld [smem:$0x3F9B]  }
0x1a: {  	s8 =	sadd.s32 $0xFFFFE003, lr  }
0x1b: {  	s9 =	sadd.s32 $0xFFFFFEF7, lr;
	s5 =	simm.s32 $0xFFFFFFFF;
	p2 =	slt.u32 s8, $0xFFFFF086  }
0x1c: {  	p1 =	slt.u32 s9, $0xF7A;
	s5 =	simm.s32 @!p2 $0x0  }
0x1d: {  	s5 =	simm.s32 @p1 $0x1;
	p0 =	seq.s32 s7, s2  }
0x1e: {  	s7 =	smul.u32 @!p0 $0xF7A, s2;
	p2 =	seq.s32 @!p0 s5, $0x0  }
0x1f: {  	s9 =	smul.u32 $0xF7A, s1;
	s8 =	simm.s32 @!p0 $0x1BF5;
	p2 =	por !p2, p0  }
0x20: {  	[sflag:s8] =	ssyncset.s32 @!p0 $0xFFFFF086;
	s6 =	sadd.s32 @!p0 s3, s7;
	s7 =	simm.s32 @!p0 $0x108  }
0x21: {  	s3 =	sadd.s32 s3, s9;
	s6 =	sadd.s32 @!p0 $0x88, s6;
	s7 =	simm.s32 @p2 $0x1082  }
0x22: {  	[simem:s7], [sflag:s8] =	dma.local @!p0 [hbm:s6], $0xF7A  }
0x23: {  	s9 =	sor.u32 $0xD0000000, s2;
	s6 =	simm.s32 $0x108;
	_ =	swait.ge @!p0 [sflag:s8], $0x0  }
0x24: {  	s3 =	sadd.s32 $0x88, s3;
	s6 =	simm.s32 @!p1 $0x1082;
	[sflag:s4] =	ssyncset.s32 $0xFFFFF086  }
0x25: {  	[simem:s6], [sflag:s4] =	dma.local [hbm:s3], $0xF7A  }
0x26: {  	[smem:$0x3F9B] =	sst s1;
	(tag) =	ssettag s2;
	_ =	strace s9  }
0x27: {  	s1 =	sld [smem:$0x3FAB]  }
0x28: {  	s2 =	sld [smem:$0x3FAC]  }
0x29: {  	s4 =	sld [smem:$0x3FAE]  }
0x2a: {  	p0 =	seq.s32 s5, $0x0;
	s5 =	sld [smem:$0x3FAF]  }
0x2b: {  	s6 =	sld [smem:$0x3FB0]  }
0x2c: {  	s7 =	sld [smem:$0x3FB1]  }
0x2d: {  	s3 =	simm.s32 $0x108;
	s8 =	sld [smem:$0x3FB2]  }
0x2e: {  	s3 =	simm.s32 @!p0 $0x1082;
	s9 =	sld [smem:$0x3FB3]  }
0x2f: {  	lr =	sadd.s32 s0, s3;
	s0 =	sld [smem:$0x3FAA]  }
0x30: {  	s3 =	sld [smem:$0x3FAD]  }
0x31: {  	[smem:$0x3FB6] =	sst s10  }
0x32: {  	s10 =	sld [smem:$0x3FB4];
	_ =	sdelay $0x3  }
0x33: {  	p0 =	seq.s32 s10, $0x1;
	s10 =	sld [smem:$0x3FB6];
	_ =	sdelay $0x3  }
0x34: {  	[smem:$0x3FB6] =	sst s10  }
0x35: {  	s10 =	sld [smem:$0x3FB5];
	_ =	sdelay $0x3  }
0x36: {  	p1 =	seq.s32 s10, $0x1;
	s10 =	sld [smem:$0x3FB6];
	_ =	sdelay $0x3  }
0x37: {  	[smem:$0x3FB6] =	sst s10  }
0x38: {  	s10 =	sld [smem:$0x3FB7]  }
0x39: {  	_ = 	snop;
	(pc) =	sbr.ind lr, $3  }
0x3a: {  	_ = 	snop  }
0x3b: {  	_ = 	snop  }
0x3c: {  	p2 =	seq.s32 s10, $0x1;
	s10 =	sld [smem:$0x3FB6]  }
0x3d: {  	_ =	shalt  }
0x3e: {  	_ =	shalt  }
0x3f: {  	_ =	shalt  }
0x40: {  	_ =	shalt  }
0x41: {  	_ =	shalt  }
0x42: {  	_ =	shalt  }
0x43: {  	_ =	shalt  }
0x44: {  	_ =	shalt  }
0x45: {  	_ =	shalt  }
0x46: {  	_ =	shalt  }
0x47: {  	_ =	shalt  }
0x48: {  	_ =	shalt  }
0x49: {  	_ =	shalt  }
0x4a: {  	_ =	shalt  }
0x4b: {  	_ =	shalt  }
0x4c: {  	_ =	shalt  }
0x4d: {  	_ =	shalt  }
0x4e: {  	_ =	shalt  }
0x4f: {  	_ =	shalt  }
0x50: {  	_ =	shalt  }
0x51: {  	_ =	shalt  }
0x52: {  	_ =	shalt  }
0x53: {  	_ =	shalt  }
0x54: {  	_ =	shalt  }
0x55: {  	_ =	shalt  }
0x56: {  	_ =	shalt  }
0x57: {  	_ =	shalt  }
0x58: {  	_ =	shalt  }
0x59: {  	_ =	shalt  }
0x5a: {  	_ =	shalt  }
0x5b: {  	_ =	shalt  }
0x5c: {  	_ =	shalt  }
0x5d: {  	_ =	shalt  }
0x5e: {  	_ =	shalt  }
0x5f: {  	_ =	shalt  }
0x60: {  	_ =	shalt  }
0x61: {  	_ =	shalt  }
0x62: {  	_ =	shalt  }
0x63: {  	_ =	shalt  }
0x64: {  	_ =	shalt  }
0x65: {  	_ =	shalt  }
0x66: {  	_ =	shalt  }
0x67: {  	_ =	shalt  }
0x68: {  	_ =	shalt  }
0x69: {  	_ =	shalt  }
0x6a: {  	_ =	shalt  }
0x6b: {  	_ =	shalt  }
0x6c: {  	_ =	shalt  }
0x6d: {  	_ =	shalt  }
0x6e: {  	_ =	shalt  }
0x6f: {  	_ =	shalt  }
0x70: {  	_ =	shalt  }
0x71: {  	_ =	shalt  }
0x72: {  	_ =	shalt  }
0x73: {  	_ =	shalt  }
0x74: {  	_ =	shalt  }
0x75: {  	_ =	shalt  }
0x76: {  	_ =	shalt  }
0x77: {  	_ =	shalt  }
0x78: {  	_ =	shalt  }
0x79: {  	_ =	shalt  }
0x7a: {  	_ =	shalt  }
0x7b: {  	_ =	shalt  }
0x7c: {  	_ =	shalt  }
0x7d: {  	_ =	shalt  }
0x7e: {  	_ =	shalt  }
0x7f: {  	_ =	shalt  }
0x80: {  	_ =	shalt  }
0x81: {  	_ =	shalt  }
0x82: {  	_ =	shalt  }
0x83: {  	_ =	shalt  }
0x84: {  	_ =	shalt  }
0x85: {  	_ =	shalt  }
0x86: {  	_ =	shalt  }
0x87: {  	_ =	shalt  }
.Lfunc_end0:
.L_simem_size_0:
called_computation.2_lowered:
.L_overlay_start_0:
0x88: {  	s2 =	sld [smem:$0x3FD9]  }
0x89: {  	s3 =	sld [smem:$0x3FFE];
	_ =	sdelay $0x1  }
0x8a: {  	s1 =	srdreg.scid  }
0x8b: {  	s0 =	sand.u32 $0x1, s1  }
0x8c: {  	s17 =	sshll.u32 s0, $0xA;
	s2 =	sadd.s32 s3, s2  }
0x8d: {  	s2 =	sadd.s32 s2, s17  }
0x8e: {  	[smem:$0x3FC2] =	sst s2  }
0x8f: {  	_ = 	snop  }
0x90: {  	s2 =	sld [smem:$0x3FD0];
	(tm) =	ssettm $0x1  }
0x91: {  	s18 =	sld [smem:$0x3FFB];
	_ =	sdelay $0x3  }
0x92: {  	_ =	strace s18  }
0x93: {  	s3 =	sld [smem:$0x3FFC];
	_ =	sdelay $0x3  }
0x94: {  	_ =	strace s3  }
0x95: {  	s3 =	sld [smem:$0x3FFD];
	_ =	sdelay $0x3  }
0x96: {  	_ =	strace s3  }
0x97: {  	_ =	strace $0x8FFFFFFF  }
0x98: {  	s19 =	sld [smem:$0x3FDB];
	_ =	sdelay $0x1  }
0x99: {  	s4 =	simm.s32 $_scs_section_size  }
0x9a: {  	s5 =	simm.s32 $_size__tile_overlayer_lowered;
	s6 =	simm.s32 $_tile_overlayer_lowered  }
0x9b: {  	s22 =	simm.s32 $0x1BFF;
	s21 =	sshll.u32 s6, $0x1;
	s3 =	sadd.s32 s4, s19  }
0x9c: {  	s7 =	simm.s32 $0x0;
	s20 =	sshll.u32 s5, $0x1;
	s5 =	sadd.s32 s21, s3  }
0x9d: {  	[timem:s7], [sflag:s22] =	dma.local [hbm:s5], s20  }
0x9e: {  	_ =	swait.ge [sflag:s22], s20  }
0x9f: {  	s4 =	ssub.s32 $0x0, s20;
	[sflag:s22] =	ssyncset.done $0x0  }
0xa0: {  	[sflag:s22] =	ssyncadd.s32 s4;
	_ =	sdelay $0x1  }
0xa1: {  	s23 =	simm.s32 $0x1B8B  }
0xa2: {  	_ =	swait.ge [sflag:s23], $0x1  }
0xa3: {  	[sflag:s23] =	ssyncset.done $0x0  }
0xa4: {  	s25 =	simm.s32 $0x1B8E;
	s24 =	sld [smem:$0x3FFE];
	[sflag:s23] =	ssyncadd.s32 $0xFFFFFFFF  }
0xa5: {  	s26 =	simm.s32 $execute0_lowered;
	[smem:$0x3FD2] =	sst s25  }
0xa6: {  	s5 =	sshll.u32 s26, $0x1;
	_ =	strace $0x8000004C;
	[dreg:$0x1] =	wrdreg $0xFFFFFFFF  }
0xa7: {  	s28 =	simm.s32 $_size_execute0_lowered;
	s3 =	sadd.s32 s3, s5;
	[dreg:$0x0] =	wrdreg $0x0  }
0xa8: {  	s5 =	sshll.u32 s28, $0x1;
	[dreg:$0x2] =	wrdreg s3  }
0xa9: {  	[dreg:$0x3] =	wrdreg s5  }
0xaa: {  	[dreg:$0x4] =	wrdreg $0xC0  }
0xab: {  	_ =	task [dreg:s7], $0x5FFFF  }
0xac: {  	[dreg:$0x1] =	wrdreg $0xFFFFFFFF  }
0xad: {  	[dreg:$0x0] =	wrdreg $0x60  }
0xae: {  	[dreg:$0x2] =	wrdreg s2  }
0xaf: {  	[dreg:$0x3] =	wrdreg s24  }
0xb0: {  	[dreg:$0x4] =	wrdreg $0xA5000  }
0xb1: {  	[dreg:$0x5] =	wrdreg $0x9  }
0xb2: {  	_ =	task.clear_ibuf [dreg:s7], $0x6FFFF;
	_ =	strace $0x9000004C  }
0xb3: {  	s29 =	simm.s32 $0x9;
	_ =	strace $0x8000004E  }
0xb4: {  	_ =	swait.ge [sflag:s29], $0x1  }
0xb5: {  	[sflag:s29] =	ssyncadd.s32 $0xFFFFFFFF  }
0xb6: {  	_ =	strace $0x9000004E  }
0xb7: {  	_ =	sfence  }
0xb8: {  	s30 =	sld [smem:$0x0];
	_ =	sdelay $0x2  }
0xb9: {  	s31 =	sshll.u32 s1, $0xD;
	s1 =	sshrl.u32 s1, $0x2  }
0xba: {  	s3 =	sand.u32 $0x4000, s31;
	s1 =	sadd.s32 s1, s30  }
0xbb: {  	s0 =	sor.u32 s3, s0;
	s1 =	sshll.u32 s1, $0x11  }
0xbc: {  	s0 =	sor.u32 s1, s0  }
0xbd: {  	s0 =	sadd.s32 $0x8F2B, s0  }
0xbe: {  	[sflag:s0] =	ssyncadd.remote.s32 $0x1  }
0xbf: {  	_ =	sfence.sel $0xFFFF  }
0xc0: {  	[dreg:$0x0] =	wrdreg $0xFFFFFFFF;
	(pc) =	sbr.abs _section_cstart, $3  }
0xc1: {  	[dreg:$0x1] =	wrdreg $0xFFFFFFFF  }
0xc2: {  	_ =	task.clear_ibuf [dreg:s7], $0x2FFFF;
	_ =	strace $0x9FFFFFFF  }
0xc3: {  	(tm) =	ssettm $0x7FFFFFFF  }
tec
execute0_lowered:
.L_overlay_start_1:
0x0: {  	(tag) =	ssettag $0x1  }
0x1: {  	s1 =	rddreg [dreg:$0x0]  }
0x2: {  	s0 =	rddreg [dreg:$0x1]  }
0x3: {  	s2 =	rddreg [dreg:$0x2];
	s4 =	simm.s32 $0x0;
	s3 =	srdreg.scid  }
0x4: {  	s11 =	stileid.u32;
	s30 =	simm.s32 $0x9;
	s28 =	simm.s32 $0xF  }
0x5: {  	s29 =	simm.s32 $0x10;
	[smem:$0x7FF] =	sst s4;
	s3 =	sand.u32 $0x1, s3  }
0x6: {  	s5 =	sshll.u32 s11, $0x1;
	s12 =	sadd.s32 $0x2600, s0;
	s6 =	smul.u32 $0x4E000, s11  }
0x7: {  	s13 =	sadd.s32 $0xC400, s0;
	s9 =	smul.u32 $0x13800, s11;
	s0 =	sadd.s32 $0x16200, s0  }
0x8: {  	s16 =	sshll.u32 s11, $0x6;
	s26 =	smul.u32 $0x4E20, s11;
	p0 =	sne.s32 s11, $0xF  }
0x9: {  	s11 =	simm.s32 $0x0;
	_ =	strace $0x8000004D;
	s5 =	sor.u32 s3, s5  }
0xa: {  	s7 =	ssub.s32 $0x2, s3;
	s24 =	smul.u32 $0x138800, s3;
	[dreg:$0x5] =	wrdreg s13  }
0xb: {  	s14 =	sor.u32 $0x1C11, s16;
	s3 =	smul.u32 $0x2710, s3;
	[dreg:$0x4] =	wrdreg s12  }
0xc: {  	s5 =	smul.u32 $0x2710, s5;
	s8 =	sshrl.u32 s7, $0x1;
	s6 =	sshrl.u32 s6, $0x2  }
0xd: {  	s15 =	sshrl.u32 s9, $0x3;
	s7 =	ssub.s32 s7, s8;
	s6 =	sadd.s32 s6, s2  }
0xe: {  	s3 =	sadd.s32 s3, s26;
	s26 =	sadd.s32 $0x138000, s2;
	[dreg:$0x6] =	wrdreg s6  }
0xf: {  	s9 =	sadd.s32 s9, s24;
	s8 =	smov.u32 s14;
	[dreg:$0x1d] =	wrdreg s26  }
0x10: {  	s5 =	sshrl.u32 s5, $0x3;
	s6 =	sadd.s32 s1, s15;
	[dreg:$0x8] =	wrdreg s8  }
0x11: {  	s14 =	simm.s32 $0x100;
	[dreg:$0x7] =	wrdreg s6;
	s17 =	sadd.s32 s12, s5  }
0x12: {  	s18 =	sadd.s32 s13, s5;
	s19 =	sadd.s32 $0xA, s5;
	[dreg:$0x9] =	wrdreg s17  }
0x13: {  	s15 =	sshrl.u32 s24, $0x3;
	[dreg:$0xa] =	wrdreg s18;
	s10 =	sadd.s32 s12, s19  }
0x14: {  	s20 =	sadd.s32 $0x14, s5;
	s6 =	sadd.s32 s13, s19;
	[dreg:$0xb] =	wrdreg s10  }
0x15: {  	s26 =	simm.s32 $0xE;
	s21 =	sadd.s32 s12, s20;
	[dreg:$0xc] =	wrdreg s6  }
0x16: {  	s23 =	sadd.s32 $0x1E, s5;
	s22 =	sadd.s32 s13, s20;
	[dreg:$0xd] =	wrdreg s21  }
0x17: {  	s5 =	sadd.s32 $0x4D8, s5;
	s25 =	sadd.s32 s12, s23;
	[dreg:$0xe] =	wrdreg s22  }
0x18: {  	s31 =	sadd.s32 s12, s5;
	s5 =	sadd.s32 s13, s5;
	[dreg:$0xf] =	wrdreg s25  }
0x19: {  	s17 =	sadd.s32 $0x1E0, s3;
	s18 =	smax.u32 s7, $0x1;
	[dreg:$0x11] =	wrdreg s31  }
0x1a: {  	s19 =	sadd.s32 $0x230, s3;
	s6 =	sadd.s32 s13, s23;
	[dreg:$0x12] =	wrdreg s5  }
0x1b: {  	s5 =	sshrl.u32 s9, $0x3;
	[dreg:$0x15] =	wrdreg s18;
	s21 =	sadd.s32 $0x190, s3  }
0x1c: {  	s25 =	sadd.s32 $0x140, s3;
	s31 =	sadd.s32 $0x27000, s1;
	s10 =	simm.s32 $0x200  }
0x1d: {  	s18 =	simm.s32 $0x2;
	s9 =	simm.s32 $0xA;
	s3 =	simm.s32 $0x6  }
0x1e: {  	[dreg:$0x10] =	wrdreg s6;
	s6 =	sadd.s32 s0, s15;
	s0 =	sadd.s32 s0, s5  }
0x1f: {  	s5 =	sshrl.u32 s19, $0x3;
	s22 =	sshrl.u32 s21, $0x3;
	[dreg:$0x1c] =	wrdreg s25  }
0x20: {  	[dreg:$0x1e] =	wrdreg s31;
	s19 =	simm.s32 $0x300;
	s21 =	simm.s32 $0x180  }
0x21: {  	s15 =	simm.s32 $0x1;
	s25 =	simm.s32 $0xD;
	[dreg:$0x13] =	wrdreg s0  }
0x22: {  	s16 =	sadd.s32 $0x27000, s6;
	s0 =	sshrl.u32 s17, $0x3;
	s23 =	sadd.s32 s5, s13  }
0x23: {  	s5 =	sadd.s32 s5, s12;
	s24 =	sadd.s32 s22, s13;
	[dreg:$0x14] =	wrdreg s16  }
0x24: {  	s17 =	simm.s32 $0x380;
	s6 =	simm.s32 $0x7;
	[dreg:$0x18] =	wrdreg s23  }
0x25: {  	s20 =	sadd.s32 s0, s13;
	s0 =	sadd.s32 s0, s12;
	[dreg:$0x19] =	wrdreg s5  }
.Ltmp0:
0x26: {  	[dreg:$0x1a] =	wrdreg s24;
	s13 =	simm.s32 $0x280;
	(pc) =	sbr.rel .LBB2_1-.Ltmp0, $4  }
0x27: {  	s16 =	simm.s32 $0x50;
	s5 =	simm.s32 $0xB;
	[dreg:$0x16] =	wrdreg s20  }
0x28: {  	s23 =	simm.s32 $0xC;
	s24 =	simm.s32 $0x8;
	[dreg:$0x17] =	wrdreg s0  }
0x29: {  	s0 =	sadd.s32 s22, s12;
	s12 =	simm.s32 $0x80;
	s20 =	simm.s32 $0x3  }
0x2a: {  	s22 =	simm.s32 $0x4;
	[dreg:$0x1b] =	wrdreg s0;
	s0 =	simm.s32 $0x5  }
.LBB2_4:
0x2b: {  	_ =	swait.ge [sflag:s26], $0x2800  }
0x2c: {  	[sflag:s26] =	ssyncset.done $0x0  }
0x2d: {  	[sflag:s26] =	ssyncadd.s32 $0xFFFFD800  }
0x2e: {  	_ =	swait.ge [sflag:s28], $0x2800  }
0x2f: {  	[sflag:s28] =	ssyncset.done $0x0  }
0x30: {  	[sflag:s28] =	ssyncadd.s32 $0xFFFFD800  }
0x31: {  	_ =	swait.ge [sflag:s29], $0x2800  }
0x32: {  	[sflag:s29] =	ssyncset.done $0x0  }
0x33: {  	s8 =	simm.s32 $0x400;
	s7 =	rddreg [dreg:$0x11];
	[sflag:s29] =	ssyncadd.s32 $0xFFFFD800  }
0x34: {  	[tilespmem:s8], [sflag:$0x1] =	stream.linear.gather [hbm4b:s7+s4], $0x50, $0x38;
	[tilespmem:$0x1DD80] =	vst v63  }
0x35: {  	s10 =	simm.s32 $0x480;
	s13 =	rddreg [dreg:$0x12]  }
0x36: {  	[tilespmem:s10], [sflag:$0x5] =	stream.linear.gather [hbm4b:s13+s4], $0x50, $0x38;
	[tilespmem:$0x1DD80] =	vst v63  }
0x37: {  	_ =	swait.ge [sflag:s15], $0x50  }
0x38: {  	[sflag:s15] =	ssyncset.done $0x0  }
0x39: {  	s14 =	simm.s32 $0x500;
	[sflag:s15] =	ssyncadd.s32 $0xFFFFFFB0  }
0x3a: {  	[tilespmem:s14], [sflag:$0x9] =	stream.indirect.gather [hbm4b:s1+s16], $0x80, s8, s16, $0xb8;
	[tilespmem:$0x1DD80] =	vst v63  }
0x3b: {  	_ =	swait.ge [sflag:s30], $0x2800  }
0x3c: {  	[sflag:s30] =	ssyncset.done $0x0  }
0x3d: {  	[sflag:s30] =	ssyncadd.s32 $0xFFFFD800  }
0x3e: {  	_ =	swait.ge [sflag:s0], $0x50  }
0x3f: {  	[sflag:s0] =	ssyncset.done $0x0  }
0x40: {  	s17 =	simm.s32 $0x11;
	[sflag:s0] =	ssyncadd.s32 $0xFFFFFFB0  }
0x41: {  	[spmem:s2] =	stream.indirect.scatter.add.f32 [tilespmem:s14], [sflag:$0x11], $0x80, s10, s16, $0xb8;
	[tilespmem:$0x1DD80] =	vst v63  }
0x42: {  	_ =	swait.ge [sflag:s17], $0x2800  }
0x43: {  	[sflag:s17] =	ssyncset.done $0x0  }
0x44: {  	[sflag:s17] =	ssyncadd.s32 $0xFFFFD800  }
0x45: {  	[bflag:$0x0] =	sbarrier.arrive $0xFFFF  }
0x46: {  	s11 =	sld [smem:$0x7FC]  }
0x47: {  	s8 =	rddreg [dreg:$0x8]  }
0x48: {  	s19 =	rddreg [dreg:$0x13]  }
0x49: {  	[hbm:s19], [sflag:s8] =	dma.local [spmem:s11], $0x2700  }
0x4a: {  	_ =	swait.ge [sflag:s17], $0x2700  }
0x4b: {  	s10 =	sld [smem:$0x7FD]  }
0x4c: {  	[sflag:s17] =	ssyncset.done $0x0  }
0x4d: {  	s7 =	rddreg [dreg:$0x14];
	[sflag:s17] =	ssyncadd.s32 $0xFFFFD900  }
0x4e: {  	[hbm:s7], [sflag:s8] =	dma.local @!p0 [spmem:s10], $0x100  }
0x4f: {  	s7 =	simm.s32 @!p0 $0x11  }
0x50: {  	_ =	swait.ge @!p0 [sflag:s7], $0x100  }
0x51: {  	s21 =	rddreg [dreg:$0x1f]  }
0x52: {  	s31 =	rddreg [dreg:$0x15];
	s11 =	sadd.s32 $0x1, s21  }
0x53: {  	p1 =	sne.s32 s11, s31  }
.Ltmp1:
0x54: {  	_ = 	snop;
	(pc) =	sbr.rel @!p1 .LBB2_5-.Ltmp1, $4  }
0x55: {  	_ = 	snop  }
0x56: {  	s12 =	simm.s32 $0x80;
	s13 =	simm.s32 $0x280;
	s14 =	simm.s32 $0x100  }
0x57: {  	s19 =	simm.s32 $0x300;
	s17 =	simm.s32 $0x380;
	[sflag:s7] =	ssyncset.done @!p0 $0x0  }
0x58: {  	s10 =	simm.s32 $0x200;
	[sflag:s7] =	ssyncadd.s32 @!p0 $0xFFFFFF00;
	s21 =	simm.s32 $0x180  }
.LBB2_1:
0x59: {  	[dreg:$0x1f] =	wrdreg s11  }
0x5a: {  	s7 =	rddreg [dreg:$0x6]  }
0x5b: {  	s31 =	rddreg [dreg:$0x7];
	s7 =	sshrl.u32 s7, $0x3  }
0x5c: {  	[smem:$0x7FC] =	sst s7  }
0x5d: {  	[spmem:s7], [sflag:s8] =	dma.local [hbm:s31], $0x2700  }
0x5e: {  	s31 =	simm.s32 $0x11  }
0x5f: {  	_ =	swait.ge [sflag:s31], $0x2700  }
0x60: {  	s7 =	rddreg [dreg:$0x1d]  }
0x61: {  	[sflag:s31] =	ssyncset.done $0x0;
	s11 =	sshrl.u32 @!p0 s7, $0x3;
	s7 =	rddreg [dreg:$0x1e]  }
0x62: {  	[sflag:s31] =	ssyncadd.s32 $0xFFFFD900;
	[smem:$0x7FD] =	sst s11  }
0x63: {  	[spmem:s11], [sflag:s8] =	dma.local @!p0 [hbm:s7], $0x100  }
0x64: {  	s7 =	simm.s32 @!p0 $0x11  }
0x65: {  	_ =	swait.ge @!p0 [sflag:s7], $0x100  }
0x66: {  	[sflag:s7] =	ssyncset.done @!p0 $0x0  }
0x67: {  	[sflag:s7] =	ssyncadd.s32 @!p0 $0xFFFFFF00  }
0x68: {  	[bflag:$0x0] =	sbarrier.arrive $0xFFFF  }
0x69: {  	s11 =	rddreg [dreg:$0x9]  }
0x6a: {  	s31 =	rddreg [dreg:$0xa]  }
0x6b: {  	[tilespmem:s4], [sflag:$0x1] =	stream.linear.gather [hbm4b:s11+s4], $0x50, $0x38;
	[tilespmem:$0x1DD80] =	vst v63  }
0x6c: {  	s8 =	rddreg [dreg:$0xb]  }
0x6d: {  	[tilespmem:s10], [sflag:$0x5] =	stream.linear.gather [hbm4b:s31+s4], $0x50, $0x38;
	[tilespmem:$0x1DD80] =	vst v63  }
0x6e: {  	s7 =	rddreg [dreg:$0x1c]  }
0x6f: {  	[tilespmem:s12], [sflag:$0x2] =	stream.linear.gather [hbm4b:s8+s4], $0x50, $0x38;
	[tilespmem:$0x1DD80] =	vst v63  }
0x70: {  	s11 =	rddreg [dreg:$0xc]  }
0x71: {  	[tilespmem:s13], [sflag:$0x6] =	stream.linear.gather [hbm4b:s11+s4], $0x50, $0x38;
	[tilespmem:$0x1DD80] =	vst v63  }
0x72: {  	s31 =	rddreg [dreg:$0xd]  }
0x73: {  	[tilespmem:s14], [sflag:$0x3] =	stream.linear.gather [hbm4b:s31+s4], $0x50, $0x38;
	[tilespmem:$0x1DD80] =	vst v63  }
0x74: {  	s8 =	rddreg [dreg:$0xe]  }
0x75: {  	[tilespmem:s19], [sflag:$0x7] =	stream.linear.gather [hbm4b:s8+s4], $0x50, $0x38;
	[tilespmem:$0x1DD80] =	vst v63  }
0x76: {  	s11 =	rddreg [dreg:$0xf]  }
0x77: {  	[tilespmem:s21], [sflag:$0x4] =	stream.linear.gather [hbm4b:s11+s4], $0x50, $0x38;
	[tilespmem:$0x1DD80] =	vst v63  }
0x78: {  	s31 =	rddreg [dreg:$0x10];
	s8 =	simm.s32 $0x0  }
0x79: {  	[tilespmem:s17], [sflag:$0x8] =	stream.linear.gather [hbm4b:s31+s4], $0x50, $0x38;
	[tilespmem:$0x1DD80] =	vst v63  }
.LBB2_2:
0x7a: {  	_ =	swait.ge [sflag:s15], $0x50  }
0x7b: {  	[sflag:s15] =	ssyncset.done $0x0  }
0x7c: {  	s31 =	simm.s32 $0x500;
	[sflag:s15] =	ssyncadd.s32 $0xFFFFFFB0  }
0x7d: {  	[tilespmem:s31], [sflag:$0x9] =	stream.indirect.gather [hbm4b:s1+s16], $0x80, s4, s16, $0xb8;
	[tilespmem:$0x1DD80] =	vst v63  }
0x7e: {  	_ =	swait.ge [sflag:s18], $0x50  }
0x7f: {  	[sflag:s18] =	ssyncset.done $0x0  }
0x80: {  	s11 =	simm.s32 $0x2D00;
	[sflag:s18] =	ssyncadd.s32 $0xFFFFFFB0  }
0x81: {  	[tilespmem:s11], [sflag:$0xA] =	stream.indirect.gather [hbm4b:s1+s16], $0x80, s12, s16, $0xb8;
	[tilespmem:$0x1DD80] =	vst v63  }
0x82: {  	_ =	swait.ge [sflag:s20], $0x50  }
0x83: {  	[sflag:s20] =	ssyncset.done $0x0  }
0x84: {  	s12 =	simm.s32 $0x5500;
	[sflag:s20] =	ssyncadd.s32 $0xFFFFFFB0  }
0x85: {  	[tilespmem:s12], [sflag:$0xB] =	stream.indirect.gather [hbm4b:s1+s16], $0x80, s14, s16, $0xb8;
	[tilespmem:$0x1DD80] =	vst v63  }
0x86: {  	_ =	swait.ge [sflag:s22], $0x50  }
0x87: {  	[sflag:s22] =	ssyncset.done $0x0  }
0x88: {  	s14 =	simm.s32 $0x7D00;
	[sflag:s22] =	ssyncadd.s32 $0xFFFFFFB0  }
0x89: {  	[tilespmem:s14], [sflag:$0xC] =	stream.indirect.gather [hbm4b:s1+s16], $0x80, s21, s16, $0xb8;
	[tilespmem:$0x1DD80] =	vst v63  }
0x8a: {  	_ =	swait.ge [sflag:s30], $0x2800  }
0x8b: {  	[sflag:s30] =	ssyncset.done $0x0  }
0x8c: {  	[sflag:s30] =	ssyncadd.s32 $0xFFFFD800  }
0x8d: {  	_ =	swait.ge [sflag:s0], $0x50  }
0x8e: {  	[sflag:s0] =	ssyncset.done $0x0  }
0x8f: {  	[sflag:s0] =	ssyncadd.s32 $0xFFFFFFB0  }
0x90: {  	[spmem:s2] =	stream.indirect.scatter.add.f32 [tilespmem:s31], [sflag:$0xD], $0x80, s10, s16, $0xb8;
	[tilespmem:$0x1DD80] =	vst v63  }
0x91: {  	_ =	swait.ge [sflag:s9], $0x2800  }
0x92: {  	[sflag:s9] =	ssyncset.done $0x0  }
0x93: {  	[sflag:s9] =	ssyncadd.s32 $0xFFFFD800  }
0x94: {  	_ =	swait.ge [sflag:s3], $0x50  }
0x95: {  	[sflag:s3] =	ssyncset.done $0x0  }
0x96: {  	[sflag:s3] =	ssyncadd.s32 $0xFFFFFFB0  }
0x97: {  	[spmem:s2] =	stream.indirect.scatter.add.f32 [tilespmem:s11], [sflag:$0xE], $0x80, s13, s16, $0xb8;
	[tilespmem:$0x1DD80] =	vst v63  }
0x98: {  	_ =	swait.ge [sflag:s5], $0x2800  }
0x99: {  	[sflag:s5] =	ssyncset.done $0x0  }
0x9a: {  	[sflag:s5] =	ssyncadd.s32 $0xFFFFD800  }
0x9b: {  	_ =	swait.ge [sflag:s6], $0x50  }
0x9c: {  	[sflag:s6] =	ssyncset.done $0x0  }
0x9d: {  	[sflag:s6] =	ssyncadd.s32 $0xFFFFFFB0  }
0x9e: {  	[spmem:s2] =	stream.indirect.scatter.add.f32 [tilespmem:s12], [sflag:$0xF], $0x80, s19, s16, $0xb8;
	[tilespmem:$0x1DD80] =	vst v63  }
0x9f: {  	_ =	swait.ge [sflag:s23], $0x2800  }
0xa0: {  	[sflag:s23] =	ssyncset.done $0x0  }
0xa1: {  	[sflag:s23] =	ssyncadd.s32 $0xFFFFD800  }
0xa2: {  	_ =	swait.ge [sflag:s24], $0x50  }
0xa3: {  	p1 =	seq.s32 s8, $0x4B0;
	[sflag:s24] =	ssyncset.done $0x0  }
.Ltmp2:
0xa4: {  	s21 =	simm.s32 $0x300;
	[sflag:s24] =	ssyncadd.s32 $0xFFFFFFB0;
	(pc) =	sbr.rel @p1 .LBB2_4-.Ltmp2, $4  }
0xa5: {  	[spmem:s2] =	stream.indirect.scatter.add.f32 [tilespmem:s14], [sflag:$0x10], $0x80, s17, s16, $0xb8;
	[tilespmem:$0x1DD80] =	vst v63  }
0xa6: {  	s31 =	simm.s32 $0x380;
	s13 =	simm.s32 $0x80;
	_ =	swait.ge [sflag:s25], $0x2800  }
0xa7: {  	s19 =	simm.s32 $0x100;
	s12 =	simm.s32 $0x200;
	[sflag:s25] =	ssyncset.done $0x0  }
0xa8: {  	s17 =	simm.s32 $0x180;
	s14 =	simm.s32 $0x280;
	[sflag:s25] =	ssyncadd.s32 $0xFFFFD800  }
0xa9: {  	s10 =	sshrl.u32 s7, $0x3;
	s11 =	rddreg [dreg:$0x4]  }
0xaa: {  	s11 =	sadd.s32 s11, s10  }
0xab: {  	[tilespmem:s4], [sflag:$0x1] =	stream.linear.gather [hbm4b:s11+s4], $0x50, $0x38;
	[tilespmem:$0x1DD80] =	vst v63  }
0xac: {  	s11 =	rddreg [dreg:$0x5]  }
0xad: {  	s10 =	sadd.s32 s11, s10  }
0xae: {  	[tilespmem:s12], [sflag:$0x5] =	stream.linear.gather [hbm4b:s10+s4], $0x50, $0x38;
	[tilespmem:$0x1DD80] =	vst v63  }
0xaf: {  	_ =	swait.ge [sflag:s26], $0x2800  }
0xb0: {  	[sflag:s26] =	ssyncset.done $0x0;
	s11 =	rddreg [dreg:$0x1b]  }
0xb1: {  	s12 =	rddreg [dreg:$0x1a];
	[sflag:s26] =	ssyncadd.s32 $0xFFFFD800;
	s10 =	sadd.s32 s8, s11  }
0xb2: {  	[tilespmem:s13], [sflag:$0x2] =	stream.linear.gather [hbm4b:s10+s4], $0x50, $0x38;
	[tilespmem:$0x1DD80] =	vst v63  }
0xb3: {  	s10 =	sadd.s32 s8, s12  }
0xb4: {  	[tilespmem:s14], [sflag:$0x6] =	stream.linear.gather [hbm4b:s10+s4], $0x50, $0x38;
	[tilespmem:$0x1DD80] =	vst v63  }
0xb5: {  	_ =	swait.ge [sflag:s28], $0x2800  }
0xb6: {  	[sflag:s28] =	ssyncset.done $0x0;
	s13 =	rddreg [dreg:$0x17]  }
0xb7: {  	s14 =	rddreg [dreg:$0x16];
	[sflag:s28] =	ssyncadd.s32 $0xFFFFD800;
	s10 =	sadd.s32 s8, s13  }
0xb8: {  	[tilespmem:s19], [sflag:$0x3] =	stream.linear.gather [hbm4b:s10+s4], $0x50, $0x38;
	[tilespmem:$0x1DD80] =	vst v63  }
0xb9: {  	s10 =	sadd.s32 s8, s14  }
0xba: {  	[tilespmem:s21], [sflag:$0x7] =	stream.linear.gather [hbm4b:s10+s4], $0x50, $0x38;
	[tilespmem:$0x1DD80] =	vst v63  }
0xbb: {  	s7 =	sadd.s32 $0x140, s7;
	_ =	swait.ge [sflag:s29], $0x2800  }
0xbc: {  	s12 =	simm.s32 $0x80;
	s13 =	simm.s32 $0x280;
	s19 =	rddreg [dreg:$0x19]  }
0xbd: {  	s14 =	simm.s32 $0x100;
	[sflag:s29] =	ssyncset.done $0x0;
	s21 =	rddreg [dreg:$0x18]  }
.Ltmp3:
0xbe: {  	[sflag:s29] =	ssyncadd.s32 $0xFFFFD800;
	s10 =	sadd.s32 s8, s19;
	(pc) =	sbr.rel .LBB2_2-.Ltmp3, $4  }
0xbf: {  	[tilespmem:s17], [sflag:$0x4] =	stream.linear.gather [hbm4b:s10+s4], $0x50, $0x38;
	[tilespmem:$0x1DD80] =	vst v63  }
0xc0: {  	s19 =	simm.s32 $0x300;
	s10 =	sadd.s32 s8, s21;
	s8 =	sadd.s32 $0x28, s8  }
0xc1: {  	[tilespmem:s31], [sflag:$0x8] =	stream.linear.gather [hbm4b:s10+s4], $0x50, $0x38;
	[tilespmem:$0x1DD80] =	vst v63  }
0xc2: {  	s21 =	simm.s32 $0x180;
	s17 =	simm.s32 $0x380;
	s10 =	simm.s32 $0x200  }
.LBB2_5:
0xc3: {  	_ =	sfence.sel $0x180000  }
0xc4: {  	[bflag:$0x0] =	sbarrier.arrive $0xFFFF  }
0xc5: {  	_ =	strace $0x9000004D  }
0xc6: {  	s0 =	stileid.u32;
	[bflag:$0x2] =	sbarrier.arrive $0xFFFF  }
0xc7: {  	p0 =	sne.s32 s0, $0x0;
	s0 =	rddreg [dreg:$0x3]  }
0xc8: {  	s0 =	sadd.s32 @!p0 $0x100000, s0  }
0xc9: {  	[sflag:s0] =	ssyncadd.tile.s32 @!p0 $0x1;
	_ =	shalt  }
.Lfunc_end2:
_tile_overlayer_lowered:
.L_overlay_start_2:
0xca: {  	(tag) =	ssettag $0x2  }
0xcb: {  	s0 =	rddreg [dreg:$0x0];
	s2 =	stileid.u32  }
0xcc: {  	s1 =	rddreg [dreg:$0x1];
	p0 =	sne.s32 s2, $0x0  }
0xcd: {  	s3 =	rddreg [dreg:$0x2];
	[bflag:$0x3] =	sbarrier.arrive $0xFFFF;
	s2 =	simm.s32 @!p0 $0x1C11  }
0xce: {  	[timem:s3], [sflag:s2] =	dma.local @!p0 [hbm:s0], s1  }
0xcf: {  	s0 =	simm.s32 @!p0 $0x11  }
0xd0: {  	_ =	swait.ge @!p0 [sflag:s0], s1  }
0xd1: {  	s1 =	ssub.s32 @!p0 $0x0, s1;
	[sflag:s0] =	ssyncset.done @!p0 $0x0  }
0xd2: {  	[sflag:s0] =	ssyncadd.s32 @!p0 s1  }
0xd3: {  	[bflag:$0x3] =	sbarrier.arrive $0xFFFF  }
0xd4: {  	_ =	shalt  }

// kernel: kernel.8.cloned.1.call-start
scs
__scs_entry_jumppad:
0x0: {  	(pc) =	sbr.rel $0x88, $3  }
0x1: {  	(tag) =	ssettag $0x0;
	lr =	simm.s32 $0x1  }
0x2: {  	[smem:$0x3F9B] =	sst lr;
	_ =	strace $0xD0000000  }
0x3: {  	_ = 	snop  }
0x4: {  	_ = 	snop  }
0x5: {  	_ = 	snop  }
0x6: {  	_ = 	snop  }
0x7: {  	_ = 	snop  }
__scs_overlays_trampoline_lowered:
0x8: {  	[smem:$0x3FAA] =	sst s0  }
0x9: {  	[smem:$0x3FAB] =	sst s1  }
0xa: {  	[smem:$0x3FAC] =	sst s2  }
0xb: {  	[smem:$0x3FAD] =	sst s3  }
0xc: {  	[smem:$0x3FAE] =	sst s4  }
0xd: {  	[smem:$0x3FAF] =	sst s5  }
0xe: {  	[smem:$0x3FB0] =	sst s6  }
0xf: {  	[smem:$0x3FB1] =	sst s7  }
0x10: {  	[smem:$0x3FB2] =	sst s8  }
0x11: {  	[smem:$0x3FB3] =	sst s9;
	s0 =	simm.s32 @!p0 $0x0  }
0x12: {  	s1 =	sld [smem:$0x3F99];
	s0 =	simm.s32 @p0 $0x1  }
0x13: {  	[smem:$0x3FB4] =	sst s0;
	s0 =	simm.s32 @!p1 $0x0  }
0x14: {  	s2 =	sld [smem:$0x3F98];
	s0 =	simm.s32 @p1 $0x1  }
0x15: {  	[smem:$0x3FB5] =	sst s0;
	s0 =	simm.s32 @!p2 $0x0  }
0x16: {  	s3 =	sld [smem:$0x3FDB];
	s0 =	simm.s32 @p2 $0x1  }
0x17: {  	s4 =	simm.s32 $0x1BF5;
	[smem:$0x3FB7] =	sst s0  }
0x18: {  	s0 =	sld [smem:$0x3F9A];
	_ =	swait.ge [sflag:s4], $0x0  }
0x19: {  	s7 =	sld [smem:$0x3F9B]  }
0x1a: {  	s8 =	sadd.s32 $0xFFFFE003, lr  }
0x1b: {  	s9 =	sadd.s32 $0xFFFFFEF7, lr;
	s5 =	simm.s32 $0xFFFFFFFF;
	p2 =	slt.u32 s8, $0xFFFFF086  }
0x1c: {  	p1 =	slt.u32 s9, $0xF7A;
	s5 =	simm.s32 @!p2 $0x0  }
0x1d: {  	s5 =	simm.s32 @p1 $0x1;
	p0 =	seq.s32 s7, s2  }
0x1e: {  	s7 =	smul.u32 @!p0 $0xF7A, s2;
	p2 =	seq.s32 @!p0 s5, $0x0  }
0x1f: {  	s9 =	smul.u32 $0xF7A, s1;
	s8 =	simm.s32 @!p0 $0x1BF5;
	p2 =	por !p2, p0  }
0x20: {  	[sflag:s8] =	ssyncset.s32 @!p0 $0xFFFFF086;
	s6 =	sadd.s32 @!p0 s3, s7;
	s7 =	simm.s32 @!p0 $0x108  }
0x21: {  	s3 =	sadd.s32 s3, s9;
	s6 =	sadd.s32 @!p0 $0x88, s6;
	s7 =	simm.s32 @p2 $0x1082  }
0x22: {  	[simem:s7], [sflag:s8] =	dma.local @!p0 [hbm:s6], $0xF7A  }
0x23: {  	s9 =	sor.u32 $0xD0000000, s2;
	s6 =	simm.s32 $0x108;
	_ =	swait.ge @!p0 [sflag:s8], $0x0  }
0x24: {  	s3 =	sadd.s32 $0x88, s3;
	s6 =	simm.s32 @!p1 $0x1082;
	[sflag:s4] =	ssyncset.s32 $0xFFFFF086  }
0x25: {  	[simem:s6], [sflag:s4] =	dma.local [hbm:s3], $0xF7A  }
0x26: {  	[smem:$0x3F9B] =	sst s1;
	(tag) =	ssettag s2;
	_ =	strace s9  }
0x27: {  	s1 =	sld [smem:$0x3FAB]  }
0x28: {  	s2 =	sld [smem:$0x3FAC]  }
0x29: {  	s4 =	sld [smem:$0x3FAE]  }
0x2a: {  	p0 =	seq.s32 s5, $0x0;
	s5 =	sld [smem:$0x3FAF]  }
0x2b: {  	s6 =	sld [smem:$0x3FB0]  }
0x2c: {  	s7 =	sld [smem:$0x3FB1]  }
0x2d: {  	s3 =	simm.s32 $0x108;
	s8 =	sld [smem:$0x3FB2]  }
0x2e: {  	s3 =	simm.s32 @!p0 $0x1082;
	s9 =	sld [smem:$0x3FB3]  }
0x2f: {  	lr =	sadd.s32 s0, s3;
	s0 =	sld [smem:$0x3FAA]  }
0x30: {  	s3 =	sld [smem:$0x3FAD]  }
0x31: {  	[smem:$0x3FB6] =	sst s10  }
0x32: {  	s10 =	sld [smem:$0x3FB4];
	_ =	sdelay $0x3  }
0x33: {  	p0 =	seq.s32 s10, $0x1;
	s10 =	sld [smem:$0x3FB6];
	_ =	sdelay $0x3  }
0x34: {  	[smem:$0x3FB6] =	sst s10  }
0x35: {  	s10 =	sld [smem:$0x3FB5];
	_ =	sdelay $0x3  }
0x36: {  	p1 =	seq.s32 s10, $0x1;
	s10 =	sld [smem:$0x3FB6];
	_ =	sdelay $0x3  }
0x37: {  	[smem:$0x3FB6] =	sst s10  }
0x38: {  	s10 =	sld [smem:$0x3FB7]  }
0x39: {  	_ = 	snop;
	(pc) =	sbr.ind lr, $3  }
0x3a: {  	_ = 	snop  }
0x3b: {  	_ = 	snop  }
0x3c: {  	p2 =	seq.s32 s10, $0x1;
	s10 =	sld [smem:$0x3FB6]  }
0x3d: {  	_ =	shalt  }
0x3e: {  	_ =	shalt  }
0x3f: {  	_ =	shalt  }
0x40: {  	_ =	shalt  }
0x41: {  	_ =	shalt  }
0x42: {  	_ =	shalt  }
0x43: {  	_ =	shalt  }
0x44: {  	_ =	shalt  }
0x45: {  	_ =	shalt  }
0x46: {  	_ =	shalt  }
0x47: {  	_ =	shalt  }
0x48: {  	_ =	shalt  }
0x49: {  	_ =	shalt  }
0x4a: {  	_ =	shalt  }
0x4b: {  	_ =	shalt  }
0x4c: {  	_ =	shalt  }
0x4d: {  	_ =	shalt  }
0x4e: {  	_ =	shalt  }
0x4f: {  	_ =	shalt  }
0x50: {  	_ =	shalt  }
0x51: {  	_ =	shalt  }
0x52: {  	_ =	shalt  }
0x53: {  	_ =	shalt  }
0x54: {  	_ =	shalt  }
0x55: {  	_ =	shalt  }
0x56: {  	_ =	shalt  }
0x57: {  	_ =	shalt  }
0x58: {  	_ =	shalt  }
0x59: {  	_ =	shalt  }
0x5a: {  	_ =	shalt  }
0x5b: {  	_ =	shalt  }
0x5c: {  	_ =	shalt  }
0x5d: {  	_ =	shalt  }
0x5e: {  	_ =	shalt  }
0x5f: {  	_ =	shalt  }
0x60: {  	_ =	shalt  }
0x61: {  	_ =	shalt  }
0x62: {  	_ =	shalt  }
0x63: {  	_ =	shalt  }
0x64: {  	_ =	shalt  }
0x65: {  	_ =	shalt  }
0x66: {  	_ =	shalt  }
0x67: {  	_ =	shalt  }
0x68: {  	_ =	shalt  }
0x69: {  	_ =	shalt  }
0x6a: {  	_ =	shalt  }
0x6b: {  	_ =	shalt  }
0x6c: {  	_ =	shalt  }
0x6d: {  	_ =	shalt  }
0x6e: {  	_ =	shalt  }
0x6f: {  	_ =	shalt  }
0x70: {  	_ =	shalt  }
0x71: {  	_ =	shalt  }
0x72: {  	_ =	shalt  }
0x73: {  	_ =	shalt  }
0x74: {  	_ =	shalt  }
0x75: {  	_ =	shalt  }
0x76: {  	_ =	shalt  }
0x77: {  	_ =	shalt  }
0x78: {  	_ =	shalt  }
0x79: {  	_ =	shalt  }
0x7a: {  	_ =	shalt  }
0x7b: {  	_ =	shalt  }
0x7c: {  	_ =	shalt  }
0x7d: {  	_ =	shalt  }
0x7e: {  	_ =	shalt  }
0x7f: {  	_ =	shalt  }
0x80: {  	_ =	shalt  }
0x81: {  	_ =	shalt  }
0x82: {  	_ =	shalt  }
0x83: {  	_ =	shalt  }
0x84: {  	_ =	shalt  }
0x85: {  	_ =	shalt  }
0x86: {  	_ =	shalt  }
0x87: {  	_ =	shalt  }
.Lfunc_end0:
.L_simem_size_0:
called_computation_lowered:
.L_overlay_start_0:
0x88: {  	s2 =	sld [smem:$0x3FD9]  }
0x89: {  	s3 =	sld [smem:$0x3FFE];
	_ =	sdelay $0x1  }
0x8a: {  	s1 =	srdreg.scid  }
0x8b: {  	s0 =	sand.u32 $0x1, s1  }
0x8c: {  	s17 =	sshll.u32 s0, $0xA;
	s2 =	sadd.s32 s3, s2  }
0x8d: {  	s2 =	sadd.s32 s2, s17  }
0x8e: {  	[smem:$0x3FC2] =	sst s2  }
0x8f: {  	_ = 	snop  }
0x90: {  	s2 =	sld [smem:$0x3FD0];
	(tm) =	ssettm $0x1  }
0x91: {  	s18 =	sld [smem:$0x3FFB];
	_ =	sdelay $0x3  }
0x92: {  	_ =	strace s18  }
0x93: {  	s3 =	sld [smem:$0x3FFC];
	_ =	sdelay $0x3  }
0x94: {  	_ =	strace s3  }
0x95: {  	s3 =	sld [smem:$0x3FFD];
	_ =	sdelay $0x3  }
0x96: {  	_ =	strace s3  }
0x97: {  	_ =	strace $0x8FFFFFFF  }
0x98: {  	s19 =	sld [smem:$0x3FDB];
	_ =	sdelay $0x1  }
0x99: {  	s4 =	simm.s32 $_scs_section_size  }
0x9a: {  	s5 =	simm.s32 $_size__tile_overlayer_lowered;
	s6 =	simm.s32 $_tile_overlayer_lowered  }
0x9b: {  	s22 =	simm.s32 $0x1BFF;
	s21 =	sshll.u32 s6, $0x1;
	s3 =	sadd.s32 s4, s19  }
0x9c: {  	s7 =	simm.s32 $0x0;
	s20 =	sshll.u32 s5, $0x1;
	s5 =	sadd.s32 s21, s3  }
0x9d: {  	[timem:s7], [sflag:s22] =	dma.local [hbm:s5], s20  }
0x9e: {  	_ =	swait.ge [sflag:s22], s20  }
0x9f: {  	s4 =	ssub.s32 $0x0, s20;
	[sflag:s22] =	ssyncset.done $0x0  }
0xa0: {  	[sflag:s22] =	ssyncadd.s32 s4;
	_ =	sdelay $0x1  }
0xa1: {  	s23 =	simm.s32 $0x1B8B  }
0xa2: {  	_ =	swait.ge [sflag:s23], $0x1  }
0xa3: {  	[sflag:s23] =	ssyncset.done $0x0  }
0xa4: {  	s25 =	simm.s32 $0x1B8E;
	s24 =	sld [smem:$0x3FFE];
	[sflag:s23] =	ssyncadd.s32 $0xFFFFFFFF  }
0xa5: {  	s26 =	simm.s32 $execute0_lowered;
	[smem:$0x3FD2] =	sst s25  }
0xa6: {  	s5 =	sshll.u32 s26, $0x1;
	_ =	strace $0x80000046;
	[dreg:$0x1] =	wrdreg $0xFFFFFFFF  }
0xa7: {  	s28 =	simm.s32 $_size_execute0_lowered;
	s3 =	sadd.s32 s3, s5;
	[dreg:$0x0] =	wrdreg $0x0  }
0xa8: {  	s5 =	sshll.u32 s28, $0x1;
	[dreg:$0x2] =	wrdreg s3  }
0xa9: {  	[dreg:$0x3] =	wrdreg s5  }
0xaa: {  	[dreg:$0x4] =	wrdreg $0xC0  }
0xab: {  	_ =	task [dreg:s7], $0x5FFFF  }
0xac: {  	[dreg:$0x1] =	wrdreg $0xFFFFFFFF  }
0xad: {  	[dreg:$0x0] =	wrdreg $0x60  }
0xae: {  	[dreg:$0x2] =	wrdreg s24  }
0xaf: {  	[dreg:$0x3] =	wrdreg s2  }
0xb0: {  	[dreg:$0x4] =	wrdreg $0x9  }
0xb1: {  	_ =	task.clear_ibuf [dreg:s7], $0x5FFFF;
	_ =	strace $0x90000046  }
0xb2: {  	s29 =	simm.s32 $0x9;
	_ =	strace $0x80000048  }
0xb3: {  	_ =	swait.ge [sflag:s29], $0x1  }
0xb4: {  	[sflag:s29] =	ssyncadd.s32 $0xFFFFFFFF  }
0xb5: {  	_ =	strace $0x90000048  }
0xb6: {  	_ =	sfence  }
0xb7: {  	s30 =	sld [smem:$0x0];
	_ =	sdelay $0x2  }
0xb8: {  	s31 =	sshll.u32 s1, $0xD;
	s1 =	sshrl.u32 s1, $0x2  }
0xb9: {  	s3 =	sand.u32 $0x4000, s31;
	s1 =	sadd.s32 s1, s30  }
0xba: {  	s0 =	sor.u32 s3, s0;
	s1 =	sshll.u32 s1, $0x11  }
0xbb: {  	s0 =	sor.u32 s1, s0  }
0xbc: {  	s0 =	sadd.s32 $0x8F2B, s0  }
0xbd: {  	[sflag:s0] =	ssyncadd.remote.s32 $0x1  }
0xbe: {  	_ =	sfence.sel $0xFFFF  }
0xbf: {  	[dreg:$0x0] =	wrdreg $0xFFFFFFFF;
	(pc) =	sbr.abs _section_cstart, $3  }
0xc0: {  	[dreg:$0x1] =	wrdreg $0xFFFFFFFF  }
0xc1: {  	_ =	task.clear_ibuf [dreg:s7], $0x2FFFF;
	_ =	strace $0x9FFFFFFF  }
0xc2: {  	(tm) =	ssettm $0x7FFFFFFF  }
0xc3: {  	_ =	shalt  }
tec
execute0_lowered:
.L_overlay_start_1:
0x0: {  	(tag) =	ssettag $0x1  }
0x1: {  	s1 =	srdreg.scid;
	s3 =	rddreg [dreg:$0x0]  }
0x2: {  	s0 =	stileid.u32;
	s5 =	rddreg [dreg:$0x1]  }
0x3: {  	s2 =	simm.s32 $0x0;
	s4 =	sand.u32 $0x1, s1;
	s31 =	sshll.u32 s0, $0x1  }
0x4: {  	s10 =	simm.s32 $0x1;
	s11 =	simm.s32 $0x800;
	s6 =	sor.u32 s4, s31  }
0x5: {  	s1 =	rddreg [dreg:$0x2];
	s4 =	ssub.s32 $0x2, s4;
	s7 =	smul.u32 $0x2710, s6  }
0x6: {  	s12 =	simm.s32 $0x0;
	[smem:$0x7FF] =	sst s2;
	s8 =	sshrl.u32 s4, $0x1  }
0x7: {  	s6 =	smul.u32 $0x4F0, s6;
	s4 =	ssub.s32 s4, s8;
	s7 =	sshrl.u32 s7, $0x3  }
0x8: {  	_ =	strace $0x80000047;
	s4 =	smax.u32 s4, $0x1;
	s9 =	sadd.s32 s7, s3  }
0x9: {  	s3 =	sadd.s32 s5, s6;
	s5 =	sadd.s32 $0xC400, s9;
	s6 =	sadd.s32 $0xC4FA, s9  }
0xa: {  	v0 =	vimm.f32 $0.0e+00;
	v1 =	vimm.f32 $1.000000000e+00;
	s7 =	sadd.s32 $0xC5F4, s9;
	s8 =	sadd.s32 $0xC6EE, s9;
	s9 =	sadd.s32 $0xC7E8, s9  }
.LBB2_1:
0xb: {  	s13 =	simm.s32 $0x40;
	s14 =	simm.s32 $0x0  }
.LBB2_2:
0xc: {  	p0 =	sne.s32 s13, $0x9C00;
	[tilespmem:s14+$0x800] =	vst v0;
	s14 =	smov.u32 s13;
	s13 =	sadd.s32 $0x40, s13  }
.Ltmp0:
0xd: {  	(pc) =	sbr.rel @p0 .LBB2_2-.Ltmp0, $2  }
0xe: {  	_ =	sdelay $0x2  }
0xf: {  	s14 =	sshra.s32 s14, $0x2  }
0x10: {  	[tilespmem:s14+$0x800] =	vst v0;
	s13 =	simm.s32 $0x0  }
0x11: {  	[tilespmem:s13], [sflag:$0x1] =	stream.linear.gather [hbm4b:s5+s13], $0x7D0, $0x38;
	[tilespmem:$0x2F80] =	vst v63  }
0x12: {  	_ =	swait.ge [sflag:s10], $0x7D0  }
0x13: {  	[sflag:s10] =	ssyncset.done $0x0  }
0x14: {  	s14 =	simm.s32 $0x0;
	s13 =	simm.s32 $0x40;
	[sflag:s10] =	ssyncadd.s32 $0xFFFFF830  }
.LBB2_4:
0x15: {  	p0 =	sne.s32 s13, $0x1F00;
	v2 =	vld [tilespmem:s14+$0x0];
	_ =	sdelay $0x3  }
.Ltmp1:
0x16: {  	(pc) =	sbr.rel @p0 .LBB2_4-.Ltmp1, $2  }
0x17: {  	_ =	sdelay $0x2  }
0x18: {  	s14 =	sshra.s32 s13, $0x2;
	s13 =	sadd.s32 $0x40, s13;
	[tilespmem:v2+s11+$0x0] =	vst.idx.add.f32.msk $0xffff, v1  }
0x19: {  	v2 =	vld [tilespmem:s14+$0x0];
	_ =	sdelay $0x7  }
0x1a: {  	s13 =	simm.s32 $0x0;
	[tilespmem:v2+s11+$0x0] =	vst.idx.add.f32.msk $0xffff, v1  }
0x1b: {  	[tilespmem:s13], [sflag:$0x1] =	stream.linear.gather [hbm4b:s6+s13], $0x7D0, $0x38;
	[tilespmem:$0x2F80] =	vst v63  }
0x1c: {  	_ =	swait.ge [sflag:s10], $0x7D0  }
0x1d: {  	[sflag:s10] =	ssyncset.done $0x0  }
0x1e: {  	s14 =	simm.s32 $0x0;
	s13 =	simm.s32 $0x40;
	[sflag:s10] =	ssyncadd.s32 $0xFFFFF830  }
.LBB2_6:
0x1f: {  	p0 =	sne.s32 s13, $0x1F00;
	v2 =	vld [tilespmem:s14+$0x0];
	_ =	sdelay $0x3  }
.Ltmp2:
0x20: {  	(pc) =	sbr.rel @p0 .LBB2_6-.Ltmp2, $2  }
0x21: {  	_ =	sdelay $0x2  }
0x22: {  	s14 =	sshra.s32 s13, $0x2;
	s13 =	sadd.s32 $0x40, s13;
	[tilespmem:v2+s11+$0x0] =	vst.idx.add.f32.msk $0xffff, v1  }
0x23: {  	v2 =	vld [tilespmem:s14+$0x0];
	_ =	sdelay $0x7  }
0x24: {  	s13 =	simm.s32 $0x0;
	[tilespmem:v2+s11+$0x0] =	vst.idx.add.f32.msk $0xffff, v1  }
0x25: {  	[tilespmem:s13], [sflag:$0x1] =	stream.linear.gather [hbm4b:s7+s13], $0x7D0, $0x38;
	[tilespmem:$0x2F80] =	vst v63  }
0x26: {  	_ =	swait.ge [sflag:s10], $0x7D0  }
0x27: {  	[sflag:s10] =	ssyncset.done $0x0  }
0x28: {  	s14 =	simm.s32 $0x0;
	s13 =	simm.s32 $0x40;
	[sflag:s10] =	ssyncadd.s32 $0xFFFFF830  }
.LBB2_8:
0x29: {  	p0 =	sne.s32 s13, $0x1F00;
	v2 =	vld [tilespmem:s14+$0x0];
	_ =	sdelay $0x3  }
.Ltmp3:
0x2a: {  	(pc) =	sbr.rel @p0 .LBB2_8-.Ltmp3, $2  }
0x2b: {  	_ =	sdelay $0x2  }
0x2c: {  	s14 =	sshra.s32 s13, $0x2;
	s13 =	sadd.s32 $0x40, s13;
	[tilespmem:v2+s11+$0x0] =	vst.idx.add.f32.msk $0xffff, v1  }
0x2d: {  	v2 =	vld [tilespmem:s14+$0x0];
	_ =	sdelay $0x7  }
0x2e: {  	s13 =	simm.s32 $0x0;
	[tilespmem:v2+s11+$0x0] =	vst.idx.add.f32.msk $0xffff, v1  }
0x2f: {  	[tilespmem:s13], [sflag:$0x1] =	stream.linear.gather [hbm4b:s8+s13], $0x7D0, $0x38;
	[tilespmem:$0x2F80] =	vst v63  }
0x30: {  	_ =	swait.ge [sflag:s10], $0x7D0  }
0x31: {  	[sflag:s10] =	ssyncset.done $0x0  }
0x32: {  	s14 =	simm.s32 $0x0;
	s13 =	simm.s32 $0x40;
	[sflag:s10] =	ssyncadd.s32 $0xFFFFF830  }
.LBB2_10:
0x33: {  	p0 =	sne.s32 s13, $0x1F00;
	v2 =	vld [tilespmem:s14+$0x0];
	_ =	sdelay $0x3  }
.Ltmp4:
0x34: {  	(pc) =	sbr.rel @p0 .LBB2_10-.Ltmp4, $2  }
0x35: {  	_ =	sdelay $0x2  }
0x36: {  	s14 =	sshra.s32 s13, $0x2;
	s13 =	sadd.s32 $0x40, s13;
	[tilespmem:v2+s11+$0x0] =	vst.idx.add.f32.msk $0xffff, v1  }
0x37: {  	v2 =	vld [tilespmem:s14+$0x0];
	_ =	sdelay $0x7  }
0x38: {  	s13 =	simm.s32 $0x0;
	[tilespmem:v2+s11+$0x0] =	vst.idx.add.f32.msk $0xffff, v1  }
0x39: {  	[tilespmem:s13], [sflag:$0x1] =	stream.linear.gather [hbm4b:s9+s13], $0x7D0, $0x38;
	[tilespmem:$0x2F80] =	vst v63  }
0x3a: {  	_ =	swait.ge [sflag:s10], $0x7D0  }
0x3b: {  	[sflag:s10] =	ssyncset.done $0x0  }
0x3c: {  	s14 =	simm.s32 $0x0;
	s13 =	simm.s32 $0x40;
	[sflag:s10] =	ssyncadd.s32 $0xFFFFF830  }
.LBB2_12:
0x3d: {  	p0 =	sne.s32 s13, $0x1F00;
	v2 =	vld [tilespmem:s14+$0x0];
	_ =	sdelay $0x3  }
.Ltmp5:
0x3e: {  	(pc) =	sbr.rel @p0 .LBB2_12-.Ltmp5, $2  }
0x3f: {  	_ =	sdelay $0x2  }
0x40: {  	s14 =	sshra.s32 s13, $0x2;
	s13 =	sadd.s32 $0x40, s13;
	[tilespmem:v2+s11+$0x0] =	vst.idx.add.f32.msk $0xffff, v1  }
0x41: {  	v2 =	vld [tilespmem:s14+$0x0];
	_ =	sdelay $0x5  }
0x42: {  	s12 =	sadd.s32 $0x1, s12  }
0x43: {  	p0 =	sne.s32 s12, s4  }
.Ltmp6:
0x44: {  	[tilespmem:v2+s11+$0x0] =	vst.idx.add.f32.msk $0xffff, v1;
	(pc) =	sbr.rel @p0 .LBB2_1-.Ltmp6, $4  }
0x45: {  	[hbm4b:s3+s2] =	stream.linear.scatter [tilespmem:s11], [sflag:$0x1], $0x2780, $0x38;
	[tilespmem:$0x2F80] =	vst v63  }
0x46: {  	_ =	swait.ge [sflag:s10], $0x2780  }
0x47: {  	[sflag:s10] =	ssyncset.done $0x0  }
0x48: {  	[sflag:s10] =	ssyncadd.s32 $0xFFFFD880  }
0x49: {  	_ =	sfence.sel $0x180000  }
0x4a: {  	[bflag:$0x0] =	sbarrier.arrive $0xFFFF  }
0x4b: {  	p0 =	sne.s32 s0, $0x0;
	_ =	strace $0x90000047  }
0x4c: {  	s0 =	sadd.s32 @!p0 $0x100000, s1;
	[bflag:$0x2] =	sbarrier.arrive $0xFFFF  }
0x4d: {  	[sflag:s0] =	ssyncadd.tile.s32 @!p0 $0x1;
	_ =	shalt  }
.Lfunc_end2:
_tile_overlayer_lowered:
.L_overlay_start_2:
0x4e: {  	(tag) =	ssettag $0x2  }
0x4f: {  	s0 =	rddreg [dreg:$0x0];
	s2 =	stileid.u32  }
0x50: {  	s1 =	rddreg [dreg:$0x1];
	p0 =	sne.s32 s2, $0x0  }
0x51: {  	s3 =	rddreg [dreg:$0x2];
	[bflag:$0x3] =	sbarrier.arrive $0xFFFF;
	s2 =	simm.s32 @!p0 $0x1C01  }
0x52: {  	[timem:s3], [sflag:s2] =	dma.local @!p0 [hbm:s0], s1  }
0x53: {  	s0 =	simm.s32 @!p0 $0x1  }
0x54: {  	_ =	swait.ge @!p0 [sflag:s0], s1  }
0x55: {  	s1 =	ssub.s32 @!p0 $0x0, s1;
	[sflag:s0] =	ssyncset.done @!p0 $0x0  }
0x56: {  	[sflag:s0] =	ssyncadd.s32 @!p0 s1  }
0x57: {  	[bflag:$0x3] =	sbarrier.arrive $0xFFFF  }
0x58: {  	_ =	shalt  }

</sc_bundles>
